<compile_context>
chip_gen: v7x
topology: tpu7x:2x2x1
jax: 0.10.2.dev20260603
libtpu: 0.0.44.dev20260713+nightly
codegen_flags: <defaults>
</compile_context>

<pallas_src>
import functools

import jax
import jax.numpy as jnp
from jax import lax
from jax.experimental import pallas as pl
from jax.experimental.pallas import tpu as pltpu
from jax.experimental.pallas import tpu_sc as plsc

B = 4096
L = 200
LP = 208
LC = LP // 2
D = 128
NLANE = 16
ND = D // NLANE

_info = plsc.get_sparse_core_info()
NC, NS = _info.num_cores, _info.num_subcores
NW = NC * NS
BPW = B // NW


def _bcast_lane(vec, t):
  return lax.gather(
      vec,
      jnp.full((NLANE, 1), t, jnp.int32),
      lax.GatherDimensionNumbers(
          offset_dims=(), collapsed_slice_dims=(0,), start_index_map=(0,)),
      (1,),
      mode=lax.GatherScatterMode.PROMISE_IN_BOUNDS)


def _make_bag():
  mesh = plsc.VectorSubcoreMesh(core_axis_name="c", subcore_axis_name="s")

  @functools.partial(
      pl.kernel,
      mesh=mesh,
      out_type=jax.ShapeDtypeStruct((B, D), jnp.float32),
      scratch_types=[
          pltpu.VMEM((BPW, 2, LC), jnp.int32),
          pltpu.VMEM((BPW, LP), jnp.float32),
          pltpu.VMEM((LP, D), jnp.float32),
          pltpu.VMEM((LP, D), jnp.float32),
          pltpu.VMEM((2, D), jnp.float32),
          pltpu.SemaphoreType.DMA,
          pltpu.SemaphoreType.DMA,
          pltpu.SemaphoreType.DMA,
      ],
  )
  def bag(idx_hbm, w_hbm, table_hbm, out_hbm, idx_v, w_v, rows0, rows1,
          oring, sem0, sem1, semo):
    wid = lax.axis_index("s") * NC + lax.axis_index("c")
    base = wid * BPW

    pltpu.sync_copy(idx_hbm.at[pl.ds(base, BPW)], idx_v)
    pltpu.sync_copy(w_hbm.at[pl.ds(base, BPW)], w_v)

    def fire(row, buf, sem):
      pltpu.async_copy(table_hbm.at[idx_v.at[row, 0]],
                       buf.at[pl.ds(0, LC)], sem)
      pltpu.async_copy(table_hbm.at[idx_v.at[row, 1]],
                       buf.at[pl.ds(LC, LC)], sem)

    def drain(buf, sem):
      pltpu.make_async_copy(table_hbm.at[pl.ds(0, LC)],
                            buf.at[pl.ds(0, LC)], sem).wait()
      pltpu.make_async_copy(table_hbm.at[pl.ds(0, LC)],
                            buf.at[pl.ds(LC, LC)], sem).wait()

    def compute(row, buf, par):
      def chunk_body(j, acc):
        w_chunk = w_v[row, pl.ds(j * NLANE, NLANE)]
        for t in range(NLANE):
          l = j * NLANE + t
          wb = _bcast_lane(w_chunk, t)
          acc = tuple(acc[k] + wb * buf[l, pl.ds(k * NLANE, NLANE)]
                      for k in range(ND))
        return acc

      acc0 = tuple(jnp.zeros((NLANE,), jnp.float32) for _ in range(ND))
      acc = lax.fori_loop(0, LP // NLANE, chunk_body, acc0)
      for k in range(ND):
        oring[par, pl.ds(k * NLANE, NLANE)] = acc[k]
      pltpu.async_copy(oring.at[par], out_hbm.at[base + row], semo)

    def drain_out():
      pltpu.make_async_copy(out_hbm.at[base], oring.at[0], semo).wait()
      pltpu.make_async_copy(out_hbm.at[base], oring.at[1], semo).wait()

    fire(0, rows0, sem0)

    def pair_body(p, carry):
      r = 2 * p
      fire(r + 1, rows1, sem1)
      drain(rows0, sem0)

      @pl.when(p > 0)
      def _():
        drain_out()

      compute(r, rows0, 0)

      @pl.when(p < BPW // 2 - 1)
      def _():
        fire(r + 2, rows0, sem0)

      drain(rows1, sem1)
      compute(r + 1, rows1, 1)
      return carry

    lax.fori_loop(0, BPW // 2, pair_body, 0)
    drain_out()

  return bag


_bag = _make_bag()


def kernel(hashes, per_sample_weights, table):
  idx = hashes.astype(jnp.int32)
  idx = jnp.pad(idx, ((0, 0), (0, LP - L))).reshape(B, 2, LC)
  w = jnp.pad(per_sample_weights, ((0, 0), (0, LP - L)))
  return _bag(idx, w, table)

# --- scband reference (transcript-rebuilt; emitter-appended) ---
"""Pipeline reference for scband-embedding-bag-75333726371857 (READ-ONLY COPY).

The authoritative reference and input builder live on the scoring server;
editing this copy changes nothing except your own understanding.
"""

import jax, jax.numpy as jnp
import numpy as np

PADDING_IDX = 0
NUM_EMBEDDINGS = 100000
EMBEDDING_DIM = 128
BATCH = 4096
HIST_LEN = 200

def setup_inputs(seed: int = 0) -> dict:
    key = jax.random.key(seed)
    k1, k2, k3 = jax.random.split(key, 3)
    hashes = jax.random.randint(k1, (BATCH, HIST_LEN), 0, NUM_EMBEDDINGS, dtype=jnp.int64)
    per_sample_weights = jax.random.uniform(k2, (BATCH, HIST_LEN), dtype=jnp.float32)
    table = jax.random.normal(k3, (NUM_EMBEDDINGS, EMBEDDING_DIM), dtype=jnp.float32)
    # padding row is conventionally zero in torch when padding_idx is set
    table = table.at[PADDING_IDX].set(0.0)
    return {"hashes": hashes, "per_sample_weights": per_sample_weights, "table": table}

def reference(hashes, per_sample_weights, table):
    # torch.nn.EmbeddingBag(mode='sum', padding_idx=PADDING_IDX, sparse=True):
    # gather rows, apply per-sample weights, exclude padding_idx entries, sum over bag dim.
    emb = jnp.take(table, hashes, axis=0)              # [B, L, D]
    mask = (hashes != PADDING_IDX).astype(emb.dtype)   # [B, L]
    w = per_sample_weights * mask                      # [B, L]
    out = jnp.sum(emb * w[..., None], axis=1)          # [B, D]
    return out

if __name__ == "__main__":
    import jax
    _d = setup_inputs()
    print(jax.jit(kernel)(*tuple(_d.values())))

</pallas_src>

<mosaic_0001>
#map = affine_map<(d0, d1) -> (0, 0, 0)>
#map1 = affine_map<(d0, d1) -> (0, 0)>
module attributes {stable_mosaic.version = 14 : i64} {
  func.func @bag(%arg0: i32, %arg1: i32, %arg2: memref<4096x2x104xi32, #tpu.memory_space<hbm>>, %arg3: memref<4096x208xf32, #tpu.memory_space<hbm>>, %arg4: memref<100000x128xf32, #tpu.memory_space<hbm>>, %arg5: memref<4096x128xf32, #tpu.memory_space<hbm>>, %arg6: memref<128x2x104xi32, #tpu.memory_space<vmem>>, %arg7: memref<128x208xf32, #tpu.memory_space<vmem>>, %arg8: memref<208x128xf32, #tpu.memory_space<vmem>>, %arg9: memref<208x128xf32, #tpu.memory_space<vmem>>, %arg10: memref<2x128xf32, #tpu.memory_space<vmem>>, %arg11: memref<!tpu.dma_semaphore, #tpu.memory_space<semaphore_mem>>, %arg12: memref<!tpu.dma_semaphore, #tpu.memory_space<semaphore_mem>>, %arg13: memref<!tpu.dma_semaphore, #tpu.memory_space<semaphore_mem>>) attributes {dimension_semantics = [#tpu.dimension_semantics<core_parallel>, #tpu.dimension_semantics<subcore_parallel>], iteration_bounds = array<i64: 2, 16>, scalar_prefetch = 0 : i64, scratch_operands = 8 : i64, tpu.core_type = #tpu.core_type<sc_vector_subcore>, window_params = [{transform_indices = #map}, {transform_indices = #map1}, {transform_indices = #map1}, {transform_indices = #map1}]} {
    %mul3A = arith.constant 2 : i32
    %mul3A_0 = arith.muli %arg1, %mul3A : i32
    %add3A = arith.addi %mul3A_0, %arg0 : i32
    %mul3A_1 = arith.constant 128 : i32
    %mul3A_2 = arith.muli %add3A, %mul3A_1 : i32
    "tpu.region"() ({
      %run_scoped3A = tpu.sem_alloc : memref<!tpu.dma_semaphore, #tpu.memory_space<semaphore_mem>>
      %dma_start3A_54 = arith.constant 0 : i32
      %dma_start3A_55 = arith.constant 0 : i32
      %dma_start3A_56 = tpu.memref_slice %arg2[%mul3A_2, %dma_start3A_54, %dma_start3A_55] : memref<4096x2x104xi32, #tpu.memory_space<hbm>> -> memref<128x2x104xi32, #tpu.memory_space<hbm>>
      %dma_start3A_57 = arith.constant 0 : i32
      %dma_start3A_58 = arith.constant 0 : i32
      %dma_start3A_59 = tpu.memref_slice %arg2[%mul3A_2, %dma_start3A_57, %dma_start3A_58] : memref<4096x2x104xi32, #tpu.memory_space<hbm>> -> memref<128x2x104xi32, #tpu.memory_space<hbm>>
      tpu.enqueue_dma source(%dma_start3A_59 : memref<128x2x104xi32, #tpu.memory_space<hbm>>) target(%arg6 : memref<128x2x104xi32, #tpu.memory_space<vmem>>) target_semaphore(%run_scoped3A : memref<!tpu.dma_semaphore, #tpu.memory_space<semaphore_mem>>)
      %dma_wait3A_60 = arith.constant 0 : i32
      %dma_wait3A_61 = arith.constant 0 : i32
      %dma_wait3A_62 = tpu.memref_slice %arg2[%mul3A_2, %dma_wait3A_60, %dma_wait3A_61] : memref<4096x2x104xi32, #tpu.memory_space<hbm>> -> memref<128x2x104xi32, #tpu.memory_space<hbm>>
      %dma_wait3A_63 = arith.constant 0 : i32
      %dma_wait3A_64 = arith.constant 0 : i32
      %dma_wait3A_65 = tpu.memref_slice %arg2[%mul3A_2, %dma_wait3A_63, %dma_wait3A_64] : memref<4096x2x104xi32, #tpu.memory_space<hbm>> -> memref<128x2x104xi32, #tpu.memory_space<hbm>>
      tpu.wait_dma2 semaphore(%run_scoped3A : memref<!tpu.dma_semaphore, #tpu.memory_space<semaphore_mem>>) src(%dma_wait3A_65 : memref<128x2x104xi32, #tpu.memory_space<hbm>>) dst(%arg6 : memref<128x2x104xi32, #tpu.memory_space<vmem>>)
      tpu.yield
    }) : () -> ()
    "tpu.region"() ({
      %run_scoped3A = tpu.sem_alloc : memref<!tpu.dma_semaphore, #tpu.memory_space<semaphore_mem>>
      %dma_start3A_54 = arith.constant 0 : i32
      %dma_start3A_55 = tpu.memref_slice %arg3[%mul3A_2, %dma_start3A_54] : memref<4096x208xf32, #tpu.memory_space<hbm>> -> memref<128x208xf32, #tpu.memory_space<hbm>>
      %dma_start3A_56 = arith.constant 0 : i32
      %dma_start3A_57 = tpu.memref_slice %arg3[%mul3A_2, %dma_start3A_56] : memref<4096x208xf32, #tpu.memory_space<hbm>> -> memref<128x208xf32, #tpu.memory_space<hbm>>
      tpu.enqueue_dma source(%dma_start3A_57 : memref<128x208xf32, #tpu.memory_space<hbm>>) target(%arg7 : memref<128x208xf32, #tpu.memory_space<vmem>>) target_semaphore(%run_scoped3A : memref<!tpu.dma_semaphore, #tpu.memory_space<semaphore_mem>>)
      %dma_wait3A_58 = arith.constant 0 : i32
      %dma_wait3A_59 = tpu.memref_slice %arg3[%mul3A_2, %dma_wait3A_58] : memref<4096x208xf32, #tpu.memory_space<hbm>> -> memref<128x208xf32, #tpu.memory_space<hbm>>
      %dma_wait3A_60 = arith.constant 0 : i32
      %dma_wait3A_61 = tpu.memref_slice %arg3[%mul3A_2, %dma_wait3A_60] : memref<4096x208xf32, #tpu.memory_space<hbm>> -> memref<128x208xf32, #tpu.memory_space<hbm>>
      tpu.wait_dma2 semaphore(%run_scoped3A : memref<!tpu.dma_semaphore, #tpu.memory_space<semaphore_mem>>) src(%dma_wait3A_61 : memref<128x208xf32, #tpu.memory_space<hbm>>) dst(%arg7 : memref<128x208xf32, #tpu.memory_space<vmem>>)
      tpu.yield
    }) : () -> ()
    %dma_start3A = arith.constant 0 : i32
    %dma_start3A_3 = arith.constant 0 : i32
    %dma_start3A_4 = arith.constant 0 : i32
    %dma_start3A_5 = arith.constant 0 : i32
    %dma_start3A_6 = tpu.memref_slice %arg8[%dma_start3A_4, %dma_start3A_5] : memref<208x128xf32, #tpu.memory_space<vmem>> -> memref<104x128xf32, #tpu.memory_space<vmem>>
    %dma_start3A_7 = arith.constant 0 : i32
    %dma_start3A_8 = tpu.memref_slice %arg6[%dma_start3A, %dma_start3A_3, %dma_start3A_7] : memref<128x2x104xi32, #tpu.memory_space<vmem>> -> memref<1x1x104xi32, #tpu.memory_space<vmem>>
    %dma_start3A_9 = tpu.memref_squeeze %dma_start3A_8 : memref<1x1x104xi32, #tpu.memory_space<vmem>> -> memref<104xi32, #tpu.memory_space<vmem>>
    %dma_start3A_10 = arith.constant 0 : i32
    %dma_start3A_11 = arith.constant 0 : i32
    %dma_start3A_12 = tpu.memref_slice %arg4[%dma_start3A_10, %dma_start3A_11] : memref<100000x128xf32, #tpu.memory_space<hbm>> -> memref<100000x128xf32, #tpu.memory_space<hbm>>
    tpu.enqueue_indirect_dma source(%dma_start3A_12 : memref<100000x128xf32, #tpu.memory_space<hbm>>) target(%dma_start3A_6 : memref<104x128xf32, #tpu.memory_space<vmem>>) offsets(%dma_start3A_9 : memref<104xi32, #tpu.memory_space<vmem>>) semaphore(%arg11 : memref<!tpu.dma_semaphore, #tpu.memory_space<semaphore_mem>>)
    %dma_start3A_13 = arith.constant 0 : i32
    %dma_start3A_14 = arith.constant 1 : i32
    %dma_start3A_15 = arith.constant 104 : i32
    %dma_start3A_16 = arith.constant 0 : i32
    %dma_start3A_17 = tpu.memref_slice %arg8[%dma_start3A_15, %dma_start3A_16] : memref<208x128xf32, #tpu.memory_space<vmem>> -> memref<104x128xf32, #tpu.memory_space<vmem>>
    %dma_start3A_18 = arith.constant 0 : i32
    %dma_start3A_19 = tpu.memref_slice %arg6[%dma_start3A_13, %dma_start3A_14, %dma_start3A_18] : memref<128x2x104xi32, #tpu.memory_space<vmem>> -> memref<1x1x104xi32, #tpu.memory_space<vmem>>
    %dma_start3A_20 = tpu.memref_squeeze %dma_start3A_19 : memref<1x1x104xi32, #tpu.memory_space<vmem>> -> memref<104xi32, #tpu.memory_space<vmem>>
    %dma_start3A_21 = arith.constant 0 : i32
    %dma_start3A_22 = arith.constant 0 : i32
    %dma_start3A_23 = tpu.memref_slice %arg4[%dma_start3A_21, %dma_start3A_22] : memref<100000x128xf32, #tpu.memory_space<hbm>> -> memref<100000x128xf32, #tpu.memory_space<hbm>>
    tpu.enqueue_indirect_dma source(%dma_start3A_23 : memref<100000x128xf32, #tpu.memory_space<hbm>>) target(%dma_start3A_17 : memref<104x128xf32, #tpu.memory_space<vmem>>) offsets(%dma_start3A_20 : memref<104xi32, #tpu.memory_space<vmem>>) semaphore(%arg11 : memref<!tpu.dma_semaphore, #tpu.memory_space<semaphore_mem>>)
    %scan3A = arith.constant 0 : i32
    %scan3A_24 = arith.constant 0 : i32
    %scan3A_25 = arith.constant 64 : i32
    %scan3A_26 = arith.addi %scan3A_24, %scan3A_25 : i32
    %scan3A_27 = arith.constant 1 : i32
    scf.for %scan3A_54 = %scan3A_24 to %scan3A_26 step %scan3A_27  : i32 {
      %mul3A_55 = arith.constant 2 : i32
      %mul3A_56 = arith.muli %mul3A_55, %scan3A_54 : i32
      %add3A_57 = arith.constant 1 : i32
      %add3A_58 = arith.addi %mul3A_56, %add3A_57 : i32
      %dma_start3A_59 = arith.constant 0 : i32
      %dma_start3A_60 = arith.constant 0 : i32
      %dma_start3A_61 = arith.constant 0 : i32
      %dma_start3A_62 = tpu.memref_slice %arg9[%dma_start3A_60, %dma_start3A_61] : memref<208x128xf32, #tpu.memory_space<vmem>> -> memref<104x128xf32, #tpu.memory_space<vmem>>
      %dma_start3A_63 = arith.constant 0 : i32
      %dma_start3A_64 = tpu.memref_slice %arg6[%add3A_58, %dma_start3A_59, %dma_start3A_63] : memref<128x2x104xi32, #tpu.memory_space<vmem>> -> memref<1x1x104xi32, #tpu.memory_space<vmem>>
      %dma_start3A_65 = tpu.memref_squeeze %dma_start3A_64 : memref<1x1x104xi32, #tpu.memory_space<vmem>> -> memref<104xi32, #tpu.memory_space<vmem>>
      %dma_start3A_66 = arith.constant 0 : i32
      %dma_start3A_67 = arith.constant 0 : i32
      %dma_start3A_68 = tpu.memref_slice %arg4[%dma_start3A_66, %dma_start3A_67] : memref<100000x128xf32, #tpu.memory_space<hbm>> -> memref<100000x128xf32, #tpu.memory_space<hbm>>
      tpu.enqueue_indirect_dma source(%dma_start3A_68 : memref<100000x128xf32, #tpu.memory_space<hbm>>) target(%dma_start3A_62 : memref<104x128xf32, #tpu.memory_space<vmem>>) offsets(%dma_start3A_65 : memref<104xi32, #tpu.memory_space<vmem>>) semaphore(%arg12 : memref<!tpu.dma_semaphore, #tpu.memory_space<semaphore_mem>>)
      %dma_start3A_69 = arith.constant 1 : i32
      %dma_start3A_70 = arith.constant 104 : i32
      %dma_start3A_71 = arith.constant 0 : i32
      %dma_start3A_72 = tpu.memref_slice %arg9[%dma_start3A_70, %dma_start3A_71] : memref<208x128xf32, #tpu.memory_space<vmem>> -> memref<104x128xf32, #tpu.memory_space<vmem>>
      %dma_start3A_73 = arith.constant 0 : i32
      %dma_start3A_74 = tpu.memref_slice %arg6[%add3A_58, %dma_start3A_69, %dma_start3A_73] : memref<128x2x104xi32, #tpu.memory_space<vmem>> -> memref<1x1x104xi32, #tpu.memory_space<vmem>>
      %dma_start3A_75 = tpu.memref_squeeze %dma_start3A_74 : memref<1x1x104xi32, #tpu.memory_space<vmem>> -> memref<104xi32, #tpu.memory_space<vmem>>
      %dma_start3A_76 = arith.constant 0 : i32
      %dma_start3A_77 = arith.constant 0 : i32
      %dma_start3A_78 = tpu.memref_slice %arg4[%dma_start3A_76, %dma_start3A_77] : memref<100000x128xf32, #tpu.memory_space<hbm>> -> memref<100000x128xf32, #tpu.memory_space<hbm>>
      tpu.enqueue_indirect_dma source(%dma_start3A_78 : memref<100000x128xf32, #tpu.memory_space<hbm>>) target(%dma_start3A_72 : memref<104x128xf32, #tpu.memory_space<vmem>>) offsets(%dma_start3A_75 : memref<104xi32, #tpu.memory_space<vmem>>) semaphore(%arg12 : memref<!tpu.dma_semaphore, #tpu.memory_space<semaphore_mem>>)
      %dma_wait3A_79 = arith.constant 0 : i32
      %dma_wait3A_80 = arith.constant 0 : i32
      %dma_wait3A_81 = tpu.memref_slice %arg8[%dma_wait3A_79, %dma_wait3A_80] : memref<208x128xf32, #tpu.memory_space<vmem>> -> memref<104x128xf32, #tpu.memory_space<vmem>>
      %dma_wait3A_82 = arith.constant 0 : i32
      %dma_wait3A_83 = arith.constant 0 : i32
      %dma_wait3A_84 = tpu.memref_slice %arg4[%dma_wait3A_82, %dma_wait3A_83] : memref<100000x128xf32, #tpu.memory_space<hbm>> -> memref<104x128xf32, #tpu.memory_space<hbm>>
      %dma_wait3A_85 = arith.constant 0 : i32
      %dma_wait3A_86 = arith.constant 0 : i32
      %dma_wait3A_87 = tpu.memref_slice %arg8[%dma_wait3A_85, %dma_wait3A_86] : memref<208x128xf32, #tpu.memory_space<vmem>> -> memref<104x128xf32, #tpu.memory_space<vmem>>
      %dma_wait3A_88 = arith.constant 0 : i32
      %dma_wait3A_89 = arith.constant 0 : i32
      %dma_wait3A_90 = tpu.memref_slice %arg4[%dma_wait3A_88, %dma_wait3A_89] : memref<100000x128xf32, #tpu.memory_space<hbm>> -> memref<104x128xf32, #tpu.memory_space<hbm>>
      tpu.wait_dma2 semaphore(%arg11 : memref<!tpu.dma_semaphore, #tpu.memory_space<semaphore_mem>>) src(%dma_wait3A_90 : memref<104x128xf32, #tpu.memory_space<hbm>>) dst(%dma_wait3A_87 : memref<104x128xf32, #tpu.memory_space<vmem>>)
      %dma_wait3A_91 = arith.constant 104 : i32
      %dma_wait3A_92 = arith.constant 0 : i32
      %dma_wait3A_93 = tpu.memref_slice %arg8[%dma_wait3A_91, %dma_wait3A_92] : memref<208x128xf32, #tpu.memory_space<vmem>> -> memref<104x128xf32, #tpu.memory_space<vmem>>
      %dma_wait3A_94 = arith.constant 0 : i32
      %dma_wait3A_95 = arith.constant 0 : i32
      %dma_wait3A_96 = tpu.memref_slice %arg4[%dma_wait3A_94, %dma_wait3A_95] : memref<100000x128xf32, #tpu.memory_space<hbm>> -> memref<104x128xf32, #tpu.memory_space<hbm>>
      %dma_wait3A_97 = arith.constant 104 : i32
      %dma_wait3A_98 = arith.constant 0 : i32
      %dma_wait3A_99 = tpu.memref_slice %arg8[%dma_wait3A_97, %dma_wait3A_98] : memref<208x128xf32, #tpu.memory_space<vmem>> -> memref<104x128xf32, #tpu.memory_space<vmem>>
      %dma_wait3A_100 = arith.constant 0 : i32
      %dma_wait3A_101 = arith.constant 0 : i32
      %dma_wait3A_102 = tpu.memref_slice %arg4[%dma_wait3A_100, %dma_wait3A_101] : memref<100000x128xf32, #tpu.memory_space<hbm>> -> memref<104x128xf32, #tpu.memory_space<hbm>>
      tpu.wait_dma2 semaphore(%arg11 : memref<!tpu.dma_semaphore, #tpu.memory_space<semaphore_mem>>) src(%dma_wait3A_102 : memref<104x128xf32, #tpu.memory_space<hbm>>) dst(%dma_wait3A_99 : memref<104x128xf32, #tpu.memory_space<vmem>>)
      %gt3A = arith.constant 0 : i32
      %gt3A_103 = arith.cmpi sgt, %scan3A_54, %gt3A : i32
      %convert_element_type3A = arith.extui %gt3A_103 : i1 to i32
      %cond3A = arith.constant 0 : i32
      %cond3A_104 = arith.cmpi ne, %convert_element_type3A, %cond3A : i32
      scf.if %cond3A_104 {
        %dma_wait3A_301 = arith.constant 0 : i32
        %dma_wait3A_302 = arith.constant 0 : i32
        %dma_wait3A_303 = tpu.memref_slice %arg10[%dma_wait3A_301, %dma_wait3A_302] : memref<2x128xf32, #tpu.memory_space<vmem>> -> memref<1x128xf32, #tpu.memory_space<vmem>>
        %dma_wait3A_304 = tpu.memref_squeeze %dma_wait3A_303 : memref<1x128xf32, #tpu.memory_space<vmem>> -> memref<128xf32, #tpu.memory_space<vmem>>
        %dma_wait3A_305 = arith.constant 0 : i32
        %dma_wait3A_306 = tpu.memref_slice %arg5[%mul3A_2, %dma_wait3A_305] : memref<4096x128xf32, #tpu.memory_space<hbm>> -> memref<1x128xf32, #tpu.memory_space<hbm>>
        %dma_wait3A_307 = tpu.memref_squeeze %dma_wait3A_306 : memref<1x128xf32, #tpu.memory_space<hbm>> -> memref<128xf32, #tpu.memory_space<hbm>>
        %dma_wait3A_308 = arith.constant 0 : i32
        %dma_wait3A_309 = tpu.memref_slice %arg10[%dma_wait3A_301, %dma_wait3A_308] : memref<2x128xf32, #tpu.memory_space<vmem>> -> memref<1x128xf32, #tpu.memory_space<vmem>>
        %dma_wait3A_310 = tpu.memref_squeeze %dma_wait3A_309 : memref<1x128xf32, #tpu.memory_space<vmem>> -> memref<128xf32, #tpu.memory_space<vmem>>
        %dma_wait3A_311 = arith.constant 0 : i32
        %dma_wait3A_312 = tpu.memref_slice %arg5[%mul3A_2, %dma_wait3A_311] : memref<4096x128xf32, #tpu.memory_space<hbm>> -> memref<1x128xf32, #tpu.memory_space<hbm>>
        %dma_wait3A_313 = tpu.memref_squeeze %dma_wait3A_312 : memref<1x128xf32, #tpu.memory_space<hbm>> -> memref<128xf32, #tpu.memory_space<hbm>>
        tpu.wait_dma2 semaphore(%arg13 : memref<!tpu.dma_semaphore, #tpu.memory_space<semaphore_mem>>) src(%dma_wait3A_313 : memref<128xf32, #tpu.memory_space<hbm>>) dst(%dma_wait3A_310 : memref<128xf32, #tpu.memory_space<vmem>>)
        %dma_wait3A_314 = arith.constant 1 : i32
        %dma_wait3A_315 = arith.constant 0 : i32
        %dma_wait3A_316 = tpu.memref_slice %arg10[%dma_wait3A_314, %dma_wait3A_315] : memref<2x128xf32, #tpu.memory_space<vmem>> -> memref<1x128xf32, #tpu.memory_space<vmem>>
        %dma_wait3A_317 = tpu.memref_squeeze %dma_wait3A_316 : memref<1x128xf32, #tpu.memory_space<vmem>> -> memref<128xf32, #tpu.memory_space<vmem>>
        %dma_wait3A_318 = arith.constant 0 : i32
        %dma_wait3A_319 = tpu.memref_slice %arg5[%mul3A_2, %dma_wait3A_318] : memref<4096x128xf32, #tpu.memory_space<hbm>> -> memref<1x128xf32, #tpu.memory_space<hbm>>
        %dma_wait3A_320 = tpu.memref_squeeze %dma_wait3A_319 : memref<1x128xf32, #tpu.memory_space<hbm>> -> memref<128xf32, #tpu.memory_space<hbm>>
        %dma_wait3A_321 = arith.constant 0 : i32
        %dma_wait3A_322 = tpu.memref_slice %arg10[%dma_wait3A_314, %dma_wait3A_321] : memref<2x128xf32, #tpu.memory_space<vmem>> -> memref<1x128xf32, #tpu.memory_space<vmem>>
        %dma_wait3A_323 = tpu.memref_squeeze %dma_wait3A_322 : memref<1x128xf32, #tpu.memory_space<vmem>> -> memref<128xf32, #tpu.memory_space<vmem>>
        %dma_wait3A_324 = arith.constant 0 : i32
        %dma_wait3A_325 = tpu.memref_slice %arg5[%mul3A_2, %dma_wait3A_324] : memref<4096x128xf32, #tpu.memory_space<hbm>> -> memref<1x128xf32, #tpu.memory_space<hbm>>
        %dma_wait3A_326 = tpu.memref_squeeze %dma_wait3A_325 : memref<1x128xf32, #tpu.memory_space<hbm>> -> memref<128xf32, #tpu.memory_space<hbm>>
        tpu.wait_dma2 semaphore(%arg13 : memref<!tpu.dma_semaphore, #tpu.memory_space<semaphore_mem>>) src(%dma_wait3A_326 : memref<128xf32, #tpu.memory_space<hbm>>) dst(%dma_wait3A_323 : memref<128xf32, #tpu.memory_space<vmem>>)
      } else {
      }
      %broadcast_in_dim3A = arith.constant 0.000000e+00 : f32
      %broadcast_in_dim3A_105 = vector.broadcast %broadcast_in_dim3A : f32 to vector<16xf32>
      %broadcast_in_dim3A_106 = arith.constant 0.000000e+00 : f32
      %broadcast_in_dim3A_107 = vector.broadcast %broadcast_in_dim3A_106 : f32 to vector<16xf32>
      %broadcast_in_dim3A_108 = arith.constant 0.000000e+00 : f32
      %broadcast_in_dim3A_109 = vector.broadcast %broadcast_in_dim3A_108 : f32 to vector<16xf32>
      %broadcast_in_dim3A_110 = arith.constant 0.000000e+00 : f32
      %broadcast_in_dim3A_111 = vector.broadcast %broadcast_in_dim3A_110 : f32 to vector<16xf32>
      %broadcast_in_dim3A_112 = arith.constant 0.000000e+00 : f32
      %broadcast_in_dim3A_113 = vector.broadcast %broadcast_in_dim3A_112 : f32 to vector<16xf32>
      %broadcast_in_dim3A_114 = arith.constant 0.000000e+00 : f32
      %broadcast_in_dim3A_115 = vector.broadcast %broadcast_in_dim3A_114 : f32 to vector<16xf32>
      %broadcast_in_dim3A_116 = arith.constant 0.000000e+00 : f32
      %broadcast_in_dim3A_117 = vector.broadcast %broadcast_in_dim3A_116 : f32 to vector<16xf32>
      %broadcast_in_dim3A_118 = arith.constant 0.000000e+00 : f32
      %broadcast_in_dim3A_119 = vector.broadcast %broadcast_in_dim3A_118 : f32 to vector<16xf32>
      %scan3A_120 = arith.constant 0 : i32
      %scan3A_121 = arith.constant 13 : i32
      %scan3A_122 = arith.addi %scan3A_120, %scan3A_121 : i32
      %scan3A_123 = arith.constant 1 : i32
      %scan3A_124:8 = scf.for %scan3A_301 = %scan3A_120 to %scan3A_122 step %scan3A_123 iter_args(%scan3A_302 = %broadcast_in_dim3A_105, %scan3A_303 = %broadcast_in_dim3A_107, %scan3A_304 = %broadcast_in_dim3A_109, %scan3A_305 = %broadcast_in_dim3A_111, %scan3A_306 = %broadcast_in_dim3A_113, %scan3A_307 = %broadcast_in_dim3A_115, %scan3A_308 = %broadcast_in_dim3A_117, %scan3A_309 = %broadcast_in_dim3A_119) -> (vector<16xf32>, vector<16xf32>, vector<16xf32>, vector<16xf32>, vector<16xf32>, vector<16xf32>, vector<16xf32>, vector<16xf32>)  : i32 {
        %mul3A_310 = arith.constant 16 : i32
        %mul3A_311 = arith.muli %scan3A_301, %mul3A_310 : i32
        %get3A = arith.index_cast %mul3A_56 : i32 to index
        %get3A_312 = arith.index_cast %mul3A_311 : i32 to index
        %get3A_313 = tpu.vector_load %arg7[%get3A, %get3A_312] {strides = array<i32>} : memref<128x208xf32, #tpu.memory_space<vmem>>, vector<1x16xf32>,
        %get3A_314 = vector.shape_cast %get3A_313 : vector<1x16xf32> to vector<16xf32>
        %mul3A_315 = arith.constant 16 : i32
        %mul3A_316 = arith.muli %scan3A_301, %mul3A_315 : i32
        %add3A_317 = arith.constant 0 : i32
        %add3A_318 = arith.addi %mul3A_316, %add3A_317 : i32
        %broadcast_in_dim3A_319 = arith.constant 0 : i32
        %broadcast_in_dim3A_320 = vector.broadcast %broadcast_in_dim3A_319 : i32 to vector<16x1xi32>
        %gather3A = vector.shape_cast %broadcast_in_dim3A_320 : vector<16x1xi32> to vector<16xi32>
        %gather3A_321 = tpu.dynamic_gather %get3A_314[%gather3A] in [0] : vector<16xf32>, vector<16xi32> -> vector<16xf32>
        %get3A_322 = arith.index_cast %add3A_318 : i32 to index
        %get3A_323 = arith.constant 0 : index
        %get3A_324 = tpu.vector_load %arg8[%get3A_322, %get3A_323] {strides = array<i32>} : memref<208x128xf32, #tpu.memory_space<vmem>>, vector<1x16xf32>,
        %get3A_325 = vector.shape_cast %get3A_324 : vector<1x16xf32> to vector<16xf32>
        %mul3A_326 = arith.mulf %gather3A_321, %get3A_325 : vector<16xf32>
        %add3A_327 = arith.addf %scan3A_302, %mul3A_326 : vector<16xf32>
        %get3A_328 = arith.index_cast %add3A_318 : i32 to index
        %get3A_329 = arith.constant 16 : index
        %get3A_330 = tpu.vector_load %arg8[%get3A_328, %get3A_329] {strides = array<i32>} : memref<208x128xf32, #tpu.memory_space<vmem>>, vector<1x16xf32>,
        %get3A_331 = vector.shape_cast %get3A_330 : vector<1x16xf32> to vector<16xf32>
        %mul3A_332 = arith.mulf %gather3A_321, %get3A_331 : vector<16xf32>
        %add3A_333 = arith.addf %scan3A_303, %mul3A_332 : vector<16xf32>
        %get3A_334 = arith.index_cast %add3A_318 : i32 to index
        %get3A_335 = arith.constant 32 : index
        %get3A_336 = tpu.vector_load %arg8[%get3A_334, %get3A_335] {strides = array<i32>} : memref<208x128xf32, #tpu.memory_space<vmem>>, vector<1x16xf32>,
        %get3A_337 = vector.shape_cast %get3A_336 : vector<1x16xf32> to vector<16xf32>
        %mul3A_338 = arith.mulf %gather3A_321, %get3A_337 : vector<16xf32>
        %add3A_339 = arith.addf %scan3A_304, %mul3A_338 : vector<16xf32>
        %get3A_340 = arith.index_cast %add3A_318 : i32 to index
        %get3A_341 = arith.constant 48 : index
        %get3A_342 = tpu.vector_load %arg8[%get3A_340, %get3A_341] {strides = array<i32>} : memref<208x128xf32, #tpu.memory_space<vmem>>, vector<1x16xf32>,
        %get3A_343 = vector.shape_cast %get3A_342 : vector<1x16xf32> to vector<16xf32>
        %mul3A_344 = arith.mulf %gather3A_321, %get3A_343 : vector<16xf32>
        %add3A_345 = arith.addf %scan3A_305, %mul3A_344 : vector<16xf32>
        %get3A_346 = arith.index_cast %add3A_318 : i32 to index
        %get3A_347 = arith.constant 64 : index
        %get3A_348 = tpu.vector_load %arg8[%get3A_346, %get3A_347] {strides = array<i32>} : memref<208x128xf32, #tpu.memory_space<vmem>>, vector<1x16xf32>,
        %get3A_349 = vector.shape_cast %get3A_348 : vector<1x16xf32> to vector<16xf32>
        %mul3A_350 = arith.mulf %gather3A_321, %get3A_349 : vector<16xf32>
        %add3A_351 = arith.addf %scan3A_306, %mul3A_350 : vector<16xf32>
        %get3A_352 = arith.index_cast %add3A_318 : i32 to index
        %get3A_353 = arith.constant 80 : index
        %get3A_354 = tpu.vector_load %arg8[%get3A_352, %get3A_353] {strides = array<i32>} : memref<208x128xf32, #tpu.memory_space<vmem>>, vector<1x16xf32>,
        %get3A_355 = vector.shape_cast %get3A_354 : vector<1x16xf32> to vector<16xf32>
        %mul3A_356 = arith.mulf %gather3A_321, %get3A_355 : vector<16xf32>
        %add3A_357 = arith.addf %scan3A_307, %mul3A_356 : vector<16xf32>
        %get3A_358 = arith.index_cast %add3A_318 : i32 to index
        %get3A_359 = arith.constant 96 : index
        %get3A_360 = tpu.vector_load %arg8[%get3A_358, %get3A_359] {strides = array<i32>} : memref<208x128xf32, #tpu.memory_space<vmem>>, vector<1x16xf32>,
        %get3A_361 = vector.shape_cast %get3A_360 : vector<1x16xf32> to vector<16xf32>
        %mul3A_362 = arith.mulf %gather3A_321, %get3A_361 : vector<16xf32>
        %add3A_363 = arith.addf %scan3A_308, %mul3A_362 : vector<16xf32>
        %get3A_364 = arith.index_cast %add3A_318 : i32 to index
        %get3A_365 = arith.constant 112 : index
        %get3A_366 = tpu.vector_load %arg8[%get3A_364, %get3A_365] {strides = array<i32>} : memref<208x128xf32, #tpu.memory_space<vmem>>, vector<1x16xf32>,
        %get3A_367 = vector.shape_cast %get3A_366 : vector<1x16xf32> to vector<16xf32>
        %mul3A_368 = arith.mulf %gather3A_321, %get3A_367 : vector<16xf32>
        %add3A_369 = arith.addf %scan3A_309, %mul3A_368 : vector<16xf32>
        %mul3A_370 = arith.constant 16 : i32
        %mul3A_371 = arith.muli %scan3A_301, %mul3A_370 : i32
        %add3A_372 = arith.constant 1 : i32
        %add3A_373 = arith.addi %mul3A_371, %add3A_372 : i32
        %broadcast_in_dim3A_374 = arith.constant 1 : i32
        %broadcast_in_dim3A_375 = vector.broadcast %broadcast_in_dim3A_374 : i32 to vector<16x1xi32>
        %gather3A_376 = vector.shape_cast %broadcast_in_dim3A_375 : vector<16x1xi32> to vector<16xi32>
        %gather3A_377 = tpu.dynamic_gather %get3A_314[%gather3A_376] in [0] : vector<16xf32>, vector<16xi32> -> vector<16xf32>
        %get3A_378 = arith.index_cast %add3A_373 : i32 to index
        %get3A_379 = arith.constant 0 : index
        %get3A_380 = tpu.vector_load %arg8[%get3A_378, %get3A_379] {strides = array<i32>} : memref<208x128xf32, #tpu.memory_space<vmem>>, vector<1x16xf32>,
        %get3A_381 = vector.shape_cast %get3A_380 : vector<1x16xf32> to vector<16xf32>
        %mul3A_382 = arith.mulf %gather3A_377, %get3A_381 : vector<16xf32>
        %add3A_383 = arith.addf %add3A_327, %mul3A_382 : vector<16xf32>
        %get3A_384 = arith.index_cast %add3A_373 : i32 to index
        %get3A_385 = arith.constant 16 : index
        %get3A_386 = tpu.vector_load %arg8[%get3A_384, %get3A_385] {strides = array<i32>} : memref<208x128xf32, #tpu.memory_space<vmem>>, vector<1x16xf32>,
        %get3A_387 = vector.shape_cast %get3A_386 : vector<1x16xf32> to vector<16xf32>
        %mul3A_388 = arith.mulf %gather3A_377, %get3A_387 : vector<16xf32>
        %add3A_389 = arith.addf %add3A_333, %mul3A_388 : vector<16xf32>
        %get3A_390 = arith.index_cast %add3A_373 : i32 to index
        %get3A_391 = arith.constant 32 : index
        %get3A_392 = tpu.vector_load %arg8[%get3A_390, %get3A_391] {strides = array<i32>} : memref<208x128xf32, #tpu.memory_space<vmem>>, vector<1x16xf32>,
        %get3A_393 = vector.shape_cast %get3A_392 : vector<1x16xf32> to vector<16xf32>
        %mul3A_394 = arith.mulf %gather3A_377, %get3A_393 : vector<16xf32>
        %add3A_395 = arith.addf %add3A_339, %mul3A_394 : vector<16xf32>
        %get3A_396 = arith.index_cast %add3A_373 : i32 to index
        %get3A_397 = arith.constant 48 : index
        %get3A_398 = tpu.vector_load %arg8[%get3A_396, %get3A_397] {strides = array<i32>} : memref<208x128xf32, #tpu.memory_space<vmem>>, vector<1x16xf32>,
        %get3A_399 = vector.shape_cast %get3A_398 : vector<1x16xf32> to vector<16xf32>
        %mul3A_400 = arith.mulf %gather3A_377, %get3A_399 : vector<16xf32>
        %add3A_401 = arith.addf %add3A_345, %mul3A_400 : vector<16xf32>
        %get3A_402 = arith.index_cast %add3A_373 : i32 to index
        %get3A_403 = arith.constant 64 : index
        %get3A_404 = tpu.vector_load %arg8[%get3A_402, %get3A_403] {strides = array<i32>} : memref<208x128xf32, #tpu.memory_space<vmem>>, vector<1x16xf32>,
        %get3A_405 = vector.shape_cast %get3A_404 : vector<1x16xf32> to vector<16xf32>
        %mul3A_406 = arith.mulf %gather3A_377, %get3A_405 : vector<16xf32>
        %add3A_407 = arith.addf %add3A_351, %mul3A_406 : vector<16xf32>
        %get3A_408 = arith.index_cast %add3A_373 : i32 to index
        %get3A_409 = arith.constant 80 : index
        %get3A_410 = tpu.vector_load %arg8[%get3A_408, %get3A_409] {strides = array<i32>} : memref<208x128xf32, #tpu.memory_space<vmem>>, vector<1x16xf32>,
        %get3A_411 = vector.shape_cast %get3A_410 : vector<1x16xf32> to vector<16xf32>
        %mul3A_412 = arith.mulf %gather3A_377, %get3A_411 : vector<16xf32>
        %add3A_413 = arith.addf %add3A_357, %mul3A_412 : vector<16xf32>
        %get3A_414 = arith.index_cast %add3A_373 : i32 to index
        %get3A_415 = arith.constant 96 : index
        %get3A_416 = tpu.vector_load %arg8[%get3A_414, %get3A_415] {strides = array<i32>} : memref<208x128xf32, #tpu.memory_space<vmem>>, vector<1x16xf32>,
        %get3A_417 = vector.shape_cast %get3A_416 : vector<1x16xf32> to vector<16xf32>
        %mul3A_418 = arith.mulf %gather3A_377, %get3A_417 : vector<16xf32>
        %add3A_419 = arith.addf %add3A_363, %mul3A_418 : vector<16xf32>
        %get3A_420 = arith.index_cast %add3A_373 : i32 to index
        %get3A_421 = arith.constant 112 : index
        %get3A_422 = tpu.vector_load %arg8[%get3A_420, %get3A_421] {strides = array<i32>} : memref<208x128xf32, #tpu.memory_space<vmem>>, vector<1x16xf32>,
        %get3A_423 = vector.shape_cast %get3A_422 : vector<1x16xf32> to vector<16xf32>
        %mul3A_424 = arith.mulf %gather3A_377, %get3A_423 : vector<16xf32>
        %add3A_425 = arith.addf %add3A_369, %mul3A_424 : vector<16xf32>
        %mul3A_426 = arith.constant 16 : i32
        %mul3A_427 = arith.muli %scan3A_301, %mul3A_426 : i32
        %add3A_428 = arith.constant 2 : i32
        %add3A_429 = arith.addi %mul3A_427, %add3A_428 : i32
        %broadcast_in_dim3A_430 = arith.constant 2 : i32
        %broadcast_in_dim3A_431 = vector.broadcast %broadcast_in_dim3A_430 : i32 to vector<16x1xi32>
        %gather3A_432 = vector.shape_cast %broadcast_in_dim3A_431 : vector<16x1xi32> to vector<16xi32>
        %gather3A_433 = tpu.dynamic_gather %get3A_314[%gather3A_432] in [0] : vector<16xf32>, vector<16xi32> -> vector<16xf32>
        %get3A_434 = arith.index_cast %add3A_429 : i32 to index
        %get3A_435 = arith.constant 0 : index
        %get3A_436 = tpu.vector_load %arg8[%get3A_434, %get3A_435] {strides = array<i32>} : memref<208x128xf32, #tpu.memory_space<vmem>>, vector<1x16xf32>,
        %get3A_437 = vector.shape_cast %get3A_436 : vector<1x16xf32> to vector<16xf32>
        %mul3A_438 = arith.mulf %gather3A_433, %get3A_437 : vector<16xf32>
        %add3A_439 = arith.addf %add3A_383, %mul3A_438 : vector<16xf32>
        %get3A_440 = arith.index_cast %add3A_429 : i32 to index
        %get3A_441 = arith.constant 16 : index
        %get3A_442 = tpu.vector_load %arg8[%get3A_440, %get3A_441] {strides = array<i32>} : memref<208x128xf32, #tpu.memory_space<vmem>>, vector<1x16xf32>,
        %get3A_443 = vector.shape_cast %get3A_442 : vector<1x16xf32> to vector<16xf32>
        %mul3A_444 = arith.mulf %gather3A_433, %get3A_443 : vector<16xf32>
        %add3A_445 = arith.addf %add3A_389, %mul3A_444 : vector<16xf32>
        %get3A_446 = arith.index_cast %add3A_429 : i32 to index
        %get3A_447 = arith.constant 32 : index
        %get3A_448 = tpu.vector_load %arg8[%get3A_446, %get3A_447] {strides = array<i32>} : memref<208x128xf32, #tpu.memory_space<vmem>>, vector<1x16xf32>,
        %get3A_449 = vector.shape_cast %get3A_448 : vector<1x16xf32> to vector<16xf32>
        %mul3A_450 = arith.mulf %gather3A_433, %get3A_449 : vector<16xf32>
        %add3A_451 = arith.addf %add3A_395, %mul3A_450 : vector<16xf32>
        %get3A_452 = arith.index_cast %add3A_429 : i32 to index
        %get3A_453 = arith.constant 48 : index
        %get3A_454 = tpu.vector_load %arg8[%get3A_452, %get3A_453] {strides = array<i32>} : memref<208x128xf32, #tpu.memory_space<vmem>>, vector<1x16xf32>,
        %get3A_455 = vector.shape_cast %get3A_454 : vector<1x16xf32> to vector<16xf32>
        %mul3A_456 = arith.mulf %gather3A_433, %get3A_455 : vector<16xf32>
        %add3A_457 = arith.addf %add3A_401, %mul3A_456 : vector<16xf32>
        %get3A_458 = arith.index_cast %add3A_429 : i32 to index
        %get3A_459 = arith.constant 64 : index
        %get3A_460 = tpu.vector_load %arg8[%get3A_458, %get3A_459] {strides = array<i32>} : memref<208x128xf32, #tpu.memory_space<vmem>>, vector<1x16xf32>,
        %get3A_461 = vector.shape_cast %get3A_460 : vector<1x16xf32> to vector<16xf32>
        %mul3A_462 = arith.mulf %gather3A_433, %get3A_461 : vector<16xf32>
        %add3A_463 = arith.addf %add3A_407, %mul3A_462 : vector<16xf32>
        %get3A_464 = arith.index_cast %add3A_429 : i32 to index
        %get3A_465 = arith.constant 80 : index
        %get3A_466 = tpu.vector_load %arg8[%get3A_464, %get3A_465] {strides = array<i32>} : memref<208x128xf32, #tpu.memory_space<vmem>>, vector<1x16xf32>,
        %get3A_467 = vector.shape_cast %get3A_466 : vector<1x16xf32> to vector<16xf32>
        %mul3A_468 = arith.mulf %gather3A_433, %get3A_467 : vector<16xf32>
        %add3A_469 = arith.addf %add3A_413, %mul3A_468 : vector<16xf32>
        %get3A_470 = arith.index_cast %add3A_429 : i32 to index
        %get3A_471 = arith.constant 96 : index
        %get3A_472 = tpu.vector_load %arg8[%get3A_470, %get3A_471] {strides = array<i32>} : memref<208x128xf32, #tpu.memory_space<vmem>>, vector<1x16xf32>,
        %get3A_473 = vector.shape_cast %get3A_472 : vector<1x16xf32> to vector<16xf32>
        %mul3A_474 = arith.mulf %gather3A_433, %get3A_473 : vector<16xf32>
        %add3A_475 = arith.addf %add3A_419, %mul3A_474 : vector<16xf32>
        %get3A_476 = arith.index_cast %add3A_429 : i32 to index
        %get3A_477 = arith.constant 112 : index
        %get3A_478 = tpu.vector_load %arg8[%get3A_476, %get3A_477] {strides = array<i32>} : memref<208x128xf32, #tpu.memory_space<vmem>>, vector<1x16xf32>,
        %get3A_479 = vector.shape_cast %get3A_478 : vector<1x16xf32> to vector<16xf32>
        %mul3A_480 = arith.mulf %gather3A_433, %get3A_479 : vector<16xf32>
        %add3A_481 = arith.addf %add3A_425, %mul3A_480 : vector<16xf32>
        %mul3A_482 = arith.constant 16 : i32
        %mul3A_483 = arith.muli %scan3A_301, %mul3A_482 : i32
        %add3A_484 = arith.constant 3 : i32
        %add3A_485 = arith.addi %mul3A_483, %add3A_484 : i32
        %broadcast_in_dim3A_486 = arith.constant 3 : i32
        %broadcast_in_dim3A_487 = vector.broadcast %broadcast_in_dim3A_486 : i32 to vector<16x1xi32>
        %gather3A_488 = vector.shape_cast %broadcast_in_dim3A_487 : vector<16x1xi32> to vector<16xi32>
        %gather3A_489 = tpu.dynamic_gather %get3A_314[%gather3A_488] in [0] : vector<16xf32>, vector<16xi32> -> vector<16xf32>
        %get3A_490 = arith.index_cast %add3A_485 : i32 to index
        %get3A_491 = arith.constant 0 : index
        %get3A_492 = tpu.vector_load %arg8[%get3A_490, %get3A_491] {strides = array<i32>} : memref<208x128xf32, #tpu.memory_space<vmem>>, vector<1x16xf32>,
        %get3A_493 = vector.shape_cast %get3A_492 : vector<1x16xf32> to vector<16xf32>
        %mul3A_494 = arith.mulf %gather3A_489, %get3A_493 : vector<16xf32>
        %add3A_495 = arith.addf %add3A_439, %mul3A_494 : vector<16xf32>
        %get3A_496 = arith.index_cast %add3A_485 : i32 to index
        %get3A_497 = arith.constant 16 : index
        %get3A_498 = tpu.vector_load %arg8[%get3A_496, %get3A_497] {strides = array<i32>} : memref<208x128xf32, #tpu.memory_space<vmem>>, vector<1x16xf32>,
        %get3A_499 = vector.shape_cast %get3A_498 : vector<1x16xf32> to vector<16xf32>
        %mul3A_500 = arith.mulf %gather3A_489, %get3A_499 : vector<16xf32>
        %add3A_501 = arith.addf %add3A_445, %mul3A_500 : vector<16xf32>
        %get3A_502 = arith.index_cast %add3A_485 : i32 to index
        %get3A_503 = arith.constant 32 : index
        %get3A_504 = tpu.vector_load %arg8[%get3A_502, %get3A_503] {strides = array<i32>} : memref<208x128xf32, #tpu.memory_space<vmem>>, vector<1x16xf32>,
        %get3A_505 = vector.shape_cast %get3A_504 : vector<1x16xf32> to vector<16xf32>
        %mul3A_506 = arith.mulf %gather3A_489, %get3A_505 : vector<16xf32>
        %add3A_507 = arith.addf %add3A_451, %mul3A_506 : vector<16xf32>
        %get3A_508 = arith.index_cast %add3A_485 : i32 to index
        %get3A_509 = arith.constant 48 : index
        %get3A_510 = tpu.vector_load %arg8[%get3A_508, %get3A_509] {strides = array<i32>} : memref<208x128xf32, #tpu.memory_space<vmem>>, vector<1x16xf32>,
        %get3A_511 = vector.shape_cast %get3A_510 : vector<1x16xf32> to vector<16xf32>
        %mul3A_512 = arith.mulf %gather3A_489, %get3A_511 : vector<16xf32>
        %add3A_513 = arith.addf %add3A_457, %mul3A_512 : vector<16xf32>
        %get3A_514 = arith.index_cast %add3A_485 : i32 to index
        %get3A_515 = arith.constant 64 : index
        %get3A_516 = tpu.vector_load %arg8[%get3A_514, %get3A_515] {strides = array<i32>} : memref<208x128xf32, #tpu.memory_space<vmem>>, vector<1x16xf32>,
        %get3A_517 = vector.shape_cast %get3A_516 : vector<1x16xf32> to vector<16xf32>
        %mul3A_518 = arith.mulf %gather3A_489, %get3A_517 : vector<16xf32>
        %add3A_519 = arith.addf %add3A_463, %mul3A_518 : vector<16xf32>
        %get3A_520 = arith.index_cast %add3A_485 : i32 to index
        %get3A_521 = arith.constant 80 : index
        %get3A_522 = tpu.vector_load %arg8[%get3A_520, %get3A_521] {strides = array<i32>} : memref<208x128xf32, #tpu.memory_space<vmem>>, vector<1x16xf32>,
        %get3A_523 = vector.shape_cast %get3A_522 : vector<1x16xf32> to vector<16xf32>
        %mul3A_524 = arith.mulf %gather3A_489, %get3A_523 : vector<16xf32>
        %add3A_525 = arith.addf %add3A_469, %mul3A_524 : vector<16xf32>
        %get3A_526 = arith.index_cast %add3A_485 : i32 to index
        %get3A_527 = arith.constant 96 : index
        %get3A_528 = tpu.vector_load %arg8[%get3A_526, %get3A_527] {strides = array<i32>} : memref<208x128xf32, #tpu.memory_space<vmem>>, vector<1x16xf32>,
        %get3A_529 = vector.shape_cast %get3A_528 : vector<1x16xf32> to vector<16xf32>
        %mul3A_530 = arith.mulf %gather3A_489, %get3A_529 : vector<16xf32>
        %add3A_531 = arith.addf %add3A_475, %mul3A_530 : vector<16xf32>
        %get3A_532 = arith.index_cast %add3A_485 : i32 to index
        %get3A_533 = arith.constant 112 : index
        %get3A_534 = tpu.vector_load %arg8[%get3A_532, %get3A_533] {strides = array<i32>} : memref<208x128xf32, #tpu.memory_space<vmem>>, vector<1x16xf32>,
        %get3A_535 = vector.shape_cast %get3A_534 : vector<1x16xf32> to vector<16xf32>
        %mul3A_536 = arith.mulf %gather3A_489, %get3A_535 : vector<16xf32>
        %add3A_537 = arith.addf %add3A_481, %mul3A_536 : vector<16xf32>
        %mul3A_538 = arith.constant 16 : i32
        %mul3A_539 = arith.muli %scan3A_301, %mul3A_538 : i32
        %add3A_540 = arith.constant 4 : i32
        %add3A_541 = arith.addi %mul3A_539, %add3A_540 : i32
        %broadcast_in_dim3A_542 = arith.constant 4 : i32
        %broadcast_in_dim3A_543 = vector.broadcast %broadcast_in_dim3A_542 : i32 to vector<16x1xi32>
        %gather3A_544 = vector.shape_cast %broadcast_in_dim3A_543 : vector<16x1xi32> to vector<16xi32>
        %gather3A_545 = tpu.dynamic_gather %get3A_314[%gather3A_544] in [0] : vector<16xf32>, vector<16xi32> -> vector<16xf32>
        %get3A_546 = arith.index_cast %add3A_541 : i32 to index
        %get3A_547 = arith.constant 0 : index
        %get3A_548 = tpu.vector_load %arg8[%get3A_546, %get3A_547] {strides = array<i32>} : memref<208x128xf32, #tpu.memory_space<vmem>>, vector<1x16xf32>,
        %get3A_549 = vector.shape_cast %get3A_548 : vector<1x16xf32> to vector<16xf32>
        %mul3A_550 = arith.mulf %gather3A_545, %get3A_549 : vector<16xf32>
        %add3A_551 = arith.addf %add3A_495, %mul3A_550 : vector<16xf32>
        %get3A_552 = arith.index_cast %add3A_541 : i32 to index
        %get3A_553 = arith.constant 16 : index
        %get3A_554 = tpu.vector_load %arg8[%get3A_552, %get3A_553] {strides = array<i32>} : memref<208x128xf32, #tpu.memory_space<vmem>>, vector<1x16xf32>,
        %get3A_555 = vector.shape_cast %get3A_554 : vector<1x16xf32> to vector<16xf32>
        %mul3A_556 = arith.mulf %gather3A_545, %get3A_555 : vector<16xf32>
        %add3A_557 = arith.addf %add3A_501, %mul3A_556 : vector<16xf32>
        %get3A_558 = arith.index_cast %add3A_541 : i32 to index
        %get3A_559 = arith.constant 32 : index
        %get3A_560 = tpu.vector_load %arg8[%get3A_558, %get3A_559] {strides = array<i32>} : memref<208x128xf32, #tpu.memory_space<vmem>>, vector<1x16xf32>,
        %get3A_561 = vector.shape_cast %get3A_560 : vector<1x16xf32> to vector<16xf32>
        %mul3A_562 = arith.mulf %gather3A_545, %get3A_561 : vector<16xf32>
        %add3A_563 = arith.addf %add3A_507, %mul3A_562 : vector<16xf32>
        %get3A_564 = arith.index_cast %add3A_541 : i32 to index
        %get3A_565 = arith.constant 48 : index
        %get3A_566 = tpu.vector_load %arg8[%get3A_564, %get3A_565] {strides = array<i32>} : memref<208x128xf32, #tpu.memory_space<vmem>>, vector<1x16xf32>,
        %get3A_567 = vector.shape_cast %get3A_566 : vector<1x16xf32> to vector<16xf32>
        %mul3A_568 = arith.mulf %gather3A_545, %get3A_567 : vector<16xf32>
        %add3A_569 = arith.addf %add3A_513, %mul3A_568 : vector<16xf32>
        %get3A_570 = arith.index_cast %add3A_541 : i32 to index
        %get3A_571 = arith.constant 64 : index
        %get3A_572 = tpu.vector_load %arg8[%get3A_570, %get3A_571] {strides = array<i32>} : memref<208x128xf32, #tpu.memory_space<vmem>>, vector<1x16xf32>,
        %get3A_573 = vector.shape_cast %get3A_572 : vector<1x16xf32> to vector<16xf32>
        %mul3A_574 = arith.mulf %gather3A_545, %get3A_573 : vector<16xf32>
        %add3A_575 = arith.addf %add3A_519, %mul3A_574 : vector<16xf32>
        %get3A_576 = arith.index_cast %add3A_541 : i32 to index
        %get3A_577 = arith.constant 80 : index
        %get3A_578 = tpu.vector_load %arg8[%get3A_576, %get3A_577] {strides = array<i32>} : memref<208x128xf32, #tpu.memory_space<vmem>>, vector<1x16xf32>,
        %get3A_579 = vector.shape_cast %get3A_578 : vector<1x16xf32> to vector<16xf32>
        %mul3A_580 = arith.mulf %gather3A_545, %get3A_579 : vector<16xf32>
        %add3A_581 = arith.addf %add3A_525, %mul3A_580 : vector<16xf32>
        %get3A_582 = arith.index_cast %add3A_541 : i32 to index
        %get3A_583 = arith.constant 96 : index
        %get3A_584 = tpu.vector_load %arg8[%get3A_582, %get3A_583] {strides = array<i32>} : memref<208x128xf32, #tpu.memory_space<vmem>>, vector<1x16xf32>,
        %get3A_585 = vector.shape_cast %get3A_584 : vector<1x16xf32> to vector<16xf32>
        %mul3A_586 = arith.mulf %gather3A_545, %get3A_585 : vector<16xf32>
        %add3A_587 = arith.addf %add3A_531, %mul3A_586 : vector<16xf32>
        %get3A_588 = arith.index_cast %add3A_541 : i32 to index
        %get3A_589 = arith.constant 112 : index
        %get3A_590 = tpu.vector_load %arg8[%get3A_588, %get3A_589] {strides = array<i32>} : memref<208x128xf32, #tpu.memory_space<vmem>>, vector<1x16xf32>,
        %get3A_591 = vector.shape_cast %get3A_590 : vector<1x16xf32> to vector<16xf32>
        %mul3A_592 = arith.mulf %gather3A_545, %get3A_591 : vector<16xf32>
        %add3A_593 = arith.addf %add3A_537, %mul3A_592 : vector<16xf32>
        %mul3A_594 = arith.constant 16 : i32
        %mul3A_595 = arith.muli %scan3A_301, %mul3A_594 : i32
        %add3A_596 = arith.constant 5 : i32
        %add3A_597 = arith.addi %mul3A_595, %add3A_596 : i32
        %broadcast_in_dim3A_598 = arith.constant 5 : i32
        %broadcast_in_dim3A_599 = vector.broadcast %broadcast_in_dim3A_598 : i32 to vector<16x1xi32>
        %gather3A_600 = vector.shape_cast %broadcast_in_dim3A_599 : vector<16x1xi32> to vector<16xi32>
        %gather3A_601 = tpu.dynamic_gather %get3A_314[%gather3A_600] in [0] : vector<16xf32>, vector<16xi32> -> vector<16xf32>
        %get3A_602 = arith.index_cast %add3A_597 : i32 to index
        %get3A_603 = arith.constant 0 : index
        %get3A_604 = tpu.vector_load %arg8[%get3A_602, %get3A_603] {strides = array<i32>} : memref<208x128xf32, #tpu.memory_space<vmem>>, vector<1x16xf32>,
        %get3A_605 = vector.shape_cast %get3A_604 : vector<1x16xf32> to vector<16xf32>
        %mul3A_606 = arith.mulf %gather3A_601, %get3A_605 : vector<16xf32>
        %add3A_607 = arith.addf %add3A_551, %mul3A_606 : vector<16xf32>
        %get3A_608 = arith.index_cast %add3A_597 : i32 to index
        %get3A_609 = arith.constant 16 : index
        %get3A_610 = tpu.vector_load %arg8[%get3A_608, %get3A_609] {strides = array<i32>} : memref<208x128xf32, #tpu.memory_space<vmem>>, vector<1x16xf32>,
        %get3A_611 = vector.shape_cast %get3A_610 : vector<1x16xf32> to vector<16xf32>
        %mul3A_612 = arith.mulf %gather3A_601, %get3A_611 : vector<16xf32>
        %add3A_613 = arith.addf %add3A_557, %mul3A_612 : vector<16xf32>
        %get3A_614 = arith.index_cast %add3A_597 : i32 to index
        %get3A_615 = arith.constant 32 : index
        %get3A_616 = tpu.vector_load %arg8[%get3A_614, %get3A_615] {strides = array<i32>} : memref<208x128xf32, #tpu.memory_space<vmem>>, vector<1x16xf32>,
        %get3A_617 = vector.shape_cast %get3A_616 : vector<1x16xf32> to vector<16xf32>
        %mul3A_618 = arith.mulf %gather3A_601, %get3A_617 : vector<16xf32>
        %add3A_619 = arith.addf %add3A_563, %mul3A_618 : vector<16xf32>
        %get3A_620 = arith.index_cast %add3A_597 : i32 to index
        %get3A_621 = arith.constant 48 : index
        %get3A_622 = tpu.vector_load %arg8[%get3A_620, %get3A_621] {strides = array<i32>} : memref<208x128xf32, #tpu.memory_space<vmem>>, vector<1x16xf32>,
        %get3A_623 = vector.shape_cast %get3A_622 : vector<1x16xf32> to vector<16xf32>
        %mul3A_624 = arith.mulf %gather3A_601, %get3A_623 : vector<16xf32>
        %add3A_625 = arith.addf %add3A_569, %mul3A_624 : vector<16xf32>
        %get3A_626 = arith.index_cast %add3A_597 : i32 to index
        %get3A_627 = arith.constant 64 : index
        %get3A_628 = tpu.vector_load %arg8[%get3A_626, %get3A_627] {strides = array<i32>} : memref<208x128xf32, #tpu.memory_space<vmem>>, vector<1x16xf32>,
        %get3A_629 = vector.shape_cast %get3A_628 : vector<1x16xf32> to vector<16xf32>
        %mul3A_630 = arith.mulf %gather3A_601, %get3A_629 : vector<16xf32>
        %add3A_631 = arith.addf %add3A_575, %mul3A_630 : vector<16xf32>
        %get3A_632 = arith.index_cast %add3A_597 : i32 to index
        %get3A_633 = arith.constant 80 : index
        %get3A_634 = tpu.vector_load %arg8[%get3A_632, %get3A_633] {strides = array<i32>} : memref<208x128xf32, #tpu.memory_space<vmem>>, vector<1x16xf32>,
        %get3A_635 = vector.shape_cast %get3A_634 : vector<1x16xf32> to vector<16xf32>
        %mul3A_636 = arith.mulf %gather3A_601, %get3A_635 : vector<16xf32>
        %add3A_637 = arith.addf %add3A_581, %mul3A_636 : vector<16xf32>
        %get3A_638 = arith.index_cast %add3A_597 : i32 to index
        %get3A_639 = arith.constant 96 : index
        %get3A_640 = tpu.vector_load %arg8[%get3A_638, %get3A_639] {strides = array<i32>} : memref<208x128xf32, #tpu.memory_space<vmem>>, vector<1x16xf32>,
        %get3A_641 = vector.shape_cast %get3A_640 : vector<1x16xf32> to vector<16xf32>
        %mul3A_642 = arith.mulf %gather3A_601, %get3A_641 : vector<16xf32>
        %add3A_643 = arith.addf %add3A_587, %mul3A_642 : vector<16xf32>
        %get3A_644 = arith.index_cast %add3A_597 : i32 to index
        %get3A_645 = arith.constant 112 : index
        %get3A_646 = tpu.vector_load %arg8[%get3A_644, %get3A_645] {strides = array<i32>} : memref<208x128xf32, #tpu.memory_space<vmem>>, vector<1x16xf32>,
        %get3A_647 = vector.shape_cast %get3A_646 : vector<1x16xf32> to vector<16xf32>
        %mul3A_648 = arith.mulf %gather3A_601, %get3A_647 : vector<16xf32>
        %add3A_649 = arith.addf %add3A_593, %mul3A_648 : vector<16xf32>
        %mul3A_650 = arith.constant 16 : i32
        %mul3A_651 = arith.muli %scan3A_301, %mul3A_650 : i32
        %add3A_652 = arith.constant 6 : i32
        %add3A_653 = arith.addi %mul3A_651, %add3A_652 : i32
        %broadcast_in_dim3A_654 = arith.constant 6 : i32
        %broadcast_in_dim3A_655 = vector.broadcast %broadcast_in_dim3A_654 : i32 to vector<16x1xi32>
        %gather3A_656 = vector.shape_cast %broadcast_in_dim3A_655 : vector<16x1xi32> to vector<16xi32>
        %gather3A_657 = tpu.dynamic_gather %get3A_314[%gather3A_656] in [0] : vector<16xf32>, vector<16xi32> -> vector<16xf32>
        %get3A_658 = arith.index_cast %add3A_653 : i32 to index
        %get3A_659 = arith.constant 0 : index
        %get3A_660 = tpu.vector_load %arg8[%get3A_658, %get3A_659] {strides = array<i32>} : memref<208x128xf32, #tpu.memory_space<vmem>>, vector<1x16xf32>,
        %get3A_661 = vector.shape_cast %get3A_660 : vector<1x16xf32> to vector<16xf32>
        %mul3A_662 = arith.mulf %gather3A_657, %get3A_661 : vector<16xf32>
        %add3A_663 = arith.addf %add3A_607, %mul3A_662 : vector<16xf32>
        %get3A_664 = arith.index_cast %add3A_653 : i32 to index
        %get3A_665 = arith.constant 16 : index
        %get3A_666 = tpu.vector_load %arg8[%get3A_664, %get3A_665] {strides = array<i32>} : memref<208x128xf32, #tpu.memory_space<vmem>>, vector<1x16xf32>,
        %get3A_667 = vector.shape_cast %get3A_666 : vector<1x16xf32> to vector<16xf32>
        %mul3A_668 = arith.mulf %gather3A_657, %get3A_667 : vector<16xf32>
        %add3A_669 = arith.addf %add3A_613, %mul3A_668 : vector<16xf32>
        %get3A_670 = arith.index_cast %add3A_653 : i32 to index
        %get3A_671 = arith.constant 32 : index
        %get3A_672 = tpu.vector_load %arg8[%get3A_670, %get3A_671] {strides = array<i32>} : memref<208x128xf32, #tpu.memory_space<vmem>>, vector<1x16xf32>,
        %get3A_673 = vector.shape_cast %get3A_672 : vector<1x16xf32> to vector<16xf32>
        %mul3A_674 = arith.mulf %gather3A_657, %get3A_673 : vector<16xf32>
        %add3A_675 = arith.addf %add3A_619, %mul3A_674 : vector<16xf32>
        %get3A_676 = arith.index_cast %add3A_653 : i32 to index
        %get3A_677 = arith.constant 48 : index
        %get3A_678 = tpu.vector_load %arg8[%get3A_676, %get3A_677] {strides = array<i32>} : memref<208x128xf32, #tpu.memory_space<vmem>>, vector<1x16xf32>,
        %get3A_679 = vector.shape_cast %get3A_678 : vector<1x16xf32> to vector<16xf32>
        %mul3A_680 = arith.mulf %gather3A_657, %get3A_679 : vector<16xf32>
        %add3A_681 = arith.addf %add3A_625, %mul3A_680 : vector<16xf32>
        %get3A_682 = arith.index_cast %add3A_653 : i32 to index
        %get3A_683 = arith.constant 64 : index
        %get3A_684 = tpu.vector_load %arg8[%get3A_682, %get3A_683] {strides = array<i32>} : memref<208x128xf32, #tpu.memory_space<vmem>>, vector<1x16xf32>,
        %get3A_685 = vector.shape_cast %get3A_684 : vector<1x16xf32> to vector<16xf32>
        %mul3A_686 = arith.mulf %gather3A_657, %get3A_685 : vector<16xf32>
        %add3A_687 = arith.addf %add3A_631, %mul3A_686 : vector<16xf32>
        %get3A_688 = arith.index_cast %add3A_653 : i32 to index
        %get3A_689 = arith.constant 80 : index
        %get3A_690 = tpu.vector_load %arg8[%get3A_688, %get3A_689] {strides = array<i32>} : memref<208x128xf32, #tpu.memory_space<vmem>>, vector<1x16xf32>,
        %get3A_691 = vector.shape_cast %get3A_690 : vector<1x16xf32> to vector<16xf32>
        %mul3A_692 = arith.mulf %gather3A_657, %get3A_691 : vector<16xf32>
        %add3A_693 = arith.addf %add3A_637, %mul3A_692 : vector<16xf32>
        %get3A_694 = arith.index_cast %add3A_653 : i32 to index
        %get3A_695 = arith.constant 96 : index
        %get3A_696 = tpu.vector_load %arg8[%get3A_694, %get3A_695] {strides = array<i32>} : memref<208x128xf32, #tpu.memory_space<vmem>>, vector<1x16xf32>,
        %get3A_697 = vector.shape_cast %get3A_696 : vector<1x16xf32> to vector<16xf32>
        %mul3A_698 = arith.mulf %gather3A_657, %get3A_697 : vector<16xf32>
        %add3A_699 = arith.addf %add3A_643, %mul3A_698 : vector<16xf32>
        %get3A_700 = arith.index_cast %add3A_653 : i32 to index
        %get3A_701 = arith.constant 112 : index
        %get3A_702 = tpu.vector_load %arg8[%get3A_700, %get3A_701] {strides = array<i32>} : memref<208x128xf32, #tpu.memory_space<vmem>>, vector<1x16xf32>,
        %get3A_703 = vector.shape_cast %get3A_702 : vector<1x16xf32> to vector<16xf32>
        %mul3A_704 = arith.mulf %gather3A_657, %get3A_703 : vector<16xf32>
        %add3A_705 = arith.addf %add3A_649, %mul3A_704 : vector<16xf32>
        %mul3A_706 = arith.constant 16 : i32
        %mul3A_707 = arith.muli %scan3A_301, %mul3A_706 : i32
        %add3A_708 = arith.constant 7 : i32
        %add3A_709 = arith.addi %mul3A_707, %add3A_708 : i32
        %broadcast_in_dim3A_710 = arith.constant 7 : i32
        %broadcast_in_dim3A_711 = vector.broadcast %broadcast_in_dim3A_710 : i32 to vector<16x1xi32>
        %gather3A_712 = vector.shape_cast %broadcast_in_dim3A_711 : vector<16x1xi32> to vector<16xi32>
        %gather3A_713 = tpu.dynamic_gather %get3A_314[%gather3A_712] in [0] : vector<16xf32>, vector<16xi32> -> vector<16xf32>
        %get3A_714 = arith.index_cast %add3A_709 : i32 to index
        %get3A_715 = arith.constant 0 : index
        %get3A_716 = tpu.vector_load %arg8[%get3A_714, %get3A_715] {strides = array<i32>} : memref<208x128xf32, #tpu.memory_space<vmem>>, vector<1x16xf32>,
        %get3A_717 = vector.shape_cast %get3A_716 : vector<1x16xf32> to vector<16xf32>
        %mul3A_718 = arith.mulf %gather3A_713, %get3A_717 : vector<16xf32>
        %add3A_719 = arith.addf %add3A_663, %mul3A_718 : vector<16xf32>
        %get3A_720 = arith.index_cast %add3A_709 : i32 to index
        %get3A_721 = arith.constant 16 : index
        %get3A_722 = tpu.vector_load %arg8[%get3A_720, %get3A_721] {strides = array<i32>} : memref<208x128xf32, #tpu.memory_space<vmem>>, vector<1x16xf32>,
        %get3A_723 = vector.shape_cast %get3A_722 : vector<1x16xf32> to vector<16xf32>
        %mul3A_724 = arith.mulf %gather3A_713, %get3A_723 : vector<16xf32>
        %add3A_725 = arith.addf %add3A_669, %mul3A_724 : vector<16xf32>
        %get3A_726 = arith.index_cast %add3A_709 : i32 to index
        %get3A_727 = arith.constant 32 : index
        %get3A_728 = tpu.vector_load %arg8[%get3A_726, %get3A_727] {strides = array<i32>} : memref<208x128xf32, #tpu.memory_space<vmem>>, vector<1x16xf32>,
        %get3A_729 = vector.shape_cast %get3A_728 : vector<1x16xf32> to vector<16xf32>
        %mul3A_730 = arith.mulf %gather3A_713, %get3A_729 : vector<16xf32>
        %add3A_731 = arith.addf %add3A_675, %mul3A_730 : vector<16xf32>
        %get3A_732 = arith.index_cast %add3A_709 : i32 to index
        %get3A_733 = arith.constant 48 : index
        %get3A_734 = tpu.vector_load %arg8[%get3A_732, %get3A_733] {strides = array<i32>} : memref<208x128xf32, #tpu.memory_space<vmem>>, vector<1x16xf32>,
        %get3A_735 = vector.shape_cast %get3A_734 : vector<1x16xf32> to vector<16xf32>
        %mul3A_736 = arith.mulf %gather3A_713, %get3A_735 : vector<16xf32>
        %add3A_737 = arith.addf %add3A_681, %mul3A_736 : vector<16xf32>
        %get3A_738 = arith.index_cast %add3A_709 : i32 to index
        %get3A_739 = arith.constant 64 : index
        %get3A_740 = tpu.vector_load %arg8[%get3A_738, %get3A_739] {strides = array<i32>} : memref<208x128xf32, #tpu.memory_space<vmem>>, vector<1x16xf32>,
        %get3A_741 = vector.shape_cast %get3A_740 : vector<1x16xf32> to vector<16xf32>
        %mul3A_742 = arith.mulf %gather3A_713, %get3A_741 : vector<16xf32>
        %add3A_743 = arith.addf %add3A_687, %mul3A_742 : vector<16xf32>
        %get3A_744 = arith.index_cast %add3A_709 : i32 to index
        %get3A_745 = arith.constant 80 : index
        %get3A_746 = tpu.vector_load %arg8[%get3A_744, %get3A_745] {strides = array<i32>} : memref<208x128xf32, #tpu.memory_space<vmem>>, vector<1x16xf32>,
        %get3A_747 = vector.shape_cast %get3A_746 : vector<1x16xf32> to vector<16xf32>
        %mul3A_748 = arith.mulf %gather3A_713, %get3A_747 : vector<16xf32>
        %add3A_749 = arith.addf %add3A_693, %mul3A_748 : vector<16xf32>
        %get3A_750 = arith.index_cast %add3A_709 : i32 to index
        %get3A_751 = arith.constant 96 : index
        %get3A_752 = tpu.vector_load %arg8[%get3A_750, %get3A_751] {strides = array<i32>} : memref<208x128xf32, #tpu.memory_space<vmem>>, vector<1x16xf32>,
        %get3A_753 = vector.shape_cast %get3A_752 : vector<1x16xf32> to vector<16xf32>
        %mul3A_754 = arith.mulf %gather3A_713, %get3A_753 : vector<16xf32>
        %add3A_755 = arith.addf %add3A_699, %mul3A_754 : vector<16xf32>
        %get3A_756 = arith.index_cast %add3A_709 : i32 to index
        %get3A_757 = arith.constant 112 : index
        %get3A_758 = tpu.vector_load %arg8[%get3A_756, %get3A_757] {strides = array<i32>} : memref<208x128xf32, #tpu.memory_space<vmem>>, vector<1x16xf32>,
        %get3A_759 = vector.shape_cast %get3A_758 : vector<1x16xf32> to vector<16xf32>
        %mul3A_760 = arith.mulf %gather3A_713, %get3A_759 : vector<16xf32>
        %add3A_761 = arith.addf %add3A_705, %mul3A_760 : vector<16xf32>
        %mul3A_762 = arith.constant 16 : i32
        %mul3A_763 = arith.muli %scan3A_301, %mul3A_762 : i32
        %add3A_764 = arith.constant 8 : i32
        %add3A_765 = arith.addi %mul3A_763, %add3A_764 : i32
        %broadcast_in_dim3A_766 = arith.constant 8 : i32
        %broadcast_in_dim3A_767 = vector.broadcast %broadcast_in_dim3A_766 : i32 to vector<16x1xi32>
        %gather3A_768 = vector.shape_cast %broadcast_in_dim3A_767 : vector<16x1xi32> to vector<16xi32>
        %gather3A_769 = tpu.dynamic_gather %get3A_314[%gather3A_768] in [0] : vector<16xf32>, vector<16xi32> -> vector<16xf32>
        %get3A_770 = arith.index_cast %add3A_765 : i32 to index
        %get3A_771 = arith.constant 0 : index
        %get3A_772 = tpu.vector_load %arg8[%get3A_770, %get3A_771] {strides = array<i32>} : memref<208x128xf32, #tpu.memory_space<vmem>>, vector<1x16xf32>,
        %get3A_773 = vector.shape_cast %get3A_772 : vector<1x16xf32> to vector<16xf32>
        %mul3A_774 = arith.mulf %gather3A_769, %get3A_773 : vector<16xf32>
        %add3A_775 = arith.addf %add3A_719, %mul3A_774 : vector<16xf32>
        %get3A_776 = arith.index_cast %add3A_765 : i32 to index
        %get3A_777 = arith.constant 16 : index
        %get3A_778 = tpu.vector_load %arg8[%get3A_776, %get3A_777] {strides = array<i32>} : memref<208x128xf32, #tpu.memory_space<vmem>>, vector<1x16xf32>,
        %get3A_779 = vector.shape_cast %get3A_778 : vector<1x16xf32> to vector<16xf32>
        %mul3A_780 = arith.mulf %gather3A_769, %get3A_779 : vector<16xf32>
        %add3A_781 = arith.addf %add3A_725, %mul3A_780 : vector<16xf32>
        %get3A_782 = arith.index_cast %add3A_765 : i32 to index
        %get3A_783 = arith.constant 32 : index
        %get3A_784 = tpu.vector_load %arg8[%get3A_782, %get3A_783] {strides = array<i32>} : memref<208x128xf32, #tpu.memory_space<vmem>>, vector<1x16xf32>,
        %get3A_785 = vector.shape_cast %get3A_784 : vector<1x16xf32> to vector<16xf32>
        %mul3A_786 = arith.mulf %gather3A_769, %get3A_785 : vector<16xf32>
        %add3A_787 = arith.addf %add3A_731, %mul3A_786 : vector<16xf32>
        %get3A_788 = arith.index_cast %add3A_765 : i32 to index
        %get3A_789 = arith.constant 48 : index
        %get3A_790 = tpu.vector_load %arg8[%get3A_788, %get3A_789] {strides = array<i32>} : memref<208x128xf32, #tpu.memory_space<vmem>>, vector<1x16xf32>,
        %get3A_791 = vector.shape_cast %get3A_790 : vector<1x16xf32> to vector<16xf32>
        %mul3A_792 = arith.mulf %gather3A_769, %get3A_791 : vector<16xf32>
        %add3A_793 = arith.addf %add3A_737, %mul3A_792 : vector<16xf32>
        %get3A_794 = arith.index_cast %add3A_765 : i32 to index
        %get3A_795 = arith.constant 64 : index
        %get3A_796 = tpu.vector_load %arg8[%get3A_794, %get3A_795] {strides = array<i32>} : memref<208x128xf32, #tpu.memory_space<vmem>>, vector<1x16xf32>,
        %get3A_797 = vector.shape_cast %get3A_796 : vector<1x16xf32> to vector<16xf32>
        %mul3A_798 = arith.mulf %gather3A_769, %get3A_797 : vector<16xf32>
        %add3A_799 = arith.addf %add3A_743, %mul3A_798 : vector<16xf32>
        %get3A_800 = arith.index_cast %add3A_765 : i32 to index
        %get3A_801 = arith.constant 80 : index
        %get3A_802 = tpu.vector_load %arg8[%get3A_800, %get3A_801] {strides = array<i32>} : memref<208x128xf32, #tpu.memory_space<vmem>>, vector<1x16xf32>,
        %get3A_803 = vector.shape_cast %get3A_802 : vector<1x16xf32> to vector<16xf32>
        %mul3A_804 = arith.mulf %gather3A_769, %get3A_803 : vector<16xf32>
        %add3A_805 = arith.addf %add3A_749, %mul3A_804 : vector<16xf32>
        %get3A_806 = arith.index_cast %add3A_765 : i32 to index
        %get3A_807 = arith.constant 96 : index
        %get3A_808 = tpu.vector_load %arg8[%get3A_806, %get3A_807] {strides = array<i32>} : memref<208x128xf32, #tpu.memory_space<vmem>>, vector<1x16xf32>,
        %get3A_809 = vector.shape_cast %get3A_808 : vector<1x16xf32> to vector<16xf32>
        %mul3A_810 = arith.mulf %gather3A_769, %get3A_809 : vector<16xf32>
        %add3A_811 = arith.addf %add3A_755, %mul3A_810 : vector<16xf32>
        %get3A_812 = arith.index_cast %add3A_765 : i32 to index
        %get3A_813 = arith.constant 112 : index
        %get3A_814 = tpu.vector_load %arg8[%get3A_812, %get3A_813] {strides = array<i32>} : memref<208x128xf32, #tpu.memory_space<vmem>>, vector<1x16xf32>,
        %get3A_815 = vector.shape_cast %get3A_814 : vector<1x16xf32> to vector<16xf32>
        %mul3A_816 = arith.mulf %gather3A_769, %get3A_815 : vector<16xf32>
        %add3A_817 = arith.addf %add3A_761, %mul3A_816 : vector<16xf32>
        %mul3A_818 = arith.constant 16 : i32
        %mul3A_819 = arith.muli %scan3A_301, %mul3A_818 : i32
        %add3A_820 = arith.constant 9 : i32
        %add3A_821 = arith.addi %mul3A_819, %add3A_820 : i32
        %broadcast_in_dim3A_822 = arith.constant 9 : i32
        %broadcast_in_dim3A_823 = vector.broadcast %broadcast_in_dim3A_822 : i32 to vector<16x1xi32>
        %gather3A_824 = vector.shape_cast %broadcast_in_dim3A_823 : vector<16x1xi32> to vector<16xi32>
        %gather3A_825 = tpu.dynamic_gather %get3A_314[%gather3A_824] in [0] : vector<16xf32>, vector<16xi32> -> vector<16xf32>
        %get3A_826 = arith.index_cast %add3A_821 : i32 to index
        %get3A_827 = arith.constant 0 : index
        %get3A_828 = tpu.vector_load %arg8[%get3A_826, %get3A_827] {strides = array<i32>} : memref<208x128xf32, #tpu.memory_space<vmem>>, vector<1x16xf32>,
        %get3A_829 = vector.shape_cast %get3A_828 : vector<1x16xf32> to vector<16xf32>
        %mul3A_830 = arith.mulf %gather3A_825, %get3A_829 : vector<16xf32>
        %add3A_831 = arith.addf %add3A_775, %mul3A_830 : vector<16xf32>
        %get3A_832 = arith.index_cast %add3A_821 : i32 to index
        %get3A_833 = arith.constant 16 : index
        %get3A_834 = tpu.vector_load %arg8[%get3A_832, %get3A_833] {strides = array<i32>} : memref<208x128xf32, #tpu.memory_space<vmem>>, vector<1x16xf32>,
        %get3A_835 = vector.shape_cast %get3A_834 : vector<1x16xf32> to vector<16xf32>
        %mul3A_836 = arith.mulf %gather3A_825, %get3A_835 : vector<16xf32>
        %add3A_837 = arith.addf %add3A_781, %mul3A_836 : vector<16xf32>
        %get3A_838 = arith.index_cast %add3A_821 : i32 to index
        %get3A_839 = arith.constant 32 : index
        %get3A_840 = tpu.vector_load %arg8[%get3A_838, %get3A_839] {strides = array<i32>} : memref<208x128xf32, #tpu.memory_space<vmem>>, vector<1x16xf32>,
        %get3A_841 = vector.shape_cast %get3A_840 : vector<1x16xf32> to vector<16xf32>
        %mul3A_842 = arith.mulf %gather3A_825, %get3A_841 : vector<16xf32>
        %add3A_843 = arith.addf %add3A_787, %mul3A_842 : vector<16xf32>
        %get3A_844 = arith.index_cast %add3A_821 : i32 to index
        %get3A_845 = arith.constant 48 : index
        %get3A_846 = tpu.vector_load %arg8[%get3A_844, %get3A_845] {strides = array<i32>} : memref<208x128xf32, #tpu.memory_space<vmem>>, vector<1x16xf32>,
        %get3A_847 = vector.shape_cast %get3A_846 : vector<1x16xf32> to vector<16xf32>
        %mul3A_848 = arith.mulf %gather3A_825, %get3A_847 : vector<16xf32>
        %add3A_849 = arith.addf %add3A_793, %mul3A_848 : vector<16xf32>
        %get3A_850 = arith.index_cast %add3A_821 : i32 to index
        %get3A_851 = arith.constant 64 : index
        %get3A_852 = tpu.vector_load %arg8[%get3A_850, %get3A_851] {strides = array<i32>} : memref<208x128xf32, #tpu.memory_space<vmem>>, vector<1x16xf32>,
        %get3A_853 = vector.shape_cast %get3A_852 : vector<1x16xf32> to vector<16xf32>
        %mul3A_854 = arith.mulf %gather3A_825, %get3A_853 : vector<16xf32>
        %add3A_855 = arith.addf %add3A_799, %mul3A_854 : vector<16xf32>
        %get3A_856 = arith.index_cast %add3A_821 : i32 to index
        %get3A_857 = arith.constant 80 : index
        %get3A_858 = tpu.vector_load %arg8[%get3A_856, %get3A_857] {strides = array<i32>} : memref<208x128xf32, #tpu.memory_space<vmem>>, vector<1x16xf32>,
        %get3A_859 = vector.shape_cast %get3A_858 : vector<1x16xf32> to vector<16xf32>
        %mul3A_860 = arith.mulf %gather3A_825, %get3A_859 : vector<16xf32>
        %add3A_861 = arith.addf %add3A_805, %mul3A_860 : vector<16xf32>
        %get3A_862 = arith.index_cast %add3A_821 : i32 to index
        %get3A_863 = arith.constant 96 : index
        %get3A_864 = tpu.vector_load %arg8[%get3A_862, %get3A_863] {strides = array<i32>} : memref<208x128xf32, #tpu.memory_space<vmem>>, vector<1x16xf32>,
        %get3A_865 = vector.shape_cast %get3A_864 : vector<1x16xf32> to vector<16xf32>
        %mul3A_866 = arith.mulf %gather3A_825, %get3A_865 : vector<16xf32>
        %add3A_867 = arith.addf %add3A_811, %mul3A_866 : vector<16xf32>
        %get3A_868 = arith.index_cast %add3A_821 : i32 to index
        %get3A_869 = arith.constant 112 : index
        %get3A_870 = tpu.vector_load %arg8[%get3A_868, %get3A_869] {strides = array<i32>} : memref<208x128xf32, #tpu.memory_space<vmem>>, vector<1x16xf32>,
        %get3A_871 = vector.shape_cast %get3A_870 : vector<1x16xf32> to vector<16xf32>
        %mul3A_872 = arith.mulf %gather3A_825, %get3A_871 : vector<16xf32>
        %add3A_873 = arith.addf %add3A_817, %mul3A_872 : vector<16xf32>
        %mul3A_874 = arith.constant 16 : i32
        %mul3A_875 = arith.muli %scan3A_301, %mul3A_874 : i32
        %add3A_876 = arith.constant 10 : i32
        %add3A_877 = arith.addi %mul3A_875, %add3A_876 : i32
        %broadcast_in_dim3A_878 = arith.constant 10 : i32
        %broadcast_in_dim3A_879 = vector.broadcast %broadcast_in_dim3A_878 : i32 to vector<16x1xi32>
        %gather3A_880 = vector.shape_cast %broadcast_in_dim3A_879 : vector<16x1xi32> to vector<16xi32>
        %gather3A_881 = tpu.dynamic_gather %get3A_314[%gather3A_880] in [0] : vector<16xf32>, vector<16xi32> -> vector<16xf32>
        %get3A_882 = arith.index_cast %add3A_877 : i32 to index
        %get3A_883 = arith.constant 0 : index
        %get3A_884 = tpu.vector_load %arg8[%get3A_882, %get3A_883] {strides = array<i32>} : memref<208x128xf32, #tpu.memory_space<vmem>>, vector<1x16xf32>,
        %get3A_885 = vector.shape_cast %get3A_884 : vector<1x16xf32> to vector<16xf32>
        %mul3A_886 = arith.mulf %gather3A_881, %get3A_885 : vector<16xf32>
        %add3A_887 = arith.addf %add3A_831, %mul3A_886 : vector<16xf32>
        %get3A_888 = arith.index_cast %add3A_877 : i32 to index
        %get3A_889 = arith.constant 16 : index
        %get3A_890 = tpu.vector_load %arg8[%get3A_888, %get3A_889] {strides = array<i32>} : memref<208x128xf32, #tpu.memory_space<vmem>>, vector<1x16xf32>,
        %get3A_891 = vector.shape_cast %get3A_890 : vector<1x16xf32> to vector<16xf32>
        %mul3A_892 = arith.mulf %gather3A_881, %get3A_891 : vector<16xf32>
        %add3A_893 = arith.addf %add3A_837, %mul3A_892 : vector<16xf32>
        %get3A_894 = arith.index_cast %add3A_877 : i32 to index
        %get3A_895 = arith.constant 32 : index
        %get3A_896 = tpu.vector_load %arg8[%get3A_894, %get3A_895] {strides = array<i32>} : memref<208x128xf32, #tpu.memory_space<vmem>>, vector<1x16xf32>,
        %get3A_897 = vector.shape_cast %get3A_896 : vector<1x16xf32> to vector<16xf32>
        %mul3A_898 = arith.mulf %gather3A_881, %get3A_897 : vector<16xf32>
        %add3A_899 = arith.addf %add3A_843, %mul3A_898 : vector<16xf32>
        %get3A_900 = arith.index_cast %add3A_877 : i32 to index
        %get3A_901 = arith.constant 48 : index
        %get3A_902 = tpu.vector_load %arg8[%get3A_900, %get3A_901] {strides = array<i32>} : memref<208x128xf32, #tpu.memory_space<vmem>>, vector<1x16xf32>,
        %get3A_903 = vector.shape_cast %get3A_902 : vector<1x16xf32> to vector<16xf32>
        %mul3A_904 = arith.mulf %gather3A_881, %get3A_903 : vector<16xf32>
        %add3A_905 = arith.addf %add3A_849, %mul3A_904 : vector<16xf32>
        %get3A_906 = arith.index_cast %add3A_877 : i32 to index
        %get3A_907 = arith.constant 64 : index
        %get3A_908 = tpu.vector_load %arg8[%get3A_906, %get3A_907] {strides = array<i32>} : memref<208x128xf32, #tpu.memory_space<vmem>>, vector<1x16xf32>,
        %get3A_909 = vector.shape_cast %get3A_908 : vector<1x16xf32> to vector<16xf32>
        %mul3A_910 = arith.mulf %gather3A_881, %get3A_909 : vector<16xf32>
        %add3A_911 = arith.addf %add3A_855, %mul3A_910 : vector<16xf32>
        %get3A_912 = arith.index_cast %add3A_877 : i32 to index
        %get3A_913 = arith.constant 80 : index
        %get3A_914 = tpu.vector_load %arg8[%get3A_912, %get3A_913] {strides = array<i32>} : memref<208x128xf32, #tpu.memory_space<vmem>>, vector<1x16xf32>,
        %get3A_915 = vector.shape_cast %get3A_914 : vector<1x16xf32> to vector<16xf32>
        %mul3A_916 = arith.mulf %gather3A_881, %get3A_915 : vector<16xf32>
        %add3A_917 = arith.addf %add3A_861, %mul3A_916 : vector<16xf32>
        %get3A_918 = arith.index_cast %add3A_877 : i32 to index
        %get3A_919 = arith.constant 96 : index
        %get3A_920 = tpu.vector_load %arg8[%get3A_918, %get3A_919] {strides = array<i32>} : memref<208x128xf32, #tpu.memory_space<vmem>>, vector<1x16xf32>,
        %get3A_921 = vector.shape_cast %get3A_920 : vector<1x16xf32> to vector<16xf32>
        %mul3A_922 = arith.mulf %gather3A_881, %get3A_921 : vector<16xf32>
        %add3A_923 = arith.addf %add3A_867, %mul3A_922 : vector<16xf32>
        %get3A_924 = arith.index_cast %add3A_877 : i32 to index
        %get3A_925 = arith.constant 112 : index
        %get3A_926 = tpu.vector_load %arg8[%get3A_924, %get3A_925] {strides = array<i32>} : memref<208x128xf32, #tpu.memory_space<vmem>>, vector<1x16xf32>,
        %get3A_927 = vector.shape_cast %get3A_926 : vector<1x16xf32> to vector<16xf32>
        %mul3A_928 = arith.mulf %gather3A_881, %get3A_927 : vector<16xf32>
        %add3A_929 = arith.addf %add3A_873, %mul3A_928 : vector<16xf32>
        %mul3A_930 = arith.constant 16 : i32
        %mul3A_931 = arith.muli %scan3A_301, %mul3A_930 : i32
        %add3A_932 = arith.constant 11 : i32
        %add3A_933 = arith.addi %mul3A_931, %add3A_932 : i32
        %broadcast_in_dim3A_934 = arith.constant 11 : i32
        %broadcast_in_dim3A_935 = vector.broadcast %broadcast_in_dim3A_934 : i32 to vector<16x1xi32>
        %gather3A_936 = vector.shape_cast %broadcast_in_dim3A_935 : vector<16x1xi32> to vector<16xi32>
        %gather3A_937 = tpu.dynamic_gather %get3A_314[%gather3A_936] in [0] : vector<16xf32>, vector<16xi32> -> vector<16xf32>
        %get3A_938 = arith.index_cast %add3A_933 : i32 to index
        %get3A_939 = arith.constant 0 : index
        %get3A_940 = tpu.vector_load %arg8[%get3A_938, %get3A_939] {strides = array<i32>} : memref<208x128xf32, #tpu.memory_space<vmem>>, vector<1x16xf32>,
        %get3A_941 = vector.shape_cast %get3A_940 : vector<1x16xf32> to vector<16xf32>
        %mul3A_942 = arith.mulf %gather3A_937, %get3A_941 : vector<16xf32>
        %add3A_943 = arith.addf %add3A_887, %mul3A_942 : vector<16xf32>
        %get3A_944 = arith.index_cast %add3A_933 : i32 to index
        %get3A_945 = arith.constant 16 : index
        %get3A_946 = tpu.vector_load %arg8[%get3A_944, %get3A_945] {strides = array<i32>} : memref<208x128xf32, #tpu.memory_space<vmem>>, vector<1x16xf32>,
        %get3A_947 = vector.shape_cast %get3A_946 : vector<1x16xf32> to vector<16xf32>
        %mul3A_948 = arith.mulf %gather3A_937, %get3A_947 : vector<16xf32>
        %add3A_949 = arith.addf %add3A_893, %mul3A_948 : vector<16xf32>
        %get3A_950 = arith.index_cast %add3A_933 : i32 to index
        %get3A_951 = arith.constant 32 : index
        %get3A_952 = tpu.vector_load %arg8[%get3A_950, %get3A_951] {strides = array<i32>} : memref<208x128xf32, #tpu.memory_space<vmem>>, vector<1x16xf32>,
        %get3A_953 = vector.shape_cast %get3A_952 : vector<1x16xf32> to vector<16xf32>
        %mul3A_954 = arith.mulf %gather3A_937, %get3A_953 : vector<16xf32>
        %add3A_955 = arith.addf %add3A_899, %mul3A_954 : vector<16xf32>
        %get3A_956 = arith.index_cast %add3A_933 : i32 to index
        %get3A_957 = arith.constant 48 : index
        %get3A_958 = tpu.vector_load %arg8[%get3A_956, %get3A_957] {strides = array<i32>} : memref<208x128xf32, #tpu.memory_space<vmem>>, vector<1x16xf32>,
        %get3A_959 = vector.shape_cast %get3A_958 : vector<1x16xf32> to vector<16xf32>
        %mul3A_960 = arith.mulf %gather3A_937, %get3A_959 : vector<16xf32>
        %add3A_961 = arith.addf %add3A_905, %mul3A_960 : vector<16xf32>
        %get3A_962 = arith.index_cast %add3A_933 : i32 to index
        %get3A_963 = arith.constant 64 : index
        %get3A_964 = tpu.vector_load %arg8[%get3A_962, %get3A_963] {strides = array<i32>} : memref<208x128xf32, #tpu.memory_space<vmem>>, vector<1x16xf32>,
        %get3A_965 = vector.shape_cast %get3A_964 : vector<1x16xf32> to vector<16xf32>
        %mul3A_966 = arith.mulf %gather3A_937, %get3A_965 : vector<16xf32>
        %add3A_967 = arith.addf %add3A_911, %mul3A_966 : vector<16xf32>
        %get3A_968 = arith.index_cast %add3A_933 : i32 to index
        %get3A_969 = arith.constant 80 : index
        %get3A_970 = tpu.vector_load %arg8[%get3A_968, %get3A_969] {strides = array<i32>} : memref<208x128xf32, #tpu.memory_space<vmem>>, vector<1x16xf32>,
        %get3A_971 = vector.shape_cast %get3A_970 : vector<1x16xf32> to vector<16xf32>
        %mul3A_972 = arith.mulf %gather3A_937, %get3A_971 : vector<16xf32>
        %add3A_973 = arith.addf %add3A_917, %mul3A_972 : vector<16xf32>
        %get3A_974 = arith.index_cast %add3A_933 : i32 to index
        %get3A_975 = arith.constant 96 : index
        %get3A_976 = tpu.vector_load %arg8[%get3A_974, %get3A_975] {strides = array<i32>} : memref<208x128xf32, #tpu.memory_space<vmem>>, vector<1x16xf32>,
        %get3A_977 = vector.shape_cast %get3A_976 : vector<1x16xf32> to vector<16xf32>
        %mul3A_978 = arith.mulf %gather3A_937, %get3A_977 : vector<16xf32>
        %add3A_979 = arith.addf %add3A_923, %mul3A_978 : vector<16xf32>
        %get3A_980 = arith.index_cast %add3A_933 : i32 to index
        %get3A_981 = arith.constant 112 : index
        %get3A_982 = tpu.vector_load %arg8[%get3A_980, %get3A_981] {strides = array<i32>} : memref<208x128xf32, #tpu.memory_space<vmem>>, vector<1x16xf32>,
        %get3A_983 = vector.shape_cast %get3A_982 : vector<1x16xf32> to vector<16xf32>
        %mul3A_984 = arith.mulf %gather3A_937, %get3A_983 : vector<16xf32>
        %add3A_985 = arith.addf %add3A_929, %mul3A_984 : vector<16xf32>
        %mul3A_986 = arith.constant 16 : i32
        %mul3A_987 = arith.muli %scan3A_301, %mul3A_986 : i32
        %add3A_988 = arith.constant 12 : i32
        %add3A_989 = arith.addi %mul3A_987, %add3A_988 : i32
        %broadcast_in_dim3A_990 = arith.constant 12 : i32
        %broadcast_in_dim3A_991 = vector.broadcast %broadcast_in_dim3A_990 : i32 to vector<16x1xi32>
        %gather3A_992 = vector.shape_cast %broadcast_in_dim3A_991 : vector<16x1xi32> to vector<16xi32>
        %gather3A_993 = tpu.dynamic_gather %get3A_314[%gather3A_992] in [0] : vector<16xf32>, vector<16xi32> -> vector<16xf32>
        %get3A_994 = arith.index_cast %add3A_989 : i32 to index
        %get3A_995 = arith.constant 0 : index
        %get3A_996 = tpu.vector_load %arg8[%get3A_994, %get3A_995] {strides = array<i32>} : memref<208x128xf32, #tpu.memory_space<vmem>>, vector<1x16xf32>,
        %get3A_997 = vector.shape_cast %get3A_996 : vector<1x16xf32> to vector<16xf32>
        %mul3A_998 = arith.mulf %gather3A_993, %get3A_997 : vector<16xf32>
        %add3A_999 = arith.addf %add3A_943, %mul3A_998 : vector<16xf32>
        %get3A_1000 = arith.index_cast %add3A_989 : i32 to index
        %get3A_1001 = arith.constant 16 : index
        %get3A_1002 = tpu.vector_load %arg8[%get3A_1000, %get3A_1001] {strides = array<i32>} : memref<208x128xf32, #tpu.memory_space<vmem>>, vector<1x16xf32>,
        %get3A_1003 = vector.shape_cast %get3A_1002 : vector<1x16xf32> to vector<16xf32>
        %mul3A_1004 = arith.mulf %gather3A_993, %get3A_1003 : vector<16xf32>
        %add3A_1005 = arith.addf %add3A_949, %mul3A_1004 : vector<16xf32>
        %get3A_1006 = arith.index_cast %add3A_989 : i32 to index
        %get3A_1007 = arith.constant 32 : index
        %get3A_1008 = tpu.vector_load %arg8[%get3A_1006, %get3A_1007] {strides = array<i32>} : memref<208x128xf32, #tpu.memory_space<vmem>>, vector<1x16xf32>,
        %get3A_1009 = vector.shape_cast %get3A_1008 : vector<1x16xf32> to vector<16xf32>
        %mul3A_1010 = arith.mulf %gather3A_993, %get3A_1009 : vector<16xf32>
        %add3A_1011 = arith.addf %add3A_955, %mul3A_1010 : vector<16xf32>
        %get3A_1012 = arith.index_cast %add3A_989 : i32 to index
        %get3A_1013 = arith.constant 48 : index
        %get3A_1014 = tpu.vector_load %arg8[%get3A_1012, %get3A_1013] {strides = array<i32>} : memref<208x128xf32, #tpu.memory_space<vmem>>, vector<1x16xf32>,
        %get3A_1015 = vector.shape_cast %get3A_1014 : vector<1x16xf32> to vector<16xf32>
        %mul3A_1016 = arith.mulf %gather3A_993, %get3A_1015 : vector<16xf32>
        %add3A_1017 = arith.addf %add3A_961, %mul3A_1016 : vector<16xf32>
        %get3A_1018 = arith.index_cast %add3A_989 : i32 to index
        %get3A_1019 = arith.constant 64 : index
        %get3A_1020 = tpu.vector_load %arg8[%get3A_1018, %get3A_1019] {strides = array<i32>} : memref<208x128xf32, #tpu.memory_space<vmem>>, vector<1x16xf32>,
        %get3A_1021 = vector.shape_cast %get3A_1020 : vector<1x16xf32> to vector<16xf32>
        %mul3A_1022 = arith.mulf %gather3A_993, %get3A_1021 : vector<16xf32>
        %add3A_1023 = arith.addf %add3A_967, %mul3A_1022 : vector<16xf32>
        %get3A_1024 = arith.index_cast %add3A_989 : i32 to index
        %get3A_1025 = arith.constant 80 : index
        %get3A_1026 = tpu.vector_load %arg8[%get3A_1024, %get3A_1025] {strides = array<i32>} : memref<208x128xf32, #tpu.memory_space<vmem>>, vector<1x16xf32>,
        %get3A_1027 = vector.shape_cast %get3A_1026 : vector<1x16xf32> to vector<16xf32>
        %mul3A_1028 = arith.mulf %gather3A_993, %get3A_1027 : vector<16xf32>
        %add3A_1029 = arith.addf %add3A_973, %mul3A_1028 : vector<16xf32>
        %get3A_1030 = arith.index_cast %add3A_989 : i32 to index
        %get3A_1031 = arith.constant 96 : index
        %get3A_1032 = tpu.vector_load %arg8[%get3A_1030, %get3A_1031] {strides = array<i32>} : memref<208x128xf32, #tpu.memory_space<vmem>>, vector<1x16xf32>,
        %get3A_1033 = vector.shape_cast %get3A_1032 : vector<1x16xf32> to vector<16xf32>
        %mul3A_1034 = arith.mulf %gather3A_993, %get3A_1033 : vector<16xf32>
        %add3A_1035 = arith.addf %add3A_979, %mul3A_1034 : vector<16xf32>
        %get3A_1036 = arith.index_cast %add3A_989 : i32 to index
        %get3A_1037 = arith.constant 112 : index
        %get3A_1038 = tpu.vector_load %arg8[%get3A_1036, %get3A_1037] {strides = array<i32>} : memref<208x128xf32, #tpu.memory_space<vmem>>, vector<1x16xf32>,
        %get3A_1039 = vector.shape_cast %get3A_1038 : vector<1x16xf32> to vector<16xf32>
        %mul3A_1040 = arith.mulf %gather3A_993, %get3A_1039 : vector<16xf32>
        %add3A_1041 = arith.addf %add3A_985, %mul3A_1040 : vector<16xf32>
        %mul3A_1042 = arith.constant 16 : i32
        %mul3A_1043 = arith.muli %scan3A_301, %mul3A_1042 : i32
        %add3A_1044 = arith.constant 13 : i32
        %add3A_1045 = arith.addi %mul3A_1043, %add3A_1044 : i32
        %broadcast_in_dim3A_1046 = arith.constant 13 : i32
        %broadcast_in_dim3A_1047 = vector.broadcast %broadcast_in_dim3A_1046 : i32 to vector<16x1xi32>
        %gather3A_1048 = vector.shape_cast %broadcast_in_dim3A_1047 : vector<16x1xi32> to vector<16xi32>
        %gather3A_1049 = tpu.dynamic_gather %get3A_314[%gather3A_1048] in [0] : vector<16xf32>, vector<16xi32> -> vector<16xf32>
        %get3A_1050 = arith.index_cast %add3A_1045 : i32 to index
        %get3A_1051 = arith.constant 0 : index
        %get3A_1052 = tpu.vector_load %arg8[%get3A_1050, %get3A_1051] {strides = array<i32>} : memref<208x128xf32, #tpu.memory_space<vmem>>, vector<1x16xf32>,
        %get3A_1053 = vector.shape_cast %get3A_1052 : vector<1x16xf32> to vector<16xf32>
        %mul3A_1054 = arith.mulf %gather3A_1049, %get3A_1053 : vector<16xf32>
        %add3A_1055 = arith.addf %add3A_999, %mul3A_1054 : vector<16xf32>
        %get3A_1056 = arith.index_cast %add3A_1045 : i32 to index
        %get3A_1057 = arith.constant 16 : index
        %get3A_1058 = tpu.vector_load %arg8[%get3A_1056, %get3A_1057] {strides = array<i32>} : memref<208x128xf32, #tpu.memory_space<vmem>>, vector<1x16xf32>,
        %get3A_1059 = vector.shape_cast %get3A_1058 : vector<1x16xf32> to vector<16xf32>
        %mul3A_1060 = arith.mulf %gather3A_1049, %get3A_1059 : vector<16xf32>
        %add3A_1061 = arith.addf %add3A_1005, %mul3A_1060 : vector<16xf32>
        %get3A_1062 = arith.index_cast %add3A_1045 : i32 to index
        %get3A_1063 = arith.constant 32 : index
        %get3A_1064 = tpu.vector_load %arg8[%get3A_1062, %get3A_1063] {strides = array<i32>} : memref<208x128xf32, #tpu.memory_space<vmem>>, vector<1x16xf32>,
        %get3A_1065 = vector.shape_cast %get3A_1064 : vector<1x16xf32> to vector<16xf32>
        %mul3A_1066 = arith.mulf %gather3A_1049, %get3A_1065 : vector<16xf32>
        %add3A_1067 = arith.addf %add3A_1011, %mul3A_1066 : vector<16xf32>
        %get3A_1068 = arith.index_cast %add3A_1045 : i32 to index
        %get3A_1069 = arith.constant 48 : index
        %get3A_1070 = tpu.vector_load %arg8[%get3A_1068, %get3A_1069] {strides = array<i32>} : memref<208x128xf32, #tpu.memory_space<vmem>>, vector<1x16xf32>,
        %get3A_1071 = vector.shape_cast %get3A_1070 : vector<1x16xf32> to vector<16xf32>
        %mul3A_1072 = arith.mulf %gather3A_1049, %get3A_1071 : vector<16xf32>
        %add3A_1073 = arith.addf %add3A_1017, %mul3A_1072 : vector<16xf32>
        %get3A_1074 = arith.index_cast %add3A_1045 : i32 to index
        %get3A_1075 = arith.constant 64 : index
        %get3A_1076 = tpu.vector_load %arg8[%get3A_1074, %get3A_1075] {strides = array<i32>} : memref<208x128xf32, #tpu.memory_space<vmem>>, vector<1x16xf32>,
        %get3A_1077 = vector.shape_cast %get3A_1076 : vector<1x16xf32> to vector<16xf32>
        %mul3A_1078 = arith.mulf %gather3A_1049, %get3A_1077 : vector<16xf32>
        %add3A_1079 = arith.addf %add3A_1023, %mul3A_1078 : vector<16xf32>
        %get3A_1080 = arith.index_cast %add3A_1045 : i32 to index
        %get3A_1081 = arith.constant 80 : index
        %get3A_1082 = tpu.vector_load %arg8[%get3A_1080, %get3A_1081] {strides = array<i32>} : memref<208x128xf32, #tpu.memory_space<vmem>>, vector<1x16xf32>,
        %get3A_1083 = vector.shape_cast %get3A_1082 : vector<1x16xf32> to vector<16xf32>
        %mul3A_1084 = arith.mulf %gather3A_1049, %get3A_1083 : vector<16xf32>
        %add3A_1085 = arith.addf %add3A_1029, %mul3A_1084 : vector<16xf32>
        %get3A_1086 = arith.index_cast %add3A_1045 : i32 to index
        %get3A_1087 = arith.constant 96 : index
        %get3A_1088 = tpu.vector_load %arg8[%get3A_1086, %get3A_1087] {strides = array<i32>} : memref<208x128xf32, #tpu.memory_space<vmem>>, vector<1x16xf32>,
        %get3A_1089 = vector.shape_cast %get3A_1088 : vector<1x16xf32> to vector<16xf32>
        %mul3A_1090 = arith.mulf %gather3A_1049, %get3A_1089 : vector<16xf32>
        %add3A_1091 = arith.addf %add3A_1035, %mul3A_1090 : vector<16xf32>
        %get3A_1092 = arith.index_cast %add3A_1045 : i32 to index
        %get3A_1093 = arith.constant 112 : index
        %get3A_1094 = tpu.vector_load %arg8[%get3A_1092, %get3A_1093] {strides = array<i32>} : memref<208x128xf32, #tpu.memory_space<vmem>>, vector<1x16xf32>,
        %get3A_1095 = vector.shape_cast %get3A_1094 : vector<1x16xf32> to vector<16xf32>
        %mul3A_1096 = arith.mulf %gather3A_1049, %get3A_1095 : vector<16xf32>
        %add3A_1097 = arith.addf %add3A_1041, %mul3A_1096 : vector<16xf32>
        %mul3A_1098 = arith.constant 16 : i32
        %mul3A_1099 = arith.muli %scan3A_301, %mul3A_1098 : i32
        %add3A_1100 = arith.constant 14 : i32
        %add3A_1101 = arith.addi %mul3A_1099, %add3A_1100 : i32
        %broadcast_in_dim3A_1102 = arith.constant 14 : i32
        %broadcast_in_dim3A_1103 = vector.broadcast %broadcast_in_dim3A_1102 : i32 to vector<16x1xi32>
        %gather3A_1104 = vector.shape_cast %broadcast_in_dim3A_1103 : vector<16x1xi32> to vector<16xi32>
        %gather3A_1105 = tpu.dynamic_gather %get3A_314[%gather3A_1104] in [0] : vector<16xf32>, vector<16xi32> -> vector<16xf32>
        %get3A_1106 = arith.index_cast %add3A_1101 : i32 to index
        %get3A_1107 = arith.constant 0 : index
        %get3A_1108 = tpu.vector_load %arg8[%get3A_1106, %get3A_1107] {strides = array<i32>} : memref<208x128xf32, #tpu.memory_space<vmem>>, vector<1x16xf32>,
        %get3A_1109 = vector.shape_cast %get3A_1108 : vector<1x16xf32> to vector<16xf32>
        %mul3A_1110 = arith.mulf %gather3A_1105, %get3A_1109 : vector<16xf32>
        %add3A_1111 = arith.addf %add3A_1055, %mul3A_1110 : vector<16xf32>
        %get3A_1112 = arith.index_cast %add3A_1101 : i32 to index
        %get3A_1113 = arith.constant 16 : index
        %get3A_1114 = tpu.vector_load %arg8[%get3A_1112, %get3A_1113] {strides = array<i32>} : memref<208x128xf32, #tpu.memory_space<vmem>>, vector<1x16xf32>,
        %get3A_1115 = vector.shape_cast %get3A_1114 : vector<1x16xf32> to vector<16xf32>
        %mul3A_1116 = arith.mulf %gather3A_1105, %get3A_1115 : vector<16xf32>
        %add3A_1117 = arith.addf %add3A_1061, %mul3A_1116 : vector<16xf32>
        %get3A_1118 = arith.index_cast %add3A_1101 : i32 to index
        %get3A_1119 = arith.constant 32 : index
        %get3A_1120 = tpu.vector_load %arg8[%get3A_1118, %get3A_1119] {strides = array<i32>} : memref<208x128xf32, #tpu.memory_space<vmem>>, vector<1x16xf32>,
        %get3A_1121 = vector.shape_cast %get3A_1120 : vector<1x16xf32> to vector<16xf32>
        %mul3A_1122 = arith.mulf %gather3A_1105, %get3A_1121 : vector<16xf32>
        %add3A_1123 = arith.addf %add3A_1067, %mul3A_1122 : vector<16xf32>
        %get3A_1124 = arith.index_cast %add3A_1101 : i32 to index
        %get3A_1125 = arith.constant 48 : index
        %get3A_1126 = tpu.vector_load %arg8[%get3A_1124, %get3A_1125] {strides = array<i32>} : memref<208x128xf32, #tpu.memory_space<vmem>>, vector<1x16xf32>,
        %get3A_1127 = vector.shape_cast %get3A_1126 : vector<1x16xf32> to vector<16xf32>
        %mul3A_1128 = arith.mulf %gather3A_1105, %get3A_1127 : vector<16xf32>
        %add3A_1129 = arith.addf %add3A_1073, %mul3A_1128 : vector<16xf32>
        %get3A_1130 = arith.index_cast %add3A_1101 : i32 to index
        %get3A_1131 = arith.constant 64 : index
        %get3A_1132 = tpu.vector_load %arg8[%get3A_1130, %get3A_1131] {strides = array<i32>} : memref<208x128xf32, #tpu.memory_space<vmem>>, vector<1x16xf32>,
        %get3A_1133 = vector.shape_cast %get3A_1132 : vector<1x16xf32> to vector<16xf32>
        %mul3A_1134 = arith.mulf %gather3A_1105, %get3A_1133 : vector<16xf32>
        %add3A_1135 = arith.addf %add3A_1079, %mul3A_1134 : vector<16xf32>
        %get3A_1136 = arith.index_cast %add3A_1101 : i32 to index
        %get3A_1137 = arith.constant 80 : index
        %get3A_1138 = tpu.vector_load %arg8[%get3A_1136, %get3A_1137] {strides = array<i32>} : memref<208x128xf32, #tpu.memory_space<vmem>>, vector<1x16xf32>,
        %get3A_1139 = vector.shape_cast %get3A_1138 : vector<1x16xf32> to vector<16xf32>
        %mul3A_1140 = arith.mulf %gather3A_1105, %get3A_1139 : vector<16xf32>
        %add3A_1141 = arith.addf %add3A_1085, %mul3A_1140 : vector<16xf32>
        %get3A_1142 = arith.index_cast %add3A_1101 : i32 to index
        %get3A_1143 = arith.constant 96 : index
        %get3A_1144 = tpu.vector_load %arg8[%get3A_1142, %get3A_1143] {strides = array<i32>} : memref<208x128xf32, #tpu.memory_space<vmem>>, vector<1x16xf32>,
        %get3A_1145 = vector.shape_cast %get3A_1144 : vector<1x16xf32> to vector<16xf32>
        %mul3A_1146 = arith.mulf %gather3A_1105, %get3A_1145 : vector<16xf32>
        %add3A_1147 = arith.addf %add3A_1091, %mul3A_1146 : vector<16xf32>
        %get3A_1148 = arith.index_cast %add3A_1101 : i32 to index
        %get3A_1149 = arith.constant 112 : index
        %get3A_1150 = tpu.vector_load %arg8[%get3A_1148, %get3A_1149] {strides = array<i32>} : memref<208x128xf32, #tpu.memory_space<vmem>>, vector<1x16xf32>,
        %get3A_1151 = vector.shape_cast %get3A_1150 : vector<1x16xf32> to vector<16xf32>
        %mul3A_1152 = arith.mulf %gather3A_1105, %get3A_1151 : vector<16xf32>
        %add3A_1153 = arith.addf %add3A_1097, %mul3A_1152 : vector<16xf32>
        %mul3A_1154 = arith.constant 16 : i32
        %mul3A_1155 = arith.muli %scan3A_301, %mul3A_1154 : i32
        %add3A_1156 = arith.constant 15 : i32
        %add3A_1157 = arith.addi %mul3A_1155, %add3A_1156 : i32
        %broadcast_in_dim3A_1158 = arith.constant 15 : i32
        %broadcast_in_dim3A_1159 = vector.broadcast %broadcast_in_dim3A_1158 : i32 to vector<16x1xi32>
        %gather3A_1160 = vector.shape_cast %broadcast_in_dim3A_1159 : vector<16x1xi32> to vector<16xi32>
        %gather3A_1161 = tpu.dynamic_gather %get3A_314[%gather3A_1160] in [0] : vector<16xf32>, vector<16xi32> -> vector<16xf32>
        %get3A_1162 = arith.index_cast %add3A_1157 : i32 to index
        %get3A_1163 = arith.constant 0 : index
        %get3A_1164 = tpu.vector_load %arg8[%get3A_1162, %get3A_1163] {strides = array<i32>} : memref<208x128xf32, #tpu.memory_space<vmem>>, vector<1x16xf32>,
        %get3A_1165 = vector.shape_cast %get3A_1164 : vector<1x16xf32> to vector<16xf32>
        %mul3A_1166 = arith.mulf %gather3A_1161, %get3A_1165 : vector<16xf32>
        %add3A_1167 = arith.addf %add3A_1111, %mul3A_1166 : vector<16xf32>
        %get3A_1168 = arith.index_cast %add3A_1157 : i32 to index
        %get3A_1169 = arith.constant 16 : index
        %get3A_1170 = tpu.vector_load %arg8[%get3A_1168, %get3A_1169] {strides = array<i32>} : memref<208x128xf32, #tpu.memory_space<vmem>>, vector<1x16xf32>,
        %get3A_1171 = vector.shape_cast %get3A_1170 : vector<1x16xf32> to vector<16xf32>
        %mul3A_1172 = arith.mulf %gather3A_1161, %get3A_1171 : vector<16xf32>
        %add3A_1173 = arith.addf %add3A_1117, %mul3A_1172 : vector<16xf32>
        %get3A_1174 = arith.index_cast %add3A_1157 : i32 to index
        %get3A_1175 = arith.constant 32 : index
        %get3A_1176 = tpu.vector_load %arg8[%get3A_1174, %get3A_1175] {strides = array<i32>} : memref<208x128xf32, #tpu.memory_space<vmem>>, vector<1x16xf32>,
        %get3A_1177 = vector.shape_cast %get3A_1176 : vector<1x16xf32> to vector<16xf32>
        %mul3A_1178 = arith.mulf %gather3A_1161, %get3A_1177 : vector<16xf32>
        %add3A_1179 = arith.addf %add3A_1123, %mul3A_1178 : vector<16xf32>
        %get3A_1180 = arith.index_cast %add3A_1157 : i32 to index
        %get3A_1181 = arith.constant 48 : index
        %get3A_1182 = tpu.vector_load %arg8[%get3A_1180, %get3A_1181] {strides = array<i32>} : memref<208x128xf32, #tpu.memory_space<vmem>>, vector<1x16xf32>,
        %get3A_1183 = vector.shape_cast %get3A_1182 : vector<1x16xf32> to vector<16xf32>
        %mul3A_1184 = arith.mulf %gather3A_1161, %get3A_1183 : vector<16xf32>
        %add3A_1185 = arith.addf %add3A_1129, %mul3A_1184 : vector<16xf32>
        %get3A_1186 = arith.index_cast %add3A_1157 : i32 to index
        %get3A_1187 = arith.constant 64 : index
        %get3A_1188 = tpu.vector_load %arg8[%get3A_1186, %get3A_1187] {strides = array<i32>} : memref<208x128xf32, #tpu.memory_space<vmem>>, vector<1x16xf32>,
        %get3A_1189 = vector.shape_cast %get3A_1188 : vector<1x16xf32> to vector<16xf32>
        %mul3A_1190 = arith.mulf %gather3A_1161, %get3A_1189 : vector<16xf32>
        %add3A_1191 = arith.addf %add3A_1135, %mul3A_1190 : vector<16xf32>
        %get3A_1192 = arith.index_cast %add3A_1157 : i32 to index
        %get3A_1193 = arith.constant 80 : index
        %get3A_1194 = tpu.vector_load %arg8[%get3A_1192, %get3A_1193] {strides = array<i32>} : memref<208x128xf32, #tpu.memory_space<vmem>>, vector<1x16xf32>,
        %get3A_1195 = vector.shape_cast %get3A_1194 : vector<1x16xf32> to vector<16xf32>
        %mul3A_1196 = arith.mulf %gather3A_1161, %get3A_1195 : vector<16xf32>
        %add3A_1197 = arith.addf %add3A_1141, %mul3A_1196 : vector<16xf32>
        %get3A_1198 = arith.index_cast %add3A_1157 : i32 to index
        %get3A_1199 = arith.constant 96 : index
        %get3A_1200 = tpu.vector_load %arg8[%get3A_1198, %get3A_1199] {strides = array<i32>} : memref<208x128xf32, #tpu.memory_space<vmem>>, vector<1x16xf32>,
        %get3A_1201 = vector.shape_cast %get3A_1200 : vector<1x16xf32> to vector<16xf32>
        %mul3A_1202 = arith.mulf %gather3A_1161, %get3A_1201 : vector<16xf32>
        %add3A_1203 = arith.addf %add3A_1147, %mul3A_1202 : vector<16xf32>
        %get3A_1204 = arith.index_cast %add3A_1157 : i32 to index
        %get3A_1205 = arith.constant 112 : index
        %get3A_1206 = tpu.vector_load %arg8[%get3A_1204, %get3A_1205] {strides = array<i32>} : memref<208x128xf32, #tpu.memory_space<vmem>>, vector<1x16xf32>,
        %get3A_1207 = vector.shape_cast %get3A_1206 : vector<1x16xf32> to vector<16xf32>
        %mul3A_1208 = arith.mulf %gather3A_1161, %get3A_1207 : vector<16xf32>
        %add3A_1209 = arith.addf %add3A_1153, %mul3A_1208 : vector<16xf32>
        scf.yield %add3A_1167, %add3A_1173, %add3A_1179, %add3A_1185, %add3A_1191, %add3A_1197, %add3A_1203, %add3A_1209 : vector<16xf32>, vector<16xf32>, vector<16xf32>, vector<16xf32>, vector<16xf32>, vector<16xf32>, vector<16xf32>, vector<16xf32>
      }
      %scan3A_125 = arith.constant 13 : i32
      %swap3A = arith.constant 0 : i32
      %swap3A_126 = arith.index_cast %swap3A : i32 to index
      %swap3A_127 = arith.constant 0 : index
      %swap3A_128 = tpu.vector_load %arg10[%swap3A_126, %swap3A_127] {strides = array<i32>} : memref<2x128xf32, #tpu.memory_space<vmem>>, vector<1x16xf32>,
      %swap3A_129 = vector.shape_cast %swap3A_128 : vector<1x16xf32> to vector<16xf32>
      %swap3A_130 = vector.shape_cast %scan3A_124#0 : vector<16xf32> to vector<1x16xf32>
      tpu.vector_store %arg10[%swap3A_126, %swap3A_127], %swap3A_130 {strides = array<i32>} : memref<2x128xf32, #tpu.memory_space<vmem>>, vector<1x16xf32>,
      %swap3A_131 = arith.constant 0 : i32
      %swap3A_132 = arith.index_cast %swap3A_131 : i32 to index
      %swap3A_133 = arith.constant 16 : index
      %swap3A_134 = tpu.vector_load %arg10[%swap3A_132, %swap3A_133] {strides = array<i32>} : memref<2x128xf32, #tpu.memory_space<vmem>>, vector<1x16xf32>,
      %swap3A_135 = vector.shape_cast %swap3A_134 : vector<1x16xf32> to vector<16xf32>
      %swap3A_136 = vector.shape_cast %scan3A_124#1 : vector<16xf32> to vector<1x16xf32>
      tpu.vector_store %arg10[%swap3A_132, %swap3A_133], %swap3A_136 {strides = array<i32>} : memref<2x128xf32, #tpu.memory_space<vmem>>, vector<1x16xf32>,
      %swap3A_137 = arith.constant 0 : i32
      %swap3A_138 = arith.index_cast %swap3A_137 : i32 to index
      %swap3A_139 = arith.constant 32 : index
      %swap3A_140 = tpu.vector_load %arg10[%swap3A_138, %swap3A_139] {strides = array<i32>} : memref<2x128xf32, #tpu.memory_space<vmem>>, vector<1x16xf32>,
      %swap3A_141 = vector.shape_cast %swap3A_140 : vector<1x16xf32> to vector<16xf32>
      %swap3A_142 = vector.shape_cast %scan3A_124#2 : vector<16xf32> to vector<1x16xf32>
      tpu.vector_store %arg10[%swap3A_138, %swap3A_139], %swap3A_142 {strides = array<i32>} : memref<2x128xf32, #tpu.memory_space<vmem>>, vector<1x16xf32>,
      %swap3A_143 = arith.constant 0 : i32
      %swap3A_144 = arith.index_cast %swap3A_143 : i32 to index
      %swap3A_145 = arith.constant 48 : index
      %swap3A_146 = tpu.vector_load %arg10[%swap3A_144, %swap3A_145] {strides = array<i32>} : memref<2x128xf32, #tpu.memory_space<vmem>>, vector<1x16xf32>,
      %swap3A_147 = vector.shape_cast %swap3A_146 : vector<1x16xf32> to vector<16xf32>
      %swap3A_148 = vector.shape_cast %scan3A_124#3 : vector<16xf32> to vector<1x16xf32>
      tpu.vector_store %arg10[%swap3A_144, %swap3A_145], %swap3A_148 {strides = array<i32>} : memref<2x128xf32, #tpu.memory_space<vmem>>, vector<1x16xf32>,
      %swap3A_149 = arith.constant 0 : i32
      %swap3A_150 = arith.index_cast %swap3A_149 : i32 to index
      %swap3A_151 = arith.constant 64 : index
      %swap3A_152 = tpu.vector_load %arg10[%swap3A_150, %swap3A_151] {strides = array<i32>} : memref<2x128xf32, #tpu.memory_space<vmem>>, vector<1x16xf32>,
      %swap3A_153 = vector.shape_cast %swap3A_152 : vector<1x16xf32> to vector<16xf32>
      %swap3A_154 = vector.shape_cast %scan3A_124#4 : vector<16xf32> to vector<1x16xf32>
      tpu.vector_store %arg10[%swap3A_150, %swap3A_151], %swap3A_154 {strides = array<i32>} : memref<2x128xf32, #tpu.memory_space<vmem>>, vector<1x16xf32>,
      %swap3A_155 = arith.constant 0 : i32
      %swap3A_156 = arith.index_cast %swap3A_155 : i32 to index
      %swap3A_157 = arith.constant 80 : index
      %swap3A_158 = tpu.vector_load %arg10[%swap3A_156, %swap3A_157] {strides = array<i32>} : memref<2x128xf32, #tpu.memory_space<vmem>>, vector<1x16xf32>,
      %swap3A_159 = vector.shape_cast %swap3A_158 : vector<1x16xf32> to vector<16xf32>
      %swap3A_160 = vector.shape_cast %scan3A_124#5 : vector<16xf32> to vector<1x16xf32>
      tpu.vector_store %arg10[%swap3A_156, %swap3A_157], %swap3A_160 {strides = array<i32>} : memref<2x128xf32, #tpu.memory_space<vmem>>, vector<1x16xf32>,
      %swap3A_161 = arith.constant 0 : i32
      %swap3A_162 = arith.index_cast %swap3A_161 : i32 to index
      %swap3A_163 = arith.constant 96 : index
      %swap3A_164 = tpu.vector_load %arg10[%swap3A_162, %swap3A_163] {strides = array<i32>} : memref<2x128xf32, #tpu.memory_space<vmem>>, vector<1x16xf32>,
      %swap3A_165 = vector.shape_cast %swap3A_164 : vector<1x16xf32> to vector<16xf32>
      %swap3A_166 = vector.shape_cast %scan3A_124#6 : vector<16xf32> to vector<1x16xf32>
      tpu.vector_store %arg10[%swap3A_162, %swap3A_163], %swap3A_166 {strides = array<i32>} : memref<2x128xf32, #tpu.memory_space<vmem>>, vector<1x16xf32>,
      %swap3A_167 = arith.constant 0 : i32
      %swap3A_168 = arith.index_cast %swap3A_167 : i32 to index
      %swap3A_169 = arith.constant 112 : index
      %swap3A_170 = tpu.vector_load %arg10[%swap3A_168, %swap3A_169] {strides = array<i32>} : memref<2x128xf32, #tpu.memory_space<vmem>>, vector<1x16xf32>,
      %swap3A_171 = vector.shape_cast %swap3A_170 : vector<1x16xf32> to vector<16xf32>
      %swap3A_172 = vector.shape_cast %scan3A_124#7 : vector<16xf32> to vector<1x16xf32>
      tpu.vector_store %arg10[%swap3A_168, %swap3A_169], %swap3A_172 {strides = array<i32>} : memref<2x128xf32, #tpu.memory_space<vmem>>, vector<1x16xf32>,
      %add3A_173 = arith.addi %mul3A_2, %mul3A_56 : i32
      %dma_start3A_174 = arith.constant 0 : i32
      %dma_start3A_175 = arith.constant 0 : i32
      %dma_start3A_176 = tpu.memref_slice %arg10[%dma_start3A_174, %dma_start3A_175] : memref<2x128xf32, #tpu.memory_space<vmem>> -> memref<1x128xf32, #tpu.memory_space<vmem>>
      %dma_start3A_177 = tpu.memref_squeeze %dma_start3A_176 : memref<1x128xf32, #tpu.memory_space<vmem>> -> memref<128xf32, #tpu.memory_space<vmem>>
      %dma_start3A_178 = arith.constant 0 : i32
      %dma_start3A_179 = tpu.memref_slice %arg5[%add3A_173, %dma_start3A_178] : memref<4096x128xf32, #tpu.memory_space<hbm>> -> memref<1x128xf32, #tpu.memory_space<hbm>>
      %dma_start3A_180 = tpu.memref_squeeze %dma_start3A_179 : memref<1x128xf32, #tpu.memory_space<hbm>> -> memref<128xf32, #tpu.memory_space<hbm>>
      %dma_start3A_181 = arith.constant 0 : i32
      %dma_start3A_182 = tpu.memref_slice %arg5[%add3A_173, %dma_start3A_181] : memref<4096x128xf32, #tpu.memory_space<hbm>> -> memref<1x128xf32, #tpu.memory_space<hbm>>
      %dma_start3A_183 = tpu.memref_squeeze %dma_start3A_182 : memref<1x128xf32, #tpu.memory_space<hbm>> -> memref<128xf32, #tpu.memory_space<hbm>>
      %dma_start3A_184 = arith.constant 0 : i32
      %dma_start3A_185 = tpu.memref_slice %arg10[%dma_start3A_174, %dma_start3A_184] : memref<2x128xf32, #tpu.memory_space<vmem>> -> memref<1x128xf32, #tpu.memory_space<vmem>>
      %dma_start3A_186 = tpu.memref_squeeze %dma_start3A_185 : memref<1x128xf32, #tpu.memory_space<vmem>> -> memref<128xf32, #tpu.memory_space<vmem>>
      tpu.enqueue_dma source(%dma_start3A_186 : memref<128xf32, #tpu.memory_space<vmem>>) target(%dma_start3A_183 : memref<128xf32, #tpu.memory_space<hbm>>) target_semaphore(%arg13 : memref<!tpu.dma_semaphore, #tpu.memory_space<semaphore_mem>>)
      %lt3A = arith.constant 63 : i32
      %lt3A_187 = arith.cmpi slt, %scan3A_54, %lt3A : i32
      %convert_element_type3A_188 = arith.extui %lt3A_187 : i1 to i32
      %cond3A_189 = arith.constant 0 : i32
      %cond3A_190 = arith.cmpi ne, %convert_element_type3A_188, %cond3A_189 : i32
      scf.if %cond3A_190 {
        %add3A_301 = arith.constant 2 : i32
        %add3A_302 = arith.addi %mul3A_56, %add3A_301 : i32
        %dma_start3A_303 = arith.constant 0 : i32
        %dma_start3A_304 = arith.constant 0 : i32
        %dma_start3A_305 = arith.constant 0 : i32
        %dma_start3A_306 = tpu.memref_slice %arg8[%dma_start3A_304, %dma_start3A_305] : memref<208x128xf32, #tpu.memory_space<vmem>> -> memref<104x128xf32, #tpu.memory_space<vmem>>
        %dma_start3A_307 = arith.constant 0 : i32
        %dma_start3A_308 = tpu.memref_slice %arg6[%add3A_302, %dma_start3A_303, %dma_start3A_307] : memref<128x2x104xi32, #tpu.memory_space<vmem>> -> memref<1x1x104xi32, #tpu.memory_space<vmem>>
        %dma_start3A_309 = tpu.memref_squeeze %dma_start3A_308 : memref<1x1x104xi32, #tpu.memory_space<vmem>> -> memref<104xi32, #tpu.memory_space<vmem>>
        %dma_start3A_310 = arith.constant 0 : i32
        %dma_start3A_311 = arith.constant 0 : i32
        %dma_start3A_312 = tpu.memref_slice %arg4[%dma_start3A_310, %dma_start3A_311] : memref<100000x128xf32, #tpu.memory_space<hbm>> -> memref<100000x128xf32, #tpu.memory_space<hbm>>
        tpu.enqueue_indirect_dma source(%dma_start3A_312 : memref<100000x128xf32, #tpu.memory_space<hbm>>) target(%dma_start3A_306 : memref<104x128xf32, #tpu.memory_space<vmem>>) offsets(%dma_start3A_309 : memref<104xi32, #tpu.memory_space<vmem>>) semaphore(%arg11 : memref<!tpu.dma_semaphore, #tpu.memory_space<semaphore_mem>>)
        %dma_start3A_313 = arith.constant 1 : i32
        %dma_start3A_314 = arith.constant 104 : i32
        %dma_start3A_315 = arith.constant 0 : i32
        %dma_start3A_316 = tpu.memref_slice %arg8[%dma_start3A_314, %dma_start3A_315] : memref<208x128xf32, #tpu.memory_space<vmem>> -> memref<104x128xf32, #tpu.memory_space<vmem>>
        %dma_start3A_317 = arith.constant 0 : i32
        %dma_start3A_318 = tpu.memref_slice %arg6[%add3A_302, %dma_start3A_313, %dma_start3A_317] : memref<128x2x104xi32, #tpu.memory_space<vmem>> -> memref<1x1x104xi32, #tpu.memory_space<vmem>>
        %dma_start3A_319 = tpu.memref_squeeze %dma_start3A_318 : memref<1x1x104xi32, #tpu.memory_space<vmem>> -> memref<104xi32, #tpu.memory_space<vmem>>
        %dma_start3A_320 = arith.constant 0 : i32
        %dma_start3A_321 = arith.constant 0 : i32
        %dma_start3A_322 = tpu.memref_slice %arg4[%dma_start3A_320, %dma_start3A_321] : memref<100000x128xf32, #tpu.memory_space<hbm>> -> memref<100000x128xf32, #tpu.memory_space<hbm>>
        tpu.enqueue_indirect_dma source(%dma_start3A_322 : memref<100000x128xf32, #tpu.memory_space<hbm>>) target(%dma_start3A_316 : memref<104x128xf32, #tpu.memory_space<vmem>>) offsets(%dma_start3A_319 : memref<104xi32, #tpu.memory_space<vmem>>) semaphore(%arg11 : memref<!tpu.dma_semaphore, #tpu.memory_space<semaphore_mem>>)
      } else {
      }
      %dma_wait3A_191 = arith.constant 0 : i32
      %dma_wait3A_192 = arith.constant 0 : i32
      %dma_wait3A_193 = tpu.memref_slice %arg9[%dma_wait3A_191, %dma_wait3A_192] : memref<208x128xf32, #tpu.memory_space<vmem>> -> memref<104x128xf32, #tpu.memory_space<vmem>>
      %dma_wait3A_194 = arith.constant 0 : i32
      %dma_wait3A_195 = arith.constant 0 : i32
      %dma_wait3A_196 = tpu.memref_slice %arg4[%dma_wait3A_194, %dma_wait3A_195] : memref<100000x128xf32, #tpu.memory_space<hbm>> -> memref<104x128xf32, #tpu.memory_space<hbm>>
      %dma_wait3A_197 = arith.constant 0 : i32
      %dma_wait3A_198 = arith.constant 0 : i32
      %dma_wait3A_199 = tpu.memref_slice %arg9[%dma_wait3A_197, %dma_wait3A_198] : memref<208x128xf32, #tpu.memory_space<vmem>> -> memref<104x128xf32, #tpu.memory_space<vmem>>
      %dma_wait3A_200 = arith.constant 0 : i32
      %dma_wait3A_201 = arith.constant 0 : i32
      %dma_wait3A_202 = tpu.memref_slice %arg4[%dma_wait3A_200, %dma_wait3A_201] : memref<100000x128xf32, #tpu.memory_space<hbm>> -> memref<104x128xf32, #tpu.memory_space<hbm>>
      tpu.wait_dma2 semaphore(%arg12 : memref<!tpu.dma_semaphore, #tpu.memory_space<semaphore_mem>>) src(%dma_wait3A_202 : memref<104x128xf32, #tpu.memory_space<hbm>>) dst(%dma_wait3A_199 : memref<104x128xf32, #tpu.memory_space<vmem>>)
      %dma_wait3A_203 = arith.constant 104 : i32
      %dma_wait3A_204 = arith.constant 0 : i32
      %dma_wait3A_205 = tpu.memref_slice %arg9[%dma_wait3A_203, %dma_wait3A_204] : memref<208x128xf32, #tpu.memory_space<vmem>> -> memref<104x128xf32, #tpu.memory_space<vmem>>
      %dma_wait3A_206 = arith.constant 0 : i32
      %dma_wait3A_207 = arith.constant 0 : i32
      %dma_wait3A_208 = tpu.memref_slice %arg4[%dma_wait3A_206, %dma_wait3A_207] : memref<100000x128xf32, #tpu.memory_space<hbm>> -> memref<104x128xf32, #tpu.memory_space<hbm>>
      %dma_wait3A_209 = arith.constant 104 : i32
      %dma_wait3A_210 = arith.constant 0 : i32
      %dma_wait3A_211 = tpu.memref_slice %arg9[%dma_wait3A_209, %dma_wait3A_210] : memref<208x128xf32, #tpu.memory_space<vmem>> -> memref<104x128xf32, #tpu.memory_space<vmem>>
      %dma_wait3A_212 = arith.constant 0 : i32
      %dma_wait3A_213 = arith.constant 0 : i32
      %dma_wait3A_214 = tpu.memref_slice %arg4[%dma_wait3A_212, %dma_wait3A_213] : memref<100000x128xf32, #tpu.memory_space<hbm>> -> memref<104x128xf32, #tpu.memory_space<hbm>>
      tpu.wait_dma2 semaphore(%arg12 : memref<!tpu.dma_semaphore, #tpu.memory_space<semaphore_mem>>) src(%dma_wait3A_214 : memref<104x128xf32, #tpu.memory_space<hbm>>) dst(%dma_wait3A_211 : memref<104x128xf32, #tpu.memory_space<vmem>>)
      %add3A_215 = arith.constant 1 : i32
      %add3A_216 = arith.addi %mul3A_56, %add3A_215 : i32
      %broadcast_in_dim3A_217 = arith.constant 0.000000e+00 : f32
      %broadcast_in_dim3A_218 = vector.broadcast %broadcast_in_dim3A_217 : f32 to vector<16xf32>
      %broadcast_in_dim3A_219 = arith.constant 0.000000e+00 : f32
      %broadcast_in_dim3A_220 = vector.broadcast %broadcast_in_dim3A_219 : f32 to vector<16xf32>
      %broadcast_in_dim3A_221 = arith.constant 0.000000e+00 : f32
      %broadcast_in_dim3A_222 = vector.broadcast %broadcast_in_dim3A_221 : f32 to vector<16xf32>
      %broadcast_in_dim3A_223 = arith.constant 0.000000e+00 : f32
      %broadcast_in_dim3A_224 = vector.broadcast %broadcast_in_dim3A_223 : f32 to vector<16xf32>
      %broadcast_in_dim3A_225 = arith.constant 0.000000e+00 : f32
      %broadcast_in_dim3A_226 = vector.broadcast %broadcast_in_dim3A_225 : f32 to vector<16xf32>
      %broadcast_in_dim3A_227 = arith.constant 0.000000e+00 : f32
      %broadcast_in_dim3A_228 = vector.broadcast %broadcast_in_dim3A_227 : f32 to vector<16xf32>
      %broadcast_in_dim3A_229 = arith.constant 0.000000e+00 : f32
      %broadcast_in_dim3A_230 = vector.broadcast %broadcast_in_dim3A_229 : f32 to vector<16xf32>
      %broadcast_in_dim3A_231 = arith.constant 0.000000e+00 : f32
      %broadcast_in_dim3A_232 = vector.broadcast %broadcast_in_dim3A_231 : f32 to vector<16xf32>
      %scan3A_233 = arith.constant 0 : i32
      %scan3A_234 = arith.constant 13 : i32
      %scan3A_235 = arith.addi %scan3A_233, %scan3A_234 : i32
      %scan3A_236 = arith.constant 1 : i32
      %scan3A_237:8 = scf.for %scan3A_301 = %scan3A_233 to %scan3A_235 step %scan3A_236 iter_args(%scan3A_302 = %broadcast_in_dim3A_218, %scan3A_303 = %broadcast_in_dim3A_220, %scan3A_304 = %broadcast_in_dim3A_222, %scan3A_305 = %broadcast_in_dim3A_224, %scan3A_306 = %broadcast_in_dim3A_226, %scan3A_307 = %broadcast_in_dim3A_228, %scan3A_308 = %broadcast_in_dim3A_230, %scan3A_309 = %broadcast_in_dim3A_232) -> (vector<16xf32>, vector<16xf32>, vector<16xf32>, vector<16xf32>, vector<16xf32>, vector<16xf32>, vector<16xf32>, vector<16xf32>)  : i32 {
        %mul3A_310 = arith.constant 16 : i32
        %mul3A_311 = arith.muli %scan3A_301, %mul3A_310 : i32
        %get3A = arith.index_cast %add3A_216 : i32 to index
        %get3A_312 = arith.index_cast %mul3A_311 : i32 to index
        %get3A_313 = tpu.vector_load %arg7[%get3A, %get3A_312] {strides = array<i32>} : memref<128x208xf32, #tpu.memory_space<vmem>>, vector<1x16xf32>,
        %get3A_314 = vector.shape_cast %get3A_313 : vector<1x16xf32> to vector<16xf32>
        %mul3A_315 = arith.constant 16 : i32
        %mul3A_316 = arith.muli %scan3A_301, %mul3A_315 : i32
        %add3A_317 = arith.constant 0 : i32
        %add3A_318 = arith.addi %mul3A_316, %add3A_317 : i32
        %broadcast_in_dim3A_319 = arith.constant 0 : i32
        %broadcast_in_dim3A_320 = vector.broadcast %broadcast_in_dim3A_319 : i32 to vector<16x1xi32>
        %gather3A = vector.shape_cast %broadcast_in_dim3A_320 : vector<16x1xi32> to vector<16xi32>
        %gather3A_321 = tpu.dynamic_gather %get3A_314[%gather3A] in [0] : vector<16xf32>, vector<16xi32> -> vector<16xf32>
        %get3A_322 = arith.index_cast %add3A_318 : i32 to index
        %get3A_323 = arith.constant 0 : index
        %get3A_324 = tpu.vector_load %arg9[%get3A_322, %get3A_323] {strides = array<i32>} : memref<208x128xf32, #tpu.memory_space<vmem>>, vector<1x16xf32>,
        %get3A_325 = vector.shape_cast %get3A_324 : vector<1x16xf32> to vector<16xf32>
        %mul3A_326 = arith.mulf %gather3A_321, %get3A_325 : vector<16xf32>
        %add3A_327 = arith.addf %scan3A_302, %mul3A_326 : vector<16xf32>
        %get3A_328 = arith.index_cast %add3A_318 : i32 to index
        %get3A_329 = arith.constant 16 : index
        %get3A_330 = tpu.vector_load %arg9[%get3A_328, %get3A_329] {strides = array<i32>} : memref<208x128xf32, #tpu.memory_space<vmem>>, vector<1x16xf32>,
        %get3A_331 = vector.shape_cast %get3A_330 : vector<1x16xf32> to vector<16xf32>
        %mul3A_332 = arith.mulf %gather3A_321, %get3A_331 : vector<16xf32>
        %add3A_333 = arith.addf %scan3A_303, %mul3A_332 : vector<16xf32>
        %get3A_334 = arith.index_cast %add3A_318 : i32 to index
        %get3A_335 = arith.constant 32 : index
        %get3A_336 = tpu.vector_load %arg9[%get3A_334, %get3A_335] {strides = array<i32>} : memref<208x128xf32, #tpu.memory_space<vmem>>, vector<1x16xf32>,
        %get3A_337 = vector.shape_cast %get3A_336 : vector<1x16xf32> to vector<16xf32>
        %mul3A_338 = arith.mulf %gather3A_321, %get3A_337 : vector<16xf32>
        %add3A_339 = arith.addf %scan3A_304, %mul3A_338 : vector<16xf32>
        %get3A_340 = arith.index_cast %add3A_318 : i32 to index
        %get3A_341 = arith.constant 48 : index
        %get3A_342 = tpu.vector_load %arg9[%get3A_340, %get3A_341] {strides = array<i32>} : memref<208x128xf32, #tpu.memory_space<vmem>>, vector<1x16xf32>,
        %get3A_343 = vector.shape_cast %get3A_342 : vector<1x16xf32> to vector<16xf32>
        %mul3A_344 = arith.mulf %gather3A_321, %get3A_343 : vector<16xf32>
        %add3A_345 = arith.addf %scan3A_305, %mul3A_344 : vector<16xf32>
        %get3A_346 = arith.index_cast %add3A_318 : i32 to index
        %get3A_347 = arith.constant 64 : index
        %get3A_348 = tpu.vector_load %arg9[%get3A_346, %get3A_347] {strides = array<i32>} : memref<208x128xf32, #tpu.memory_space<vmem>>, vector<1x16xf32>,
        %get3A_349 = vector.shape_cast %get3A_348 : vector<1x16xf32> to vector<16xf32>
        %mul3A_350 = arith.mulf %gather3A_321, %get3A_349 : vector<16xf32>
        %add3A_351 = arith.addf %scan3A_306, %mul3A_350 : vector<16xf32>
        %get3A_352 = arith.index_cast %add3A_318 : i32 to index
        %get3A_353 = arith.constant 80 : index
        %get3A_354 = tpu.vector_load %arg9[%get3A_352, %get3A_353] {strides = array<i32>} : memref<208x128xf32, #tpu.memory_space<vmem>>, vector<1x16xf32>,
        %get3A_355 = vector.shape_cast %get3A_354 : vector<1x16xf32> to vector<16xf32>
        %mul3A_356 = arith.mulf %gather3A_321, %get3A_355 : vector<16xf32>
        %add3A_357 = arith.addf %scan3A_307, %mul3A_356 : vector<16xf32>
        %get3A_358 = arith.index_cast %add3A_318 : i32 to index
        %get3A_359 = arith.constant 96 : index
        %get3A_360 = tpu.vector_load %arg9[%get3A_358, %get3A_359] {strides = array<i32>} : memref<208x128xf32, #tpu.memory_space<vmem>>, vector<1x16xf32>,
        %get3A_361 = vector.shape_cast %get3A_360 : vector<1x16xf32> to vector<16xf32>
        %mul3A_362 = arith.mulf %gather3A_321, %get3A_361 : vector<16xf32>
        %add3A_363 = arith.addf %scan3A_308, %mul3A_362 : vector<16xf32>
        %get3A_364 = arith.index_cast %add3A_318 : i32 to index
        %get3A_365 = arith.constant 112 : index
        %get3A_366 = tpu.vector_load %arg9[%get3A_364, %get3A_365] {strides = array<i32>} : memref<208x128xf32, #tpu.memory_space<vmem>>, vector<1x16xf32>,
        %get3A_367 = vector.shape_cast %get3A_366 : vector<1x16xf32> to vector<16xf32>
        %mul3A_368 = arith.mulf %gather3A_321, %get3A_367 : vector<16xf32>
        %add3A_369 = arith.addf %scan3A_309, %mul3A_368 : vector<16xf32>
        %mul3A_370 = arith.constant 16 : i32
        %mul3A_371 = arith.muli %scan3A_301, %mul3A_370 : i32
        %add3A_372 = arith.constant 1 : i32
        %add3A_373 = arith.addi %mul3A_371, %add3A_372 : i32
        %broadcast_in_dim3A_374 = arith.constant 1 : i32
        %broadcast_in_dim3A_375 = vector.broadcast %broadcast_in_dim3A_374 : i32 to vector<16x1xi32>
        %gather3A_376 = vector.shape_cast %broadcast_in_dim3A_375 : vector<16x1xi32> to vector<16xi32>
        %gather3A_377 = tpu.dynamic_gather %get3A_314[%gather3A_376] in [0] : vector<16xf32>, vector<16xi32> -> vector<16xf32>
        %get3A_378 = arith.index_cast %add3A_373 : i32 to index
        %get3A_379 = arith.constant 0 : index
        %get3A_380 = tpu.vector_load %arg9[%get3A_378, %get3A_379] {strides = array<i32>} : memref<208x128xf32, #tpu.memory_space<vmem>>, vector<1x16xf32>,
        %get3A_381 = vector.shape_cast %get3A_380 : vector<1x16xf32> to vector<16xf32>
        %mul3A_382 = arith.mulf %gather3A_377, %get3A_381 : vector<16xf32>
        %add3A_383 = arith.addf %add3A_327, %mul3A_382 : vector<16xf32>
        %get3A_384 = arith.index_cast %add3A_373 : i32 to index
        %get3A_385 = arith.constant 16 : index
        %get3A_386 = tpu.vector_load %arg9[%get3A_384, %get3A_385] {strides = array<i32>} : memref<208x128xf32, #tpu.memory_space<vmem>>, vector<1x16xf32>,
        %get3A_387 = vector.shape_cast %get3A_386 : vector<1x16xf32> to vector<16xf32>
        %mul3A_388 = arith.mulf %gather3A_377, %get3A_387 : vector<16xf32>
        %add3A_389 = arith.addf %add3A_333, %mul3A_388 : vector<16xf32>
        %get3A_390 = arith.index_cast %add3A_373 : i32 to index
        %get3A_391 = arith.constant 32 : index
        %get3A_392 = tpu.vector_load %arg9[%get3A_390, %get3A_391] {strides = array<i32>} : memref<208x128xf32, #tpu.memory_space<vmem>>, vector<1x16xf32>,
        %get3A_393 = vector.shape_cast %get3A_392 : vector<1x16xf32> to vector<16xf32>
        %mul3A_394 = arith.mulf %gather3A_377, %get3A_393 : vector<16xf32>
        %add3A_395 = arith.addf %add3A_339, %mul3A_394 : vector<16xf32>
        %get3A_396 = arith.index_cast %add3A_373 : i32 to index
        %get3A_397 = arith.constant 48 : index
        %get3A_398 = tpu.vector_load %arg9[%get3A_396, %get3A_397] {strides = array<i32>} : memref<208x128xf32, #tpu.memory_space<vmem>>, vector<1x16xf32>,
        %get3A_399 = vector.shape_cast %get3A_398 : vector<1x16xf32> to vector<16xf32>
        %mul3A_400 = arith.mulf %gather3A_377, %get3A_399 : vector<16xf32>
        %add3A_401 = arith.addf %add3A_345, %mul3A_400 : vector<16xf32>
        %get3A_402 = arith.index_cast %add3A_373 : i32 to index
        %get3A_403 = arith.constant 64 : index
        %get3A_404 = tpu.vector_load %arg9[%get3A_402, %get3A_403] {strides = array<i32>} : memref<208x128xf32, #tpu.memory_space<vmem>>, vector<1x16xf32>,
        %get3A_405 = vector.shape_cast %get3A_404 : vector<1x16xf32> to vector<16xf32>
        %mul3A_406 = arith.mulf %gather3A_377, %get3A_405 : vector<16xf32>
        %add3A_407 = arith.addf %add3A_351, %mul3A_406 : vector<16xf32>
        %get3A_408 = arith.index_cast %add3A_373 : i32 to index
        %get3A_409 = arith.constant 80 : index
        %get3A_410 = tpu.vector_load %arg9[%get3A_408, %get3A_409] {strides = array<i32>} : memref<208x128xf32, #tpu.memory_space<vmem>>, vector<1x16xf32>,
        %get3A_411 = vector.shape_cast %get3A_410 : vector<1x16xf32> to vector<16xf32>
        %mul3A_412 = arith.mulf %gather3A_377, %get3A_411 : vector<16xf32>
        %add3A_413 = arith.addf %add3A_357, %mul3A_412 : vector<16xf32>
        %get3A_414 = arith.index_cast %add3A_373 : i32 to index
        %get3A_415 = arith.constant 96 : index
        %get3A_416 = tpu.vector_load %arg9[%get3A_414, %get3A_415] {strides = array<i32>} : memref<208x128xf32, #tpu.memory_space<vmem>>, vector<1x16xf32>,
        %get3A_417 = vector.shape_cast %get3A_416 : vector<1x16xf32> to vector<16xf32>
        %mul3A_418 = arith.mulf %gather3A_377, %get3A_417 : vector<16xf32>
        %add3A_419 = arith.addf %add3A_363, %mul3A_418 : vector<16xf32>
        %get3A_420 = arith.index_cast %add3A_373 : i32 to index
        %get3A_421 = arith.constant 112 : index
        %get3A_422 = tpu.vector_load %arg9[%get3A_420, %get3A_421] {strides = array<i32>} : memref<208x128xf32, #tpu.memory_space<vmem>>, vector<1x16xf32>,
        %get3A_423 = vector.shape_cast %get3A_422 : vector<1x16xf32> to vector<16xf32>
        %mul3A_424 = arith.mulf %gather3A_377, %get3A_423 : vector<16xf32>
        %add3A_425 = arith.addf %add3A_369, %mul3A_424 : vector<16xf32>
        %mul3A_426 = arith.constant 16 : i32
        %mul3A_427 = arith.muli %scan3A_301, %mul3A_426 : i32
        %add3A_428 = arith.constant 2 : i32
        %add3A_429 = arith.addi %mul3A_427, %add3A_428 : i32
        %broadcast_in_dim3A_430 = arith.constant 2 : i32
        %broadcast_in_dim3A_431 = vector.broadcast %broadcast_in_dim3A_430 : i32 to vector<16x1xi32>
        %gather3A_432 = vector.shape_cast %broadcast_in_dim3A_431 : vector<16x1xi32> to vector<16xi32>
        %gather3A_433 = tpu.dynamic_gather %get3A_314[%gather3A_432] in [0] : vector<16xf32>, vector<16xi32> -> vector<16xf32>
        %get3A_434 = arith.index_cast %add3A_429 : i32 to index
        %get3A_435 = arith.constant 0 : index
        %get3A_436 = tpu.vector_load %arg9[%get3A_434, %get3A_435] {strides = array<i32>} : memref<208x128xf32, #tpu.memory_space<vmem>>, vector<1x16xf32>,
        %get3A_437 = vector.shape_cast %get3A_436 : vector<1x16xf32> to vector<16xf32>
        %mul3A_438 = arith.mulf %gather3A_433, %get3A_437 : vector<16xf32>
        %add3A_439 = arith.addf %add3A_383, %mul3A_438 : vector<16xf32>
        %get3A_440 = arith.index_cast %add3A_429 : i32 to index
        %get3A_441 = arith.constant 16 : index
        %get3A_442 = tpu.vector_load %arg9[%get3A_440, %get3A_441] {strides = array<i32>} : memref<208x128xf32, #tpu.memory_space<vmem>>, vector<1x16xf32>,
        %get3A_443 = vector.shape_cast %get3A_442 : vector<1x16xf32> to vector<16xf32>
        %mul3A_444 = arith.mulf %gather3A_433, %get3A_443 : vector<16xf32>
        %add3A_445 = arith.addf %add3A_389, %mul3A_444 : vector<16xf32>
        %get3A_446 = arith.index_cast %add3A_429 : i32 to index
        %get3A_447 = arith.constant 32 : index
        %get3A_448 = tpu.vector_load %arg9[%get3A_446, %get3A_447] {strides = array<i32>} : memref<208x128xf32, #tpu.memory_space<vmem>>, vector<1x16xf32>,
        %get3A_449 = vector.shape_cast %get3A_448 : vector<1x16xf32> to vector<16xf32>
        %mul3A_450 = arith.mulf %gather3A_433, %get3A_449 : vector<16xf32>
        %add3A_451 = arith.addf %add3A_395, %mul3A_450 : vector<16xf32>
        %get3A_452 = arith.index_cast %add3A_429 : i32 to index
        %get3A_453 = arith.constant 48 : index
        %get3A_454 = tpu.vector_load %arg9[%get3A_452, %get3A_453] {strides = array<i32>} : memref<208x128xf32, #tpu.memory_space<vmem>>, vector<1x16xf32>,
        %get3A_455 = vector.shape_cast %get3A_454 : vector<1x16xf32> to vector<16xf32>
        %mul3A_456 = arith.mulf %gather3A_433, %get3A_455 : vector<16xf32>
        %add3A_457 = arith.addf %add3A_401, %mul3A_456 : vector<16xf32>
        %get3A_458 = arith.index_cast %add3A_429 : i32 to index
        %get3A_459 = arith.constant 64 : index
        %get3A_460 = tpu.vector_load %arg9[%get3A_458, %get3A_459] {strides = array<i32>} : memref<208x128xf32, #tpu.memory_space<vmem>>, vector<1x16xf32>,
        %get3A_461 = vector.shape_cast %get3A_460 : vector<1x16xf32> to vector<16xf32>
        %mul3A_462 = arith.mulf %gather3A_433, %get3A_461 : vector<16xf32>
        %add3A_463 = arith.addf %add3A_407, %mul3A_462 : vector<16xf32>
        %get3A_464 = arith.index_cast %add3A_429 : i32 to index
        %get3A_465 = arith.constant 80 : index
        %get3A_466 = tpu.vector_load %arg9[%get3A_464, %get3A_465] {strides = array<i32>} : memref<208x128xf32, #tpu.memory_space<vmem>>, vector<1x16xf32>,
        %get3A_467 = vector.shape_cast %get3A_466 : vector<1x16xf32> to vector<16xf32>
        %mul3A_468 = arith.mulf %gather3A_433, %get3A_467 : vector<16xf32>
        %add3A_469 = arith.addf %add3A_413, %mul3A_468 : vector<16xf32>
        %get3A_470 = arith.index_cast %add3A_429 : i32 to index
        %get3A_471 = arith.constant 96 : index
        %get3A_472 = tpu.vector_load %arg9[%get3A_470, %get3A_471] {strides = array<i32>} : memref<208x128xf32, #tpu.memory_space<vmem>>, vector<1x16xf32>,
        %get3A_473 = vector.shape_cast %get3A_472 : vector<1x16xf32> to vector<16xf32>
        %mul3A_474 = arith.mulf %gather3A_433, %get3A_473 : vector<16xf32>
        %add3A_475 = arith.addf %add3A_419, %mul3A_474 : vector<16xf32>
        %get3A_476 = arith.index_cast %add3A_429 : i32 to index
        %get3A_477 = arith.constant 112 : index
        %get3A_478 = tpu.vector_load %arg9[%get3A_476, %get3A_477] {strides = array<i32>} : memref<208x128xf32, #tpu.memory_space<vmem>>, vector<1x16xf32>,
        %get3A_479 = vector.shape_cast %get3A_478 : vector<1x16xf32> to vector<16xf32>
        %mul3A_480 = arith.mulf %gather3A_433, %get3A_479 : vector<16xf32>
        %add3A_481 = arith.addf %add3A_425, %mul3A_480 : vector<16xf32>
        %mul3A_482 = arith.constant 16 : i32
        %mul3A_483 = arith.muli %scan3A_301, %mul3A_482 : i32
        %add3A_484 = arith.constant 3 : i32
        %add3A_485 = arith.addi %mul3A_483, %add3A_484 : i32
        %broadcast_in_dim3A_486 = arith.constant 3 : i32
        %broadcast_in_dim3A_487 = vector.broadcast %broadcast_in_dim3A_486 : i32 to vector<16x1xi32>
        %gather3A_488 = vector.shape_cast %broadcast_in_dim3A_487 : vector<16x1xi32> to vector<16xi32>
        %gather3A_489 = tpu.dynamic_gather %get3A_314[%gather3A_488] in [0] : vector<16xf32>, vector<16xi32> -> vector<16xf32>
        %get3A_490 = arith.index_cast %add3A_485 : i32 to index
        %get3A_491 = arith.constant 0 : index
        %get3A_492 = tpu.vector_load %arg9[%get3A_490, %get3A_491] {strides = array<i32>} : memref<208x128xf32, #tpu.memory_space<vmem>>, vector<1x16xf32>,
        %get3A_493 = vector.shape_cast %get3A_492 : vector<1x16xf32> to vector<16xf32>
        %mul3A_494 = arith.mulf %gather3A_489, %get3A_493 : vector<16xf32>
        %add3A_495 = arith.addf %add3A_439, %mul3A_494 : vector<16xf32>
        %get3A_496 = arith.index_cast %add3A_485 : i32 to index
        %get3A_497 = arith.constant 16 : index
        %get3A_498 = tpu.vector_load %arg9[%get3A_496, %get3A_497] {strides = array<i32>} : memref<208x128xf32, #tpu.memory_space<vmem>>, vector<1x16xf32>,
        %get3A_499 = vector.shape_cast %get3A_498 : vector<1x16xf32> to vector<16xf32>
        %mul3A_500 = arith.mulf %gather3A_489, %get3A_499 : vector<16xf32>
        %add3A_501 = arith.addf %add3A_445, %mul3A_500 : vector<16xf32>
        %get3A_502 = arith.index_cast %add3A_485 : i32 to index
        %get3A_503 = arith.constant 32 : index
        %get3A_504 = tpu.vector_load %arg9[%get3A_502, %get3A_503] {strides = array<i32>} : memref<208x128xf32, #tpu.memory_space<vmem>>, vector<1x16xf32>,
        %get3A_505 = vector.shape_cast %get3A_504 : vector<1x16xf32> to vector<16xf32>
        %mul3A_506 = arith.mulf %gather3A_489, %get3A_505 : vector<16xf32>
        %add3A_507 = arith.addf %add3A_451, %mul3A_506 : vector<16xf32>
        %get3A_508 = arith.index_cast %add3A_485 : i32 to index
        %get3A_509 = arith.constant 48 : index
        %get3A_510 = tpu.vector_load %arg9[%get3A_508, %get3A_509] {strides = array<i32>} : memref<208x128xf32, #tpu.memory_space<vmem>>, vector<1x16xf32>,
        %get3A_511 = vector.shape_cast %get3A_510 : vector<1x16xf32> to vector<16xf32>
        %mul3A_512 = arith.mulf %gather3A_489, %get3A_511 : vector<16xf32>
        %add3A_513 = arith.addf %add3A_457, %mul3A_512 : vector<16xf32>
        %get3A_514 = arith.index_cast %add3A_485 : i32 to index
        %get3A_515 = arith.constant 64 : index
        %get3A_516 = tpu.vector_load %arg9[%get3A_514, %get3A_515] {strides = array<i32>} : memref<208x128xf32, #tpu.memory_space<vmem>>, vector<1x16xf32>,
        %get3A_517 = vector.shape_cast %get3A_516 : vector<1x16xf32> to vector<16xf32>
        %mul3A_518 = arith.mulf %gather3A_489, %get3A_517 : vector<16xf32>
        %add3A_519 = arith.addf %add3A_463, %mul3A_518 : vector<16xf32>
        %get3A_520 = arith.index_cast %add3A_485 : i32 to index
        %get3A_521 = arith.constant 80 : index
        %get3A_522 = tpu.vector_load %arg9[%get3A_520, %get3A_521] {strides = array<i32>} : memref<208x128xf32, #tpu.memory_space<vmem>>, vector<1x16xf32>,
        %get3A_523 = vector.shape_cast %get3A_522 : vector<1x16xf32> to vector<16xf32>
        %mul3A_524 = arith.mulf %gather3A_489, %get3A_523 : vector<16xf32>
        %add3A_525 = arith.addf %add3A_469, %mul3A_524 : vector<16xf32>
        %get3A_526 = arith.index_cast %add3A_485 : i32 to index
        %get3A_527 = arith.constant 96 : index
        %get3A_528 = tpu.vector_load %arg9[%get3A_526, %get3A_527] {strides = array<i32>} : memref<208x128xf32, #tpu.memory_space<vmem>>, vector<1x16xf32>,
        %get3A_529 = vector.shape_cast %get3A_528 : vector<1x16xf32> to vector<16xf32>
        %mul3A_530 = arith.mulf %gather3A_489, %get3A_529 : vector<16xf32>
        %add3A_531 = arith.addf %add3A_475, %mul3A_530 : vector<16xf32>
        %get3A_532 = arith.index_cast %add3A_485 : i32 to index
        %get3A_533 = arith.constant 112 : index
        %get3A_534 = tpu.vector_load %arg9[%get3A_532, %get3A_533] {strides = array<i32>} : memref<208x128xf32, #tpu.memory_space<vmem>>, vector<1x16xf32>,
        %get3A_535 = vector.shape_cast %get3A_534 : vector<1x16xf32> to vector<16xf32>
        %mul3A_536 = arith.mulf %gather3A_489, %get3A_535 : vector<16xf32>
        %add3A_537 = arith.addf %add3A_481, %mul3A_536 : vector<16xf32>
        %mul3A_538 = arith.constant 16 : i32
        %mul3A_539 = arith.muli %scan3A_301, %mul3A_538 : i32
        %add3A_540 = arith.constant 4 : i32
        %add3A_541 = arith.addi %mul3A_539, %add3A_540 : i32
        %broadcast_in_dim3A_542 = arith.constant 4 : i32
        %broadcast_in_dim3A_543 = vector.broadcast %broadcast_in_dim3A_542 : i32 to vector<16x1xi32>
        %gather3A_544 = vector.shape_cast %broadcast_in_dim3A_543 : vector<16x1xi32> to vector<16xi32>
        %gather3A_545 = tpu.dynamic_gather %get3A_314[%gather3A_544] in [0] : vector<16xf32>, vector<16xi32> -> vector<16xf32>
        %get3A_546 = arith.index_cast %add3A_541 : i32 to index
        %get3A_547 = arith.constant 0 : index
        %get3A_548 = tpu.vector_load %arg9[%get3A_546, %get3A_547] {strides = array<i32>} : memref<208x128xf32, #tpu.memory_space<vmem>>, vector<1x16xf32>,
        %get3A_549 = vector.shape_cast %get3A_548 : vector<1x16xf32> to vector<16xf32>
        %mul3A_550 = arith.mulf %gather3A_545, %get3A_549 : vector<16xf32>
        %add3A_551 = arith.addf %add3A_495, %mul3A_550 : vector<16xf32>
        %get3A_552 = arith.index_cast %add3A_541 : i32 to index
        %get3A_553 = arith.constant 16 : index
        %get3A_554 = tpu.vector_load %arg9[%get3A_552, %get3A_553] {strides = array<i32>} : memref<208x128xf32, #tpu.memory_space<vmem>>, vector<1x16xf32>,
        %get3A_555 = vector.shape_cast %get3A_554 : vector<1x16xf32> to vector<16xf32>
        %mul3A_556 = arith.mulf %gather3A_545, %get3A_555 : vector<16xf32>
        %add3A_557 = arith.addf %add3A_501, %mul3A_556 : vector<16xf32>
        %get3A_558 = arith.index_cast %add3A_541 : i32 to index
        %get3A_559 = arith.constant 32 : index
        %get3A_560 = tpu.vector_load %arg9[%get3A_558, %get3A_559] {strides = array<i32>} : memref<208x128xf32, #tpu.memory_space<vmem>>, vector<1x16xf32>,
        %get3A_561 = vector.shape_cast %get3A_560 : vector<1x16xf32> to vector<16xf32>
        %mul3A_562 = arith.mulf %gather3A_545, %get3A_561 : vector<16xf32>
        %add3A_563 = arith.addf %add3A_507, %mul3A_562 : vector<16xf32>
        %get3A_564 = arith.index_cast %add3A_541 : i32 to index
        %get3A_565 = arith.constant 48 : index
        %get3A_566 = tpu.vector_load %arg9[%get3A_564, %get3A_565] {strides = array<i32>} : memref<208x128xf32, #tpu.memory_space<vmem>>, vector<1x16xf32>,
        %get3A_567 = vector.shape_cast %get3A_566 : vector<1x16xf32> to vector<16xf32>
        %mul3A_568 = arith.mulf %gather3A_545, %get3A_567 : vector<16xf32>
        %add3A_569 = arith.addf %add3A_513, %mul3A_568 : vector<16xf32>
        %get3A_570 = arith.index_cast %add3A_541 : i32 to index
        %get3A_571 = arith.constant 64 : index
        %get3A_572 = tpu.vector_load %arg9[%get3A_570, %get3A_571] {strides = array<i32>} : memref<208x128xf32, #tpu.memory_space<vmem>>, vector<1x16xf32>,
        %get3A_573 = vector.shape_cast %get3A_572 : vector<1x16xf32> to vector<16xf32>
        %mul3A_574 = arith.mulf %gather3A_545, %get3A_573 : vector<16xf32>
        %add3A_575 = arith.addf %add3A_519, %mul3A_574 : vector<16xf32>
        %get3A_576 = arith.index_cast %add3A_541 : i32 to index
        %get3A_577 = arith.constant 80 : index
        %get3A_578 = tpu.vector_load %arg9[%get3A_576, %get3A_577] {strides = array<i32>} : memref<208x128xf32, #tpu.memory_space<vmem>>, vector<1x16xf32>,
        %get3A_579 = vector.shape_cast %get3A_578 : vector<1x16xf32> to vector<16xf32>
        %mul3A_580 = arith.mulf %gather3A_545, %get3A_579 : vector<16xf32>
        %add3A_581 = arith.addf %add3A_525, %mul3A_580 : vector<16xf32>
        %get3A_582 = arith.index_cast %add3A_541 : i32 to index
        %get3A_583 = arith.constant 96 : index
        %get3A_584 = tpu.vector_load %arg9[%get3A_582, %get3A_583] {strides = array<i32>} : memref<208x128xf32, #tpu.memory_space<vmem>>, vector<1x16xf32>,
        %get3A_585 = vector.shape_cast %get3A_584 : vector<1x16xf32> to vector<16xf32>
        %mul3A_586 = arith.mulf %gather3A_545, %get3A_585 : vector<16xf32>
        %add3A_587 = arith.addf %add3A_531, %mul3A_586 : vector<16xf32>
        %get3A_588 = arith.index_cast %add3A_541 : i32 to index
        %get3A_589 = arith.constant 112 : index
        %get3A_590 = tpu.vector_load %arg9[%get3A_588, %get3A_589] {strides = array<i32>} : memref<208x128xf32, #tpu.memory_space<vmem>>, vector<1x16xf32>,
        %get3A_591 = vector.shape_cast %get3A_590 : vector<1x16xf32> to vector<16xf32>
        %mul3A_592 = arith.mulf %gather3A_545, %get3A_591 : vector<16xf32>
        %add3A_593 = arith.addf %add3A_537, %mul3A_592 : vector<16xf32>
        %mul3A_594 = arith.constant 16 : i32
        %mul3A_595 = arith.muli %scan3A_301, %mul3A_594 : i32
        %add3A_596 = arith.constant 5 : i32
        %add3A_597 = arith.addi %mul3A_595, %add3A_596 : i32
        %broadcast_in_dim3A_598 = arith.constant 5 : i32
        %broadcast_in_dim3A_599 = vector.broadcast %broadcast_in_dim3A_598 : i32 to vector<16x1xi32>
        %gather3A_600 = vector.shape_cast %broadcast_in_dim3A_599 : vector<16x1xi32> to vector<16xi32>
        %gather3A_601 = tpu.dynamic_gather %get3A_314[%gather3A_600] in [0] : vector<16xf32>, vector<16xi32> -> vector<16xf32>
        %get3A_602 = arith.index_cast %add3A_597 : i32 to index
        %get3A_603 = arith.constant 0 : index
        %get3A_604 = tpu.vector_load %arg9[%get3A_602, %get3A_603] {strides = array<i32>} : memref<208x128xf32, #tpu.memory_space<vmem>>, vector<1x16xf32>,
        %get3A_605 = vector.shape_cast %get3A_604 : vector<1x16xf32> to vector<16xf32>
        %mul3A_606 = arith.mulf %gather3A_601, %get3A_605 : vector<16xf32>
        %add3A_607 = arith.addf %add3A_551, %mul3A_606 : vector<16xf32>
        %get3A_608 = arith.index_cast %add3A_597 : i32 to index
        %get3A_609 = arith.constant 16 : index
        %get3A_610 = tpu.vector_load %arg9[%get3A_608, %get3A_609] {strides = array<i32>} : memref<208x128xf32, #tpu.memory_space<vmem>>, vector<1x16xf32>,
        %get3A_611 = vector.shape_cast %get3A_610 : vector<1x16xf32> to vector<16xf32>
        %mul3A_612 = arith.mulf %gather3A_601, %get3A_611 : vector<16xf32>
        %add3A_613 = arith.addf %add3A_557, %mul3A_612 : vector<16xf32>
        %get3A_614 = arith.index_cast %add3A_597 : i32 to index
        %get3A_615 = arith.constant 32 : index
        %get3A_616 = tpu.vector_load %arg9[%get3A_614, %get3A_615] {strides = array<i32>} : memref<208x128xf32, #tpu.memory_space<vmem>>, vector<1x16xf32>,
        %get3A_617 = vector.shape_cast %get3A_616 : vector<1x16xf32> to vector<16xf32>
        %mul3A_618 = arith.mulf %gather3A_601, %get3A_617 : vector<16xf32>
        %add3A_619 = arith.addf %add3A_563, %mul3A_618 : vector<16xf32>
        %get3A_620 = arith.index_cast %add3A_597 : i32 to index
        %get3A_621 = arith.constant 48 : index
        %get3A_622 = tpu.vector_load %arg9[%get3A_620, %get3A_621] {strides = array<i32>} : memref<208x128xf32, #tpu.memory_space<vmem>>, vector<1x16xf32>,
        %get3A_623 = vector.shape_cast %get3A_622 : vector<1x16xf32> to vector<16xf32>
        %mul3A_624 = arith.mulf %gather3A_601, %get3A_623 : vector<16xf32>
        %add3A_625 = arith.addf %add3A_569, %mul3A_624 : vector<16xf32>
        %get3A_626 = arith.index_cast %add3A_597 : i32 to index
        %get3A_627 = arith.constant 64 : index
        %get3A_628 = tpu.vector_load %arg9[%get3A_626, %get3A_627] {strides = array<i32>} : memref<208x128xf32, #tpu.memory_space<vmem>>, vector<1x16xf32>,
        %get3A_629 = vector.shape_cast %get3A_628 : vector<1x16xf32> to vector<16xf32>
        %mul3A_630 = arith.mulf %gather3A_601, %get3A_629 : vector<16xf32>
        %add3A_631 = arith.addf %add3A_575, %mul3A_630 : vector<16xf32>
        %get3A_632 = arith.index_cast %add3A_597 : i32 to index
        %get3A_633 = arith.constant 80 : index
        %get3A_634 = tpu.vector_load %arg9[%get3A_632, %get3A_633] {strides = array<i32>} : memref<208x128xf32, #tpu.memory_space<vmem>>, vector<1x16xf32>,
        %get3A_635 = vector.shape_cast %get3A_634 : vector<1x16xf32> to vector<16xf32>
        %mul3A_636 = arith.mulf %gather3A_601, %get3A_635 : vector<16xf32>
        %add3A_637 = arith.addf %add3A_581, %mul3A_636 : vector<16xf32>
        %get3A_638 = arith.index_cast %add3A_597 : i32 to index
        %get3A_639 = arith.constant 96 : index
        %get3A_640 = tpu.vector_load %arg9[%get3A_638, %get3A_639] {strides = array<i32>} : memref<208x128xf32, #tpu.memory_space<vmem>>, vector<1x16xf32>,
        %get3A_641 = vector.shape_cast %get3A_640 : vector<1x16xf32> to vector<16xf32>
        %mul3A_642 = arith.mulf %gather3A_601, %get3A_641 : vector<16xf32>
        %add3A_643 = arith.addf %add3A_587, %mul3A_642 : vector<16xf32>
        %get3A_644 = arith.index_cast %add3A_597 : i32 to index
        %get3A_645 = arith.constant 112 : index
        %get3A_646 = tpu.vector_load %arg9[%get3A_644, %get3A_645] {strides = array<i32>} : memref<208x128xf32, #tpu.memory_space<vmem>>, vector<1x16xf32>,
        %get3A_647 = vector.shape_cast %get3A_646 : vector<1x16xf32> to vector<16xf32>
        %mul3A_648 = arith.mulf %gather3A_601, %get3A_647 : vector<16xf32>
        %add3A_649 = arith.addf %add3A_593, %mul3A_648 : vector<16xf32>
        %mul3A_650 = arith.constant 16 : i32
        %mul3A_651 = arith.muli %scan3A_301, %mul3A_650 : i32
        %add3A_652 = arith.constant 6 : i32
        %add3A_653 = arith.addi %mul3A_651, %add3A_652 : i32
        %broadcast_in_dim3A_654 = arith.constant 6 : i32
        %broadcast_in_dim3A_655 = vector.broadcast %broadcast_in_dim3A_654 : i32 to vector<16x1xi32>
        %gather3A_656 = vector.shape_cast %broadcast_in_dim3A_655 : vector<16x1xi32> to vector<16xi32>
        %gather3A_657 = tpu.dynamic_gather %get3A_314[%gather3A_656] in [0] : vector<16xf32>, vector<16xi32> -> vector<16xf32>
        %get3A_658 = arith.index_cast %add3A_653 : i32 to index
        %get3A_659 = arith.constant 0 : index
        %get3A_660 = tpu.vector_load %arg9[%get3A_658, %get3A_659] {strides = array<i32>} : memref<208x128xf32, #tpu.memory_space<vmem>>, vector<1x16xf32>,
        %get3A_661 = vector.shape_cast %get3A_660 : vector<1x16xf32> to vector<16xf32>
        %mul3A_662 = arith.mulf %gather3A_657, %get3A_661 : vector<16xf32>
        %add3A_663 = arith.addf %add3A_607, %mul3A_662 : vector<16xf32>
        %get3A_664 = arith.index_cast %add3A_653 : i32 to index
        %get3A_665 = arith.constant 16 : index
        %get3A_666 = tpu.vector_load %arg9[%get3A_664, %get3A_665] {strides = array<i32>} : memref<208x128xf32, #tpu.memory_space<vmem>>, vector<1x16xf32>,
        %get3A_667 = vector.shape_cast %get3A_666 : vector<1x16xf32> to vector<16xf32>
        %mul3A_668 = arith.mulf %gather3A_657, %get3A_667 : vector<16xf32>
        %add3A_669 = arith.addf %add3A_613, %mul3A_668 : vector<16xf32>
        %get3A_670 = arith.index_cast %add3A_653 : i32 to index
        %get3A_671 = arith.constant 32 : index
        %get3A_672 = tpu.vector_load %arg9[%get3A_670, %get3A_671] {strides = array<i32>} : memref<208x128xf32, #tpu.memory_space<vmem>>, vector<1x16xf32>,
        %get3A_673 = vector.shape_cast %get3A_672 : vector<1x16xf32> to vector<16xf32>
        %mul3A_674 = arith.mulf %gather3A_657, %get3A_673 : vector<16xf32>
        %add3A_675 = arith.addf %add3A_619, %mul3A_674 : vector<16xf32>
        %get3A_676 = arith.index_cast %add3A_653 : i32 to index
        %get3A_677 = arith.constant 48 : index
        %get3A_678 = tpu.vector_load %arg9[%get3A_676, %get3A_677] {strides = array<i32>} : memref<208x128xf32, #tpu.memory_space<vmem>>, vector<1x16xf32>,
        %get3A_679 = vector.shape_cast %get3A_678 : vector<1x16xf32> to vector<16xf32>
        %mul3A_680 = arith.mulf %gather3A_657, %get3A_679 : vector<16xf32>
        %add3A_681 = arith.addf %add3A_625, %mul3A_680 : vector<16xf32>
        %get3A_682 = arith.index_cast %add3A_653 : i32 to index
        %get3A_683 = arith.constant 64 : index
        %get3A_684 = tpu.vector_load %arg9[%get3A_682, %get3A_683] {strides = array<i32>} : memref<208x128xf32, #tpu.memory_space<vmem>>, vector<1x16xf32>,
        %get3A_685 = vector.shape_cast %get3A_684 : vector<1x16xf32> to vector<16xf32>
        %mul3A_686 = arith.mulf %gather3A_657, %get3A_685 : vector<16xf32>
        %add3A_687 = arith.addf %add3A_631, %mul3A_686 : vector<16xf32>
        %get3A_688 = arith.index_cast %add3A_653 : i32 to index
        %get3A_689 = arith.constant 80 : index
        %get3A_690 = tpu.vector_load %arg9[%get3A_688, %get3A_689] {strides = array<i32>} : memref<208x128xf32, #tpu.memory_space<vmem>>, vector<1x16xf32>,
        %get3A_691 = vector.shape_cast %get3A_690 : vector<1x16xf32> to vector<16xf32>
        %mul3A_692 = arith.mulf %gather3A_657, %get3A_691 : vector<16xf32>
        %add3A_693 = arith.addf %add3A_637, %mul3A_692 : vector<16xf32>
        %get3A_694 = arith.index_cast %add3A_653 : i32 to index
        %get3A_695 = arith.constant 96 : index
        %get3A_696 = tpu.vector_load %arg9[%get3A_694, %get3A_695] {strides = array<i32>} : memref<208x128xf32, #tpu.memory_space<vmem>>, vector<1x16xf32>,
        %get3A_697 = vector.shape_cast %get3A_696 : vector<1x16xf32> to vector<16xf32>
        %mul3A_698 = arith.mulf %gather3A_657, %get3A_697 : vector<16xf32>
        %add3A_699 = arith.addf %add3A_643, %mul3A_698 : vector<16xf32>
        %get3A_700 = arith.index_cast %add3A_653 : i32 to index
        %get3A_701 = arith.constant 112 : index
        %get3A_702 = tpu.vector_load %arg9[%get3A_700, %get3A_701] {strides = array<i32>} : memref<208x128xf32, #tpu.memory_space<vmem>>, vector<1x16xf32>,
        %get3A_703 = vector.shape_cast %get3A_702 : vector<1x16xf32> to vector<16xf32>
        %mul3A_704 = arith.mulf %gather3A_657, %get3A_703 : vector<16xf32>
        %add3A_705 = arith.addf %add3A_649, %mul3A_704 : vector<16xf32>
        %mul3A_706 = arith.constant 16 : i32
        %mul3A_707 = arith.muli %scan3A_301, %mul3A_706 : i32
        %add3A_708 = arith.constant 7 : i32
        %add3A_709 = arith.addi %mul3A_707, %add3A_708 : i32
        %broadcast_in_dim3A_710 = arith.constant 7 : i32
        %broadcast_in_dim3A_711 = vector.broadcast %broadcast_in_dim3A_710 : i32 to vector<16x1xi32>
        %gather3A_712 = vector.shape_cast %broadcast_in_dim3A_711 : vector<16x1xi32> to vector<16xi32>
        %gather3A_713 = tpu.dynamic_gather %get3A_314[%gather3A_712] in [0] : vector<16xf32>, vector<16xi32> -> vector<16xf32>
        %get3A_714 = arith.index_cast %add3A_709 : i32 to index
        %get3A_715 = arith.constant 0 : index
        %get3A_716 = tpu.vector_load %arg9[%get3A_714, %get3A_715] {strides = array<i32>} : memref<208x128xf32, #tpu.memory_space<vmem>>, vector<1x16xf32>,
        %get3A_717 = vector.shape_cast %get3A_716 : vector<1x16xf32> to vector<16xf32>
        %mul3A_718 = arith.mulf %gather3A_713, %get3A_717 : vector<16xf32>
        %add3A_719 = arith.addf %add3A_663, %mul3A_718 : vector<16xf32>
        %get3A_720 = arith.index_cast %add3A_709 : i32 to index
        %get3A_721 = arith.constant 16 : index
        %get3A_722 = tpu.vector_load %arg9[%get3A_720, %get3A_721] {strides = array<i32>} : memref<208x128xf32, #tpu.memory_space<vmem>>, vector<1x16xf32>,
        %get3A_723 = vector.shape_cast %get3A_722 : vector<1x16xf32> to vector<16xf32>
        %mul3A_724 = arith.mulf %gather3A_713, %get3A_723 : vector<16xf32>
        %add3A_725 = arith.addf %add3A_669, %mul3A_724 : vector<16xf32>
        %get3A_726 = arith.index_cast %add3A_709 : i32 to index
        %get3A_727 = arith.constant 32 : index
        %get3A_728 = tpu.vector_load %arg9[%get3A_726, %get3A_727] {strides = array<i32>} : memref<208x128xf32, #tpu.memory_space<vmem>>, vector<1x16xf32>,
        %get3A_729 = vector.shape_cast %get3A_728 : vector<1x16xf32> to vector<16xf32>
        %mul3A_730 = arith.mulf %gather3A_713, %get3A_729 : vector<16xf32>
        %add3A_731 = arith.addf %add3A_675, %mul3A_730 : vector<16xf32>
        %get3A_732 = arith.index_cast %add3A_709 : i32 to index
        %get3A_733 = arith.constant 48 : index
        %get3A_734 = tpu.vector_load %arg9[%get3A_732, %get3A_733] {strides = array<i32>} : memref<208x128xf32, #tpu.memory_space<vmem>>, vector<1x16xf32>,
        %get3A_735 = vector.shape_cast %get3A_734 : vector<1x16xf32> to vector<16xf32>
        %mul3A_736 = arith.mulf %gather3A_713, %get3A_735 : vector<16xf32>
        %add3A_737 = arith.addf %add3A_681, %mul3A_736 : vector<16xf32>
        %get3A_738 = arith.index_cast %add3A_709 : i32 to index
        %get3A_739 = arith.constant 64 : index
        %get3A_740 = tpu.vector_load %arg9[%get3A_738, %get3A_739] {strides = array<i32>} : memref<208x128xf32, #tpu.memory_space<vmem>>, vector<1x16xf32>,
        %get3A_741 = vector.shape_cast %get3A_740 : vector<1x16xf32> to vector<16xf32>
        %mul3A_742 = arith.mulf %gather3A_713, %get3A_741 : vector<16xf32>
        %add3A_743 = arith.addf %add3A_687, %mul3A_742 : vector<16xf32>
        %get3A_744 = arith.index_cast %add3A_709 : i32 to index
        %get3A_745 = arith.constant 80 : index
        %get3A_746 = tpu.vector_load %arg9[%get3A_744, %get3A_745] {strides = array<i32>} : memref<208x128xf32, #tpu.memory_space<vmem>>, vector<1x16xf32>,
        %get3A_747 = vector.shape_cast %get3A_746 : vector<1x16xf32> to vector<16xf32>
        %mul3A_748 = arith.mulf %gather3A_713, %get3A_747 : vector<16xf32>
        %add3A_749 = arith.addf %add3A_693, %mul3A_748 : vector<16xf32>
        %get3A_750 = arith.index_cast %add3A_709 : i32 to index
        %get3A_751 = arith.constant 96 : index
        %get3A_752 = tpu.vector_load %arg9[%get3A_750, %get3A_751] {strides = array<i32>} : memref<208x128xf32, #tpu.memory_space<vmem>>, vector<1x16xf32>,
        %get3A_753 = vector.shape_cast %get3A_752 : vector<1x16xf32> to vector<16xf32>
        %mul3A_754 = arith.mulf %gather3A_713, %get3A_753 : vector<16xf32>
        %add3A_755 = arith.addf %add3A_699, %mul3A_754 : vector<16xf32>
        %get3A_756 = arith.index_cast %add3A_709 : i32 to index
        %get3A_757 = arith.constant 112 : index
        %get3A_758 = tpu.vector_load %arg9[%get3A_756, %get3A_757] {strides = array<i32>} : memref<208x128xf32, #tpu.memory_space<vmem>>, vector<1x16xf32>,
        %get3A_759 = vector.shape_cast %get3A_758 : vector<1x16xf32> to vector<16xf32>
        %mul3A_760 = arith.mulf %gather3A_713, %get3A_759 : vector<16xf32>
        %add3A_761 = arith.addf %add3A_705, %mul3A_760 : vector<16xf32>
        %mul3A_762 = arith.constant 16 : i32
        %mul3A_763 = arith.muli %scan3A_301, %mul3A_762 : i32
        %add3A_764 = arith.constant 8 : i32
        %add3A_765 = arith.addi %mul3A_763, %add3A_764 : i32
        %broadcast_in_dim3A_766 = arith.constant 8 : i32
        %broadcast_in_dim3A_767 = vector.broadcast %broadcast_in_dim3A_766 : i32 to vector<16x1xi32>
        %gather3A_768 = vector.shape_cast %broadcast_in_dim3A_767 : vector<16x1xi32> to vector<16xi32>
        %gather3A_769 = tpu.dynamic_gather %get3A_314[%gather3A_768] in [0] : vector<16xf32>, vector<16xi32> -> vector<16xf32>
        %get3A_770 = arith.index_cast %add3A_765 : i32 to index
        %get3A_771 = arith.constant 0 : index
        %get3A_772 = tpu.vector_load %arg9[%get3A_770, %get3A_771] {strides = array<i32>} : memref<208x128xf32, #tpu.memory_space<vmem>>, vector<1x16xf32>,
        %get3A_773 = vector.shape_cast %get3A_772 : vector<1x16xf32> to vector<16xf32>
        %mul3A_774 = arith.mulf %gather3A_769, %get3A_773 : vector<16xf32>
        %add3A_775 = arith.addf %add3A_719, %mul3A_774 : vector<16xf32>
        %get3A_776 = arith.index_cast %add3A_765 : i32 to index
        %get3A_777 = arith.constant 16 : index
        %get3A_778 = tpu.vector_load %arg9[%get3A_776, %get3A_777] {strides = array<i32>} : memref<208x128xf32, #tpu.memory_space<vmem>>, vector<1x16xf32>,
        %get3A_779 = vector.shape_cast %get3A_778 : vector<1x16xf32> to vector<16xf32>
        %mul3A_780 = arith.mulf %gather3A_769, %get3A_779 : vector<16xf32>
        %add3A_781 = arith.addf %add3A_725, %mul3A_780 : vector<16xf32>
        %get3A_782 = arith.index_cast %add3A_765 : i32 to index
        %get3A_783 = arith.constant 32 : index
        %get3A_784 = tpu.vector_load %arg9[%get3A_782, %get3A_783] {strides = array<i32>} : memref<208x128xf32, #tpu.memory_space<vmem>>, vector<1x16xf32>,
        %get3A_785 = vector.shape_cast %get3A_784 : vector<1x16xf32> to vector<16xf32>
        %mul3A_786 = arith.mulf %gather3A_769, %get3A_785 : vector<16xf32>
        %add3A_787 = arith.addf %add3A_731, %mul3A_786 : vector<16xf32>
        %get3A_788 = arith.index_cast %add3A_765 : i32 to index
        %get3A_789 = arith.constant 48 : index
        %get3A_790 = tpu.vector_load %arg9[%get3A_788, %get3A_789] {strides = array<i32>} : memref<208x128xf32, #tpu.memory_space<vmem>>, vector<1x16xf32>,
        %get3A_791 = vector.shape_cast %get3A_790 : vector<1x16xf32> to vector<16xf32>
        %mul3A_792 = arith.mulf %gather3A_769, %get3A_791 : vector<16xf32>
        %add3A_793 = arith.addf %add3A_737, %mul3A_792 : vector<16xf32>
        %get3A_794 = arith.index_cast %add3A_765 : i32 to index
        %get3A_795 = arith.constant 64 : index
        %get3A_796 = tpu.vector_load %arg9[%get3A_794, %get3A_795] {strides = array<i32>} : memref<208x128xf32, #tpu.memory_space<vmem>>, vector<1x16xf32>,
        %get3A_797 = vector.shape_cast %get3A_796 : vector<1x16xf32> to vector<16xf32>
        %mul3A_798 = arith.mulf %gather3A_769, %get3A_797 : vector<16xf32>
        %add3A_799 = arith.addf %add3A_743, %mul3A_798 : vector<16xf32>
        %get3A_800 = arith.index_cast %add3A_765 : i32 to index
        %get3A_801 = arith.constant 80 : index
        %get3A_802 = tpu.vector_load %arg9[%get3A_800, %get3A_801] {strides = array<i32>} : memref<208x128xf32, #tpu.memory_space<vmem>>, vector<1x16xf32>,
        %get3A_803 = vector.shape_cast %get3A_802 : vector<1x16xf32> to vector<16xf32>
        %mul3A_804 = arith.mulf %gather3A_769, %get3A_803 : vector<16xf32>
        %add3A_805 = arith.addf %add3A_749, %mul3A_804 : vector<16xf32>
        %get3A_806 = arith.index_cast %add3A_765 : i32 to index
        %get3A_807 = arith.constant 96 : index
        %get3A_808 = tpu.vector_load %arg9[%get3A_806, %get3A_807] {strides = array<i32>} : memref<208x128xf32, #tpu.memory_space<vmem>>, vector<1x16xf32>,
        %get3A_809 = vector.shape_cast %get3A_808 : vector<1x16xf32> to vector<16xf32>
        %mul3A_810 = arith.mulf %gather3A_769, %get3A_809 : vector<16xf32>
        %add3A_811 = arith.addf %add3A_755, %mul3A_810 : vector<16xf32>
        %get3A_812 = arith.index_cast %add3A_765 : i32 to index
        %get3A_813 = arith.constant 112 : index
        %get3A_814 = tpu.vector_load %arg9[%get3A_812, %get3A_813] {strides = array<i32>} : memref<208x128xf32, #tpu.memory_space<vmem>>, vector<1x16xf32>,
        %get3A_815 = vector.shape_cast %get3A_814 : vector<1x16xf32> to vector<16xf32>
        %mul3A_816 = arith.mulf %gather3A_769, %get3A_815 : vector<16xf32>
        %add3A_817 = arith.addf %add3A_761, %mul3A_816 : vector<16xf32>
        %mul3A_818 = arith.constant 16 : i32
        %mul3A_819 = arith.muli %scan3A_301, %mul3A_818 : i32
        %add3A_820 = arith.constant 9 : i32
        %add3A_821 = arith.addi %mul3A_819, %add3A_820 : i32
        %broadcast_in_dim3A_822 = arith.constant 9 : i32
        %broadcast_in_dim3A_823 = vector.broadcast %broadcast_in_dim3A_822 : i32 to vector<16x1xi32>
        %gather3A_824 = vector.shape_cast %broadcast_in_dim3A_823 : vector<16x1xi32> to vector<16xi32>
        %gather3A_825 = tpu.dynamic_gather %get3A_314[%gather3A_824] in [0] : vector<16xf32>, vector<16xi32> -> vector<16xf32>
        %get3A_826 = arith.index_cast %add3A_821 : i32 to index
        %get3A_827 = arith.constant 0 : index
        %get3A_828 = tpu.vector_load %arg9[%get3A_826, %get3A_827] {strides = array<i32>} : memref<208x128xf32, #tpu.memory_space<vmem>>, vector<1x16xf32>,
        %get3A_829 = vector.shape_cast %get3A_828 : vector<1x16xf32> to vector<16xf32>
        %mul3A_830 = arith.mulf %gather3A_825, %get3A_829 : vector<16xf32>
        %add3A_831 = arith.addf %add3A_775, %mul3A_830 : vector<16xf32>
        %get3A_832 = arith.index_cast %add3A_821 : i32 to index
        %get3A_833 = arith.constant 16 : index
        %get3A_834 = tpu.vector_load %arg9[%get3A_832, %get3A_833] {strides = array<i32>} : memref<208x128xf32, #tpu.memory_space<vmem>>, vector<1x16xf32>,
        %get3A_835 = vector.shape_cast %get3A_834 : vector<1x16xf32> to vector<16xf32>
        %mul3A_836 = arith.mulf %gather3A_825, %get3A_835 : vector<16xf32>
        %add3A_837 = arith.addf %add3A_781, %mul3A_836 : vector<16xf32>
        %get3A_838 = arith.index_cast %add3A_821 : i32 to index
        %get3A_839 = arith.constant 32 : index
        %get3A_840 = tpu.vector_load %arg9[%get3A_838, %get3A_839] {strides = array<i32>} : memref<208x128xf32, #tpu.memory_space<vmem>>, vector<1x16xf32>,
        %get3A_841 = vector.shape_cast %get3A_840 : vector<1x16xf32> to vector<16xf32>
        %mul3A_842 = arith.mulf %gather3A_825, %get3A_841 : vector<16xf32>
        %add3A_843 = arith.addf %add3A_787, %mul3A_842 : vector<16xf32>
        %get3A_844 = arith.index_cast %add3A_821 : i32 to index
        %get3A_845 = arith.constant 48 : index
        %get3A_846 = tpu.vector_load %arg9[%get3A_844, %get3A_845] {strides = array<i32>} : memref<208x128xf32, #tpu.memory_space<vmem>>, vector<1x16xf32>,
        %get3A_847 = vector.shape_cast %get3A_846 : vector<1x16xf32> to vector<16xf32>
        %mul3A_848 = arith.mulf %gather3A_825, %get3A_847 : vector<16xf32>
        %add3A_849 = arith.addf %add3A_793, %mul3A_848 : vector<16xf32>
        %get3A_850 = arith.index_cast %add3A_821 : i32 to index
        %get3A_851 = arith.constant 64 : index
        %get3A_852 = tpu.vector_load %arg9[%get3A_850, %get3A_851] {strides = array<i32>} : memref<208x128xf32, #tpu.memory_space<vmem>>, vector<1x16xf32>,
        %get3A_853 = vector.shape_cast %get3A_852 : vector<1x16xf32> to vector<16xf32>
        %mul3A_854 = arith.mulf %gather3A_825, %get3A_853 : vector<16xf32>
        %add3A_855 = arith.addf %add3A_799, %mul3A_854 : vector<16xf32>
        %get3A_856 = arith.index_cast %add3A_821 : i32 to index
        %get3A_857 = arith.constant 80 : index
        %get3A_858 = tpu.vector_load %arg9[%get3A_856, %get3A_857] {strides = array<i32>} : memref<208x128xf32, #tpu.memory_space<vmem>>, vector<1x16xf32>,
        %get3A_859 = vector.shape_cast %get3A_858 : vector<1x16xf32> to vector<16xf32>
        %mul3A_860 = arith.mulf %gather3A_825, %get3A_859 : vector<16xf32>
        %add3A_861 = arith.addf %add3A_805, %mul3A_860 : vector<16xf32>
        %get3A_862 = arith.index_cast %add3A_821 : i32 to index
        %get3A_863 = arith.constant 96 : index
        %get3A_864 = tpu.vector_load %arg9[%get3A_862, %get3A_863] {strides = array<i32>} : memref<208x128xf32, #tpu.memory_space<vmem>>, vector<1x16xf32>,
        %get3A_865 = vector.shape_cast %get3A_864 : vector<1x16xf32> to vector<16xf32>
        %mul3A_866 = arith.mulf %gather3A_825, %get3A_865 : vector<16xf32>
        %add3A_867 = arith.addf %add3A_811, %mul3A_866 : vector<16xf32>
        %get3A_868 = arith.index_cast %add3A_821 : i32 to index
        %get3A_869 = arith.constant 112 : index
        %get3A_870 = tpu.vector_load %arg9[%get3A_868, %get3A_869] {strides = array<i32>} : memref<208x128xf32, #tpu.memory_space<vmem>>, vector<1x16xf32>,
        %get3A_871 = vector.shape_cast %get3A_870 : vector<1x16xf32> to vector<16xf32>
        %mul3A_872 = arith.mulf %gather3A_825, %get3A_871 : vector<16xf32>
        %add3A_873 = arith.addf %add3A_817, %mul3A_872 : vector<16xf32>
        %mul3A_874 = arith.constant 16 : i32
        %mul3A_875 = arith.muli %scan3A_301, %mul3A_874 : i32
        %add3A_876 = arith.constant 10 : i32
        %add3A_877 = arith.addi %mul3A_875, %add3A_876 : i32
        %broadcast_in_dim3A_878 = arith.constant 10 : i32
        %broadcast_in_dim3A_879 = vector.broadcast %broadcast_in_dim3A_878 : i32 to vector<16x1xi32>
        %gather3A_880 = vector.shape_cast %broadcast_in_dim3A_879 : vector<16x1xi32> to vector<16xi32>
        %gather3A_881 = tpu.dynamic_gather %get3A_314[%gather3A_880] in [0] : vector<16xf32>, vector<16xi32> -> vector<16xf32>
        %get3A_882 = arith.index_cast %add3A_877 : i32 to index
        %get3A_883 = arith.constant 0 : index
        %get3A_884 = tpu.vector_load %arg9[%get3A_882, %get3A_883] {strides = array<i32>} : memref<208x128xf32, #tpu.memory_space<vmem>>, vector<1x16xf32>,
        %get3A_885 = vector.shape_cast %get3A_884 : vector<1x16xf32> to vector<16xf32>
        %mul3A_886 = arith.mulf %gather3A_881, %get3A_885 : vector<16xf32>
        %add3A_887 = arith.addf %add3A_831, %mul3A_886 : vector<16xf32>
        %get3A_888 = arith.index_cast %add3A_877 : i32 to index
        %get3A_889 = arith.constant 16 : index
        %get3A_890 = tpu.vector_load %arg9[%get3A_888, %get3A_889] {strides = array<i32>} : memref<208x128xf32, #tpu.memory_space<vmem>>, vector<1x16xf32>,
        %get3A_891 = vector.shape_cast %get3A_890 : vector<1x16xf32> to vector<16xf32>
        %mul3A_892 = arith.mulf %gather3A_881, %get3A_891 : vector<16xf32>
        %add3A_893 = arith.addf %add3A_837, %mul3A_892 : vector<16xf32>
        %get3A_894 = arith.index_cast %add3A_877 : i32 to index
        %get3A_895 = arith.constant 32 : index
        %get3A_896 = tpu.vector_load %arg9[%get3A_894, %get3A_895] {strides = array<i32>} : memref<208x128xf32, #tpu.memory_space<vmem>>, vector<1x16xf32>,
        %get3A_897 = vector.shape_cast %get3A_896 : vector<1x16xf32> to vector<16xf32>
        %mul3A_898 = arith.mulf %gather3A_881, %get3A_897 : vector<16xf32>
        %add3A_899 = arith.addf %add3A_843, %mul3A_898 : vector<16xf32>
        %get3A_900 = arith.index_cast %add3A_877 : i32 to index
        %get3A_901 = arith.constant 48 : index
        %get3A_902 = tpu.vector_load %arg9[%get3A_900, %get3A_901] {strides = array<i32>} : memref<208x128xf32, #tpu.memory_space<vmem>>, vector<1x16xf32>,
        %get3A_903 = vector.shape_cast %get3A_902 : vector<1x16xf32> to vector<16xf32>
        %mul3A_904 = arith.mulf %gather3A_881, %get3A_903 : vector<16xf32>
        %add3A_905 = arith.addf %add3A_849, %mul3A_904 : vector<16xf32>
        %get3A_906 = arith.index_cast %add3A_877 : i32 to index
        %get3A_907 = arith.constant 64 : index
        %get3A_908 = tpu.vector_load %arg9[%get3A_906, %get3A_907] {strides = array<i32>} : memref<208x128xf32, #tpu.memory_space<vmem>>, vector<1x16xf32>,
        %get3A_909 = vector.shape_cast %get3A_908 : vector<1x16xf32> to vector<16xf32>
        %mul3A_910 = arith.mulf %gather3A_881, %get3A_909 : vector<16xf32>
        %add3A_911 = arith.addf %add3A_855, %mul3A_910 : vector<16xf32>
        %get3A_912 = arith.index_cast %add3A_877 : i32 to index
        %get3A_913 = arith.constant 80 : index
        %get3A_914 = tpu.vector_load %arg9[%get3A_912, %get3A_913] {strides = array<i32>} : memref<208x128xf32, #tpu.memory_space<vmem>>, vector<1x16xf32>,
        %get3A_915 = vector.shape_cast %get3A_914 : vector<1x16xf32> to vector<16xf32>
        %mul3A_916 = arith.mulf %gather3A_881, %get3A_915 : vector<16xf32>
        %add3A_917 = arith.addf %add3A_861, %mul3A_916 : vector<16xf32>
        %get3A_918 = arith.index_cast %add3A_877 : i32 to index
        %get3A_919 = arith.constant 96 : index
        %get3A_920 = tpu.vector_load %arg9[%get3A_918, %get3A_919] {strides = array<i32>} : memref<208x128xf32, #tpu.memory_space<vmem>>, vector<1x16xf32>,
        %get3A_921 = vector.shape_cast %get3A_920 : vector<1x16xf32> to vector<16xf32>
        %mul3A_922 = arith.mulf %gather3A_881, %get3A_921 : vector<16xf32>
        %add3A_923 = arith.addf %add3A_867, %mul3A_922 : vector<16xf32>
        %get3A_924 = arith.index_cast %add3A_877 : i32 to index
        %get3A_925 = arith.constant 112 : index
        %get3A_926 = tpu.vector_load %arg9[%get3A_924, %get3A_925] {strides = array<i32>} : memref<208x128xf32, #tpu.memory_space<vmem>>, vector<1x16xf32>,
        %get3A_927 = vector.shape_cast %get3A_926 : vector<1x16xf32> to vector<16xf32>
        %mul3A_928 = arith.mulf %gather3A_881, %get3A_927 : vector<16xf32>
        %add3A_929 = arith.addf %add3A_873, %mul3A_928 : vector<16xf32>
        %mul3A_930 = arith.constant 16 : i32
        %mul3A_931 = arith.muli %scan3A_301, %mul3A_930 : i32
        %add3A_932 = arith.constant 11 : i32
        %add3A_933 = arith.addi %mul3A_931, %add3A_932 : i32
        %broadcast_in_dim3A_934 = arith.constant 11 : i32
        %broadcast_in_dim3A_935 = vector.broadcast %broadcast_in_dim3A_934 : i32 to vector<16x1xi32>
        %gather3A_936 = vector.shape_cast %broadcast_in_dim3A_935 : vector<16x1xi32> to vector<16xi32>
        %gather3A_937 = tpu.dynamic_gather %get3A_314[%gather3A_936] in [0] : vector<16xf32>, vector<16xi32> -> vector<16xf32>
        %get3A_938 = arith.index_cast %add3A_933 : i32 to index
        %get3A_939 = arith.constant 0 : index
        %get3A_940 = tpu.vector_load %arg9[%get3A_938, %get3A_939] {strides = array<i32>} : memref<208x128xf32, #tpu.memory_space<vmem>>, vector<1x16xf32>,
        %get3A_941 = vector.shape_cast %get3A_940 : vector<1x16xf32> to vector<16xf32>
        %mul3A_942 = arith.mulf %gather3A_937, %get3A_941 : vector<16xf32>
        %add3A_943 = arith.addf %add3A_887, %mul3A_942 : vector<16xf32>
        %get3A_944 = arith.index_cast %add3A_933 : i32 to index
        %get3A_945 = arith.constant 16 : index
        %get3A_946 = tpu.vector_load %arg9[%get3A_944, %get3A_945] {strides = array<i32>} : memref<208x128xf32, #tpu.memory_space<vmem>>, vector<1x16xf32>,
        %get3A_947 = vector.shape_cast %get3A_946 : vector<1x16xf32> to vector<16xf32>
        %mul3A_948 = arith.mulf %gather3A_937, %get3A_947 : vector<16xf32>
        %add3A_949 = arith.addf %add3A_893, %mul3A_948 : vector<16xf32>
        %get3A_950 = arith.index_cast %add3A_933 : i32 to index
        %get3A_951 = arith.constant 32 : index
        %get3A_952 = tpu.vector_load %arg9[%get3A_950, %get3A_951] {strides = array<i32>} : memref<208x128xf32, #tpu.memory_space<vmem>>, vector<1x16xf32>,
        %get3A_953 = vector.shape_cast %get3A_952 : vector<1x16xf32> to vector<16xf32>
        %mul3A_954 = arith.mulf %gather3A_937, %get3A_953 : vector<16xf32>
        %add3A_955 = arith.addf %add3A_899, %mul3A_954 : vector<16xf32>
        %get3A_956 = arith.index_cast %add3A_933 : i32 to index
        %get3A_957 = arith.constant 48 : index
        %get3A_958 = tpu.vector_load %arg9[%get3A_956, %get3A_957] {strides = array<i32>} : memref<208x128xf32, #tpu.memory_space<vmem>>, vector<1x16xf32>,
        %get3A_959 = vector.shape_cast %get3A_958 : vector<1x16xf32> to vector<16xf32>
        %mul3A_960 = arith.mulf %gather3A_937, %get3A_959 : vector<16xf32>
        %add3A_961 = arith.addf %add3A_905, %mul3A_960 : vector<16xf32>
        %get3A_962 = arith.index_cast %add3A_933 : i32 to index
        %get3A_963 = arith.constant 64 : index
        %get3A_964 = tpu.vector_load %arg9[%get3A_962, %get3A_963] {strides = array<i32>} : memref<208x128xf32, #tpu.memory_space<vmem>>, vector<1x16xf32>,
        %get3A_965 = vector.shape_cast %get3A_964 : vector<1x16xf32> to vector<16xf32>
        %mul3A_966 = arith.mulf %gather3A_937, %get3A_965 : vector<16xf32>
        %add3A_967 = arith.addf %add3A_911, %mul3A_966 : vector<16xf32>
        %get3A_968 = arith.index_cast %add3A_933 : i32 to index
        %get3A_969 = arith.constant 80 : index
        %get3A_970 = tpu.vector_load %arg9[%get3A_968, %get3A_969] {strides = array<i32>} : memref<208x128xf32, #tpu.memory_space<vmem>>, vector<1x16xf32>,
        %get3A_971 = vector.shape_cast %get3A_970 : vector<1x16xf32> to vector<16xf32>
        %mul3A_972 = arith.mulf %gather3A_937, %get3A_971 : vector<16xf32>
        %add3A_973 = arith.addf %add3A_917, %mul3A_972 : vector<16xf32>
        %get3A_974 = arith.index_cast %add3A_933 : i32 to index
        %get3A_975 = arith.constant 96 : index
        %get3A_976 = tpu.vector_load %arg9[%get3A_974, %get3A_975] {strides = array<i32>} : memref<208x128xf32, #tpu.memory_space<vmem>>, vector<1x16xf32>,
        %get3A_977 = vector.shape_cast %get3A_976 : vector<1x16xf32> to vector<16xf32>
        %mul3A_978 = arith.mulf %gather3A_937, %get3A_977 : vector<16xf32>
        %add3A_979 = arith.addf %add3A_923, %mul3A_978 : vector<16xf32>
        %get3A_980 = arith.index_cast %add3A_933 : i32 to index
        %get3A_981 = arith.constant 112 : index
        %get3A_982 = tpu.vector_load %arg9[%get3A_980, %get3A_981] {strides = array<i32>} : memref<208x128xf32, #tpu.memory_space<vmem>>, vector<1x16xf32>,
        %get3A_983 = vector.shape_cast %get3A_982 : vector<1x16xf32> to vector<16xf32>
        %mul3A_984 = arith.mulf %gather3A_937, %get3A_983 : vector<16xf32>
        %add3A_985 = arith.addf %add3A_929, %mul3A_984 : vector<16xf32>
        %mul3A_986 = arith.constant 16 : i32
        %mul3A_987 = arith.muli %scan3A_301, %mul3A_986 : i32
        %add3A_988 = arith.constant 12 : i32
        %add3A_989 = arith.addi %mul3A_987, %add3A_988 : i32
        %broadcast_in_dim3A_990 = arith.constant 12 : i32
        %broadcast_in_dim3A_991 = vector.broadcast %broadcast_in_dim3A_990 : i32 to vector<16x1xi32>
        %gather3A_992 = vector.shape_cast %broadcast_in_dim3A_991 : vector<16x1xi32> to vector<16xi32>
        %gather3A_993 = tpu.dynamic_gather %get3A_314[%gather3A_992] in [0] : vector<16xf32>, vector<16xi32> -> vector<16xf32>
        %get3A_994 = arith.index_cast %add3A_989 : i32 to index
        %get3A_995 = arith.constant 0 : index
        %get3A_996 = tpu.vector_load %arg9[%get3A_994, %get3A_995] {strides = array<i32>} : memref<208x128xf32, #tpu.memory_space<vmem>>, vector<1x16xf32>,
        %get3A_997 = vector.shape_cast %get3A_996 : vector<1x16xf32> to vector<16xf32>
        %mul3A_998 = arith.mulf %gather3A_993, %get3A_997 : vector<16xf32>
        %add3A_999 = arith.addf %add3A_943, %mul3A_998 : vector<16xf32>
        %get3A_1000 = arith.index_cast %add3A_989 : i32 to index
        %get3A_1001 = arith.constant 16 : index
        %get3A_1002 = tpu.vector_load %arg9[%get3A_1000, %get3A_1001] {strides = array<i32>} : memref<208x128xf32, #tpu.memory_space<vmem>>, vector<1x16xf32>,
        %get3A_1003 = vector.shape_cast %get3A_1002 : vector<1x16xf32> to vector<16xf32>
        %mul3A_1004 = arith.mulf %gather3A_993, %get3A_1003 : vector<16xf32>
        %add3A_1005 = arith.addf %add3A_949, %mul3A_1004 : vector<16xf32>
        %get3A_1006 = arith.index_cast %add3A_989 : i32 to index
        %get3A_1007 = arith.constant 32 : index
        %get3A_1008 = tpu.vector_load %arg9[%get3A_1006, %get3A_1007] {strides = array<i32>} : memref<208x128xf32, #tpu.memory_space<vmem>>, vector<1x16xf32>,
        %get3A_1009 = vector.shape_cast %get3A_1008 : vector<1x16xf32> to vector<16xf32>
        %mul3A_1010 = arith.mulf %gather3A_993, %get3A_1009 : vector<16xf32>
        %add3A_1011 = arith.addf %add3A_955, %mul3A_1010 : vector<16xf32>
        %get3A_1012 = arith.index_cast %add3A_989 : i32 to index
        %get3A_1013 = arith.constant 48 : index
        %get3A_1014 = tpu.vector_load %arg9[%get3A_1012, %get3A_1013] {strides = array<i32>} : memref<208x128xf32, #tpu.memory_space<vmem>>, vector<1x16xf32>,
        %get3A_1015 = vector.shape_cast %get3A_1014 : vector<1x16xf32> to vector<16xf32>
        %mul3A_1016 = arith.mulf %gather3A_993, %get3A_1015 : vector<16xf32>
        %add3A_1017 = arith.addf %add3A_961, %mul3A_1016 : vector<16xf32>
        %get3A_1018 = arith.index_cast %add3A_989 : i32 to index
        %get3A_1019 = arith.constant 64 : index
        %get3A_1020 = tpu.vector_load %arg9[%get3A_1018, %get3A_1019] {strides = array<i32>} : memref<208x128xf32, #tpu.memory_space<vmem>>, vector<1x16xf32>,
        %get3A_1021 = vector.shape_cast %get3A_1020 : vector<1x16xf32> to vector<16xf32>
        %mul3A_1022 = arith.mulf %gather3A_993, %get3A_1021 : vector<16xf32>
        %add3A_1023 = arith.addf %add3A_967, %mul3A_1022 : vector<16xf32>
        %get3A_1024 = arith.index_cast %add3A_989 : i32 to index
        %get3A_1025 = arith.constant 80 : index
        %get3A_1026 = tpu.vector_load %arg9[%get3A_1024, %get3A_1025] {strides = array<i32>} : memref<208x128xf32, #tpu.memory_space<vmem>>, vector<1x16xf32>,
        %get3A_1027 = vector.shape_cast %get3A_1026 : vector<1x16xf32> to vector<16xf32>
        %mul3A_1028 = arith.mulf %gather3A_993, %get3A_1027 : vector<16xf32>
        %add3A_1029 = arith.addf %add3A_973, %mul3A_1028 : vector<16xf32>
        %get3A_1030 = arith.index_cast %add3A_989 : i32 to index
        %get3A_1031 = arith.constant 96 : index
        %get3A_1032 = tpu.vector_load %arg9[%get3A_1030, %get3A_1031] {strides = array<i32>} : memref<208x128xf32, #tpu.memory_space<vmem>>, vector<1x16xf32>,
        %get3A_1033 = vector.shape_cast %get3A_1032 : vector<1x16xf32> to vector<16xf32>
        %mul3A_1034 = arith.mulf %gather3A_993, %get3A_1033 : vector<16xf32>
        %add3A_1035 = arith.addf %add3A_979, %mul3A_1034 : vector<16xf32>
        %get3A_1036 = arith.index_cast %add3A_989 : i32 to index
        %get3A_1037 = arith.constant 112 : index
        %get3A_1038 = tpu.vector_load %arg9[%get3A_1036, %get3A_1037] {strides = array<i32>} : memref<208x128xf32, #tpu.memory_space<vmem>>, vector<1x16xf32>,
        %get3A_1039 = vector.shape_cast %get3A_1038 : vector<1x16xf32> to vector<16xf32>
        %mul3A_1040 = arith.mulf %gather3A_993, %get3A_1039 : vector<16xf32>
        %add3A_1041 = arith.addf %add3A_985, %mul3A_1040 : vector<16xf32>
        %mul3A_1042 = arith.constant 16 : i32
        %mul3A_1043 = arith.muli %scan3A_301, %mul3A_1042 : i32
        %add3A_1044 = arith.constant 13 : i32
        %add3A_1045 = arith.addi %mul3A_1043, %add3A_1044 : i32
        %broadcast_in_dim3A_1046 = arith.constant 13 : i32
        %broadcast_in_dim3A_1047 = vector.broadcast %broadcast_in_dim3A_1046 : i32 to vector<16x1xi32>
        %gather3A_1048 = vector.shape_cast %broadcast_in_dim3A_1047 : vector<16x1xi32> to vector<16xi32>
        %gather3A_1049 = tpu.dynamic_gather %get3A_314[%gather3A_1048] in [0] : vector<16xf32>, vector<16xi32> -> vector<16xf32>
        %get3A_1050 = arith.index_cast %add3A_1045 : i32 to index
        %get3A_1051 = arith.constant 0 : index
        %get3A_1052 = tpu.vector_load %arg9[%get3A_1050, %get3A_1051] {strides = array<i32>} : memref<208x128xf32, #tpu.memory_space<vmem>>, vector<1x16xf32>,
        %get3A_1053 = vector.shape_cast %get3A_1052 : vector<1x16xf32> to vector<16xf32>
        %mul3A_1054 = arith.mulf %gather3A_1049, %get3A_1053 : vector<16xf32>
        %add3A_1055 = arith.addf %add3A_999, %mul3A_1054 : vector<16xf32>
        %get3A_1056 = arith.index_cast %add3A_1045 : i32 to index
        %get3A_1057 = arith.constant 16 : index
        %get3A_1058 = tpu.vector_load %arg9[%get3A_1056, %get3A_1057] {strides = array<i32>} : memref<208x128xf32, #tpu.memory_space<vmem>>, vector<1x16xf32>,
        %get3A_1059 = vector.shape_cast %get3A_1058 : vector<1x16xf32> to vector<16xf32>
        %mul3A_1060 = arith.mulf %gather3A_1049, %get3A_1059 : vector<16xf32>
        %add3A_1061 = arith.addf %add3A_1005, %mul3A_1060 : vector<16xf32>
        %get3A_1062 = arith.index_cast %add3A_1045 : i32 to index
        %get3A_1063 = arith.constant 32 : index
        %get3A_1064 = tpu.vector_load %arg9[%get3A_1062, %get3A_1063] {strides = array<i32>} : memref<208x128xf32, #tpu.memory_space<vmem>>, vector<1x16xf32>,
        %get3A_1065 = vector.shape_cast %get3A_1064 : vector<1x16xf32> to vector<16xf32>
        %mul3A_1066 = arith.mulf %gather3A_1049, %get3A_1065 : vector<16xf32>
        %add3A_1067 = arith.addf %add3A_1011, %mul3A_1066 : vector<16xf32>
        %get3A_1068 = arith.index_cast %add3A_1045 : i32 to index
        %get3A_1069 = arith.constant 48 : index
        %get3A_1070 = tpu.vector_load %arg9[%get3A_1068, %get3A_1069] {strides = array<i32>} : memref<208x128xf32, #tpu.memory_space<vmem>>, vector<1x16xf32>,
        %get3A_1071 = vector.shape_cast %get3A_1070 : vector<1x16xf32> to vector<16xf32>
        %mul3A_1072 = arith.mulf %gather3A_1049, %get3A_1071 : vector<16xf32>
        %add3A_1073 = arith.addf %add3A_1017, %mul3A_1072 : vector<16xf32>
        %get3A_1074 = arith.index_cast %add3A_1045 : i32 to index
        %get3A_1075 = arith.constant 64 : index
        %get3A_1076 = tpu.vector_load %arg9[%get3A_1074, %get3A_1075] {strides = array<i32>} : memref<208x128xf32, #tpu.memory_space<vmem>>, vector<1x16xf32>,
        %get3A_1077 = vector.shape_cast %get3A_1076 : vector<1x16xf32> to vector<16xf32>
        %mul3A_1078 = arith.mulf %gather3A_1049, %get3A_1077 : vector<16xf32>
        %add3A_1079 = arith.addf %add3A_1023, %mul3A_1078 : vector<16xf32>
        %get3A_1080 = arith.index_cast %add3A_1045 : i32 to index
        %get3A_1081 = arith.constant 80 : index
        %get3A_1082 = tpu.vector_load %arg9[%get3A_1080, %get3A_1081] {strides = array<i32>} : memref<208x128xf32, #tpu.memory_space<vmem>>, vector<1x16xf32>,
        %get3A_1083 = vector.shape_cast %get3A_1082 : vector<1x16xf32> to vector<16xf32>
        %mul3A_1084 = arith.mulf %gather3A_1049, %get3A_1083 : vector<16xf32>
        %add3A_1085 = arith.addf %add3A_1029, %mul3A_1084 : vector<16xf32>
        %get3A_1086 = arith.index_cast %add3A_1045 : i32 to index
        %get3A_1087 = arith.constant 96 : index
        %get3A_1088 = tpu.vector_load %arg9[%get3A_1086, %get3A_1087] {strides = array<i32>} : memref<208x128xf32, #tpu.memory_space<vmem>>, vector<1x16xf32>,
        %get3A_1089 = vector.shape_cast %get3A_1088 : vector<1x16xf32> to vector<16xf32>
        %mul3A_1090 = arith.mulf %gather3A_1049, %get3A_1089 : vector<16xf32>
        %add3A_1091 = arith.addf %add3A_1035, %mul3A_1090 : vector<16xf32>
        %get3A_1092 = arith.index_cast %add3A_1045 : i32 to index
        %get3A_1093 = arith.constant 112 : index
        %get3A_1094 = tpu.vector_load %arg9[%get3A_1092, %get3A_1093] {strides = array<i32>} : memref<208x128xf32, #tpu.memory_space<vmem>>, vector<1x16xf32>,
        %get3A_1095 = vector.shape_cast %get3A_1094 : vector<1x16xf32> to vector<16xf32>
        %mul3A_1096 = arith.mulf %gather3A_1049, %get3A_1095 : vector<16xf32>
        %add3A_1097 = arith.addf %add3A_1041, %mul3A_1096 : vector<16xf32>
        %mul3A_1098 = arith.constant 16 : i32
        %mul3A_1099 = arith.muli %scan3A_301, %mul3A_1098 : i32
        %add3A_1100 = arith.constant 14 : i32
        %add3A_1101 = arith.addi %mul3A_1099, %add3A_1100 : i32
        %broadcast_in_dim3A_1102 = arith.constant 14 : i32
        %broadcast_in_dim3A_1103 = vector.broadcast %broadcast_in_dim3A_1102 : i32 to vector<16x1xi32>
        %gather3A_1104 = vector.shape_cast %broadcast_in_dim3A_1103 : vector<16x1xi32> to vector<16xi32>
        %gather3A_1105 = tpu.dynamic_gather %get3A_314[%gather3A_1104] in [0] : vector<16xf32>, vector<16xi32> -> vector<16xf32>
        %get3A_1106 = arith.index_cast %add3A_1101 : i32 to index
        %get3A_1107 = arith.constant 0 : index
        %get3A_1108 = tpu.vector_load %arg9[%get3A_1106, %get3A_1107] {strides = array<i32>} : memref<208x128xf32, #tpu.memory_space<vmem>>, vector<1x16xf32>,
        %get3A_1109 = vector.shape_cast %get3A_1108 : vector<1x16xf32> to vector<16xf32>
        %mul3A_1110 = arith.mulf %gather3A_1105, %get3A_1109 : vector<16xf32>
        %add3A_1111 = arith.addf %add3A_1055, %mul3A_1110 : vector<16xf32>
        %get3A_1112 = arith.index_cast %add3A_1101 : i32 to index
        %get3A_1113 = arith.constant 16 : index
        %get3A_1114 = tpu.vector_load %arg9[%get3A_1112, %get3A_1113] {strides = array<i32>} : memref<208x128xf32, #tpu.memory_space<vmem>>, vector<1x16xf32>,
        %get3A_1115 = vector.shape_cast %get3A_1114 : vector<1x16xf32> to vector<16xf32>
        %mul3A_1116 = arith.mulf %gather3A_1105, %get3A_1115 : vector<16xf32>
        %add3A_1117 = arith.addf %add3A_1061, %mul3A_1116 : vector<16xf32>
        %get3A_1118 = arith.index_cast %add3A_1101 : i32 to index
        %get3A_1119 = arith.constant 32 : index
        %get3A_1120 = tpu.vector_load %arg9[%get3A_1118, %get3A_1119] {strides = array<i32>} : memref<208x128xf32, #tpu.memory_space<vmem>>, vector<1x16xf32>,
        %get3A_1121 = vector.shape_cast %get3A_1120 : vector<1x16xf32> to vector<16xf32>
        %mul3A_1122 = arith.mulf %gather3A_1105, %get3A_1121 : vector<16xf32>
        %add3A_1123 = arith.addf %add3A_1067, %mul3A_1122 : vector<16xf32>
        %get3A_1124 = arith.index_cast %add3A_1101 : i32 to index
        %get3A_1125 = arith.constant 48 : index
        %get3A_1126 = tpu.vector_load %arg9[%get3A_1124, %get3A_1125] {strides = array<i32>} : memref<208x128xf32, #tpu.memory_space<vmem>>, vector<1x16xf32>,
        %get3A_1127 = vector.shape_cast %get3A_1126 : vector<1x16xf32> to vector<16xf32>
        %mul3A_1128 = arith.mulf %gather3A_1105, %get3A_1127 : vector<16xf32>
        %add3A_1129 = arith.addf %add3A_1073, %mul3A_1128 : vector<16xf32>
        %get3A_1130 = arith.index_cast %add3A_1101 : i32 to index
        %get3A_1131 = arith.constant 64 : index
        %get3A_1132 = tpu.vector_load %arg9[%get3A_1130, %get3A_1131] {strides = array<i32>} : memref<208x128xf32, #tpu.memory_space<vmem>>, vector<1x16xf32>,
        %get3A_1133 = vector.shape_cast %get3A_1132 : vector<1x16xf32> to vector<16xf32>
        %mul3A_1134 = arith.mulf %gather3A_1105, %get3A_1133 : vector<16xf32>
        %add3A_1135 = arith.addf %add3A_1079, %mul3A_1134 : vector<16xf32>
        %get3A_1136 = arith.index_cast %add3A_1101 : i32 to index
        %get3A_1137 = arith.constant 80 : index
        %get3A_1138 = tpu.vector_load %arg9[%get3A_1136, %get3A_1137] {strides = array<i32>} : memref<208x128xf32, #tpu.memory_space<vmem>>, vector<1x16xf32>,
        %get3A_1139 = vector.shape_cast %get3A_1138 : vector<1x16xf32> to vector<16xf32>
        %mul3A_1140 = arith.mulf %gather3A_1105, %get3A_1139 : vector<16xf32>
        %add3A_1141 = arith.addf %add3A_1085, %mul3A_1140 : vector<16xf32>
        %get3A_1142 = arith.index_cast %add3A_1101 : i32 to index
        %get3A_1143 = arith.constant 96 : index
        %get3A_1144 = tpu.vector_load %arg9[%get3A_1142, %get3A_1143] {strides = array<i32>} : memref<208x128xf32, #tpu.memory_space<vmem>>, vector<1x16xf32>,
        %get3A_1145 = vector.shape_cast %get3A_1144 : vector<1x16xf32> to vector<16xf32>
        %mul3A_1146 = arith.mulf %gather3A_1105, %get3A_1145 : vector<16xf32>
        %add3A_1147 = arith.addf %add3A_1091, %mul3A_1146 : vector<16xf32>
        %get3A_1148 = arith.index_cast %add3A_1101 : i32 to index
        %get3A_1149 = arith.constant 112 : index
        %get3A_1150 = tpu.vector_load %arg9[%get3A_1148, %get3A_1149] {strides = array<i32>} : memref<208x128xf32, #tpu.memory_space<vmem>>, vector<1x16xf32>,
        %get3A_1151 = vector.shape_cast %get3A_1150 : vector<1x16xf32> to vector<16xf32>
        %mul3A_1152 = arith.mulf %gather3A_1105, %get3A_1151 : vector<16xf32>
        %add3A_1153 = arith.addf %add3A_1097, %mul3A_1152 : vector<16xf32>
        %mul3A_1154 = arith.constant 16 : i32
        %mul3A_1155 = arith.muli %scan3A_301, %mul3A_1154 : i32
        %add3A_1156 = arith.constant 15 : i32
        %add3A_1157 = arith.addi %mul3A_1155, %add3A_1156 : i32
        %broadcast_in_dim3A_1158 = arith.constant 15 : i32
        %broadcast_in_dim3A_1159 = vector.broadcast %broadcast_in_dim3A_1158 : i32 to vector<16x1xi32>
        %gather3A_1160 = vector.shape_cast %broadcast_in_dim3A_1159 : vector<16x1xi32> to vector<16xi32>
        %gather3A_1161 = tpu.dynamic_gather %get3A_314[%gather3A_1160] in [0] : vector<16xf32>, vector<16xi32> -> vector<16xf32>
        %get3A_1162 = arith.index_cast %add3A_1157 : i32 to index
        %get3A_1163 = arith.constant 0 : index
        %get3A_1164 = tpu.vector_load %arg9[%get3A_1162, %get3A_1163] {strides = array<i32>} : memref<208x128xf32, #tpu.memory_space<vmem>>, vector<1x16xf32>,
        %get3A_1165 = vector.shape_cast %get3A_1164 : vector<1x16xf32> to vector<16xf32>
        %mul3A_1166 = arith.mulf %gather3A_1161, %get3A_1165 : vector<16xf32>
        %add3A_1167 = arith.addf %add3A_1111, %mul3A_1166 : vector<16xf32>
        %get3A_1168 = arith.index_cast %add3A_1157 : i32 to index
        %get3A_1169 = arith.constant 16 : index
        %get3A_1170 = tpu.vector_load %arg9[%get3A_1168, %get3A_1169] {strides = array<i32>} : memref<208x128xf32, #tpu.memory_space<vmem>>, vector<1x16xf32>,
        %get3A_1171 = vector.shape_cast %get3A_1170 : vector<1x16xf32> to vector<16xf32>
        %mul3A_1172 = arith.mulf %gather3A_1161, %get3A_1171 : vector<16xf32>
        %add3A_1173 = arith.addf %add3A_1117, %mul3A_1172 : vector<16xf32>
        %get3A_1174 = arith.index_cast %add3A_1157 : i32 to index
        %get3A_1175 = arith.constant 32 : index
        %get3A_1176 = tpu.vector_load %arg9[%get3A_1174, %get3A_1175] {strides = array<i32>} : memref<208x128xf32, #tpu.memory_space<vmem>>, vector<1x16xf32>,
        %get3A_1177 = vector.shape_cast %get3A_1176 : vector<1x16xf32> to vector<16xf32>
        %mul3A_1178 = arith.mulf %gather3A_1161, %get3A_1177 : vector<16xf32>
        %add3A_1179 = arith.addf %add3A_1123, %mul3A_1178 : vector<16xf32>
        %get3A_1180 = arith.index_cast %add3A_1157 : i32 to index
        %get3A_1181 = arith.constant 48 : index
        %get3A_1182 = tpu.vector_load %arg9[%get3A_1180, %get3A_1181] {strides = array<i32>} : memref<208x128xf32, #tpu.memory_space<vmem>>, vector<1x16xf32>,
        %get3A_1183 = vector.shape_cast %get3A_1182 : vector<1x16xf32> to vector<16xf32>
        %mul3A_1184 = arith.mulf %gather3A_1161, %get3A_1183 : vector<16xf32>
        %add3A_1185 = arith.addf %add3A_1129, %mul3A_1184 : vector<16xf32>
        %get3A_1186 = arith.index_cast %add3A_1157 : i32 to index
        %get3A_1187 = arith.constant 64 : index
        %get3A_1188 = tpu.vector_load %arg9[%get3A_1186, %get3A_1187] {strides = array<i32>} : memref<208x128xf32, #tpu.memory_space<vmem>>, vector<1x16xf32>,
        %get3A_1189 = vector.shape_cast %get3A_1188 : vector<1x16xf32> to vector<16xf32>
        %mul3A_1190 = arith.mulf %gather3A_1161, %get3A_1189 : vector<16xf32>
        %add3A_1191 = arith.addf %add3A_1135, %mul3A_1190 : vector<16xf32>
        %get3A_1192 = arith.index_cast %add3A_1157 : i32 to index
        %get3A_1193 = arith.constant 80 : index
        %get3A_1194 = tpu.vector_load %arg9[%get3A_1192, %get3A_1193] {strides = array<i32>} : memref<208x128xf32, #tpu.memory_space<vmem>>, vector<1x16xf32>,
        %get3A_1195 = vector.shape_cast %get3A_1194 : vector<1x16xf32> to vector<16xf32>
        %mul3A_1196 = arith.mulf %gather3A_1161, %get3A_1195 : vector<16xf32>
        %add3A_1197 = arith.addf %add3A_1141, %mul3A_1196 : vector<16xf32>
        %get3A_1198 = arith.index_cast %add3A_1157 : i32 to index
        %get3A_1199 = arith.constant 96 : index
        %get3A_1200 = tpu.vector_load %arg9[%get3A_1198, %get3A_1199] {strides = array<i32>} : memref<208x128xf32, #tpu.memory_space<vmem>>, vector<1x16xf32>,
        %get3A_1201 = vector.shape_cast %get3A_1200 : vector<1x16xf32> to vector<16xf32>
        %mul3A_1202 = arith.mulf %gather3A_1161, %get3A_1201 : vector<16xf32>
        %add3A_1203 = arith.addf %add3A_1147, %mul3A_1202 : vector<16xf32>
        %get3A_1204 = arith.index_cast %add3A_1157 : i32 to index
        %get3A_1205 = arith.constant 112 : index
        %get3A_1206 = tpu.vector_load %arg9[%get3A_1204, %get3A_1205] {strides = array<i32>} : memref<208x128xf32, #tpu.memory_space<vmem>>, vector<1x16xf32>,
        %get3A_1207 = vector.shape_cast %get3A_1206 : vector<1x16xf32> to vector<16xf32>
        %mul3A_1208 = arith.mulf %gather3A_1161, %get3A_1207 : vector<16xf32>
        %add3A_1209 = arith.addf %add3A_1153, %mul3A_1208 : vector<16xf32>
        scf.yield %add3A_1167, %add3A_1173, %add3A_1179, %add3A_1185, %add3A_1191, %add3A_1197, %add3A_1203, %add3A_1209 : vector<16xf32>, vector<16xf32>, vector<16xf32>, vector<16xf32>, vector<16xf32>, vector<16xf32>, vector<16xf32>, vector<16xf32>
      }
      %scan3A_238 = arith.constant 13 : i32
      %swap3A_239 = arith.constant 1 : i32
      %swap3A_240 = arith.index_cast %swap3A_239 : i32 to index
      %swap3A_241 = arith.constant 0 : index
      %swap3A_242 = tpu.vector_load %arg10[%swap3A_240, %swap3A_241] {strides = array<i32>} : memref<2x128xf32, #tpu.memory_space<vmem>>, vector<1x16xf32>,
      %swap3A_243 = vector.shape_cast %swap3A_242 : vector<1x16xf32> to vector<16xf32>
      %swap3A_244 = vector.shape_cast %scan3A_237#0 : vector<16xf32> to vector<1x16xf32>
      tpu.vector_store %arg10[%swap3A_240, %swap3A_241], %swap3A_244 {strides = array<i32>} : memref<2x128xf32, #tpu.memory_space<vmem>>, vector<1x16xf32>,
      %swap3A_245 = arith.constant 1 : i32
      %swap3A_246 = arith.index_cast %swap3A_245 : i32 to index
      %swap3A_247 = arith.constant 16 : index
      %swap3A_248 = tpu.vector_load %arg10[%swap3A_246, %swap3A_247] {strides = array<i32>} : memref<2x128xf32, #tpu.memory_space<vmem>>, vector<1x16xf32>,
      %swap3A_249 = vector.shape_cast %swap3A_248 : vector<1x16xf32> to vector<16xf32>
      %swap3A_250 = vector.shape_cast %scan3A_237#1 : vector<16xf32> to vector<1x16xf32>
      tpu.vector_store %arg10[%swap3A_246, %swap3A_247], %swap3A_250 {strides = array<i32>} : memref<2x128xf32, #tpu.memory_space<vmem>>, vector<1x16xf32>,
      %swap3A_251 = arith.constant 1 : i32
      %swap3A_252 = arith.index_cast %swap3A_251 : i32 to index
      %swap3A_253 = arith.constant 32 : index
      %swap3A_254 = tpu.vector_load %arg10[%swap3A_252, %swap3A_253] {strides = array<i32>} : memref<2x128xf32, #tpu.memory_space<vmem>>, vector<1x16xf32>,
      %swap3A_255 = vector.shape_cast %swap3A_254 : vector<1x16xf32> to vector<16xf32>
      %swap3A_256 = vector.shape_cast %scan3A_237#2 : vector<16xf32> to vector<1x16xf32>
      tpu.vector_store %arg10[%swap3A_252, %swap3A_253], %swap3A_256 {strides = array<i32>} : memref<2x128xf32, #tpu.memory_space<vmem>>, vector<1x16xf32>,
      %swap3A_257 = arith.constant 1 : i32
      %swap3A_258 = arith.index_cast %swap3A_257 : i32 to index
      %swap3A_259 = arith.constant 48 : index
      %swap3A_260 = tpu.vector_load %arg10[%swap3A_258, %swap3A_259] {strides = array<i32>} : memref<2x128xf32, #tpu.memory_space<vmem>>, vector<1x16xf32>,
      %swap3A_261 = vector.shape_cast %swap3A_260 : vector<1x16xf32> to vector<16xf32>
      %swap3A_262 = vector.shape_cast %scan3A_237#3 : vector<16xf32> to vector<1x16xf32>
      tpu.vector_store %arg10[%swap3A_258, %swap3A_259], %swap3A_262 {strides = array<i32>} : memref<2x128xf32, #tpu.memory_space<vmem>>, vector<1x16xf32>,
      %swap3A_263 = arith.constant 1 : i32
      %swap3A_264 = arith.index_cast %swap3A_263 : i32 to index
      %swap3A_265 = arith.constant 64 : index
      %swap3A_266 = tpu.vector_load %arg10[%swap3A_264, %swap3A_265] {strides = array<i32>} : memref<2x128xf32, #tpu.memory_space<vmem>>, vector<1x16xf32>,
      %swap3A_267 = vector.shape_cast %swap3A_266 : vector<1x16xf32> to vector<16xf32>
      %swap3A_268 = vector.shape_cast %scan3A_237#4 : vector<16xf32> to vector<1x16xf32>
      tpu.vector_store %arg10[%swap3A_264, %swap3A_265], %swap3A_268 {strides = array<i32>} : memref<2x128xf32, #tpu.memory_space<vmem>>, vector<1x16xf32>,
      %swap3A_269 = arith.constant 1 : i32
      %swap3A_270 = arith.index_cast %swap3A_269 : i32 to index
      %swap3A_271 = arith.constant 80 : index
      %swap3A_272 = tpu.vector_load %arg10[%swap3A_270, %swap3A_271] {strides = array<i32>} : memref<2x128xf32, #tpu.memory_space<vmem>>, vector<1x16xf32>,
      %swap3A_273 = vector.shape_cast %swap3A_272 : vector<1x16xf32> to vector<16xf32>
      %swap3A_274 = vector.shape_cast %scan3A_237#5 : vector<16xf32> to vector<1x16xf32>
      tpu.vector_store %arg10[%swap3A_270, %swap3A_271], %swap3A_274 {strides = array<i32>} : memref<2x128xf32, #tpu.memory_space<vmem>>, vector<1x16xf32>,
      %swap3A_275 = arith.constant 1 : i32
      %swap3A_276 = arith.index_cast %swap3A_275 : i32 to index
      %swap3A_277 = arith.constant 96 : index
      %swap3A_278 = tpu.vector_load %arg10[%swap3A_276, %swap3A_277] {strides = array<i32>} : memref<2x128xf32, #tpu.memory_space<vmem>>, vector<1x16xf32>,
      %swap3A_279 = vector.shape_cast %swap3A_278 : vector<1x16xf32> to vector<16xf32>
      %swap3A_280 = vector.shape_cast %scan3A_237#6 : vector<16xf32> to vector<1x16xf32>
      tpu.vector_store %arg10[%swap3A_276, %swap3A_277], %swap3A_280 {strides = array<i32>} : memref<2x128xf32, #tpu.memory_space<vmem>>, vector<1x16xf32>,
      %swap3A_281 = arith.constant 1 : i32
      %swap3A_282 = arith.index_cast %swap3A_281 : i32 to index
      %swap3A_283 = arith.constant 112 : index
      %swap3A_284 = tpu.vector_load %arg10[%swap3A_282, %swap3A_283] {strides = array<i32>} : memref<2x128xf32, #tpu.memory_space<vmem>>, vector<1x16xf32>,
      %swap3A_285 = vector.shape_cast %swap3A_284 : vector<1x16xf32> to vector<16xf32>
      %swap3A_286 = vector.shape_cast %scan3A_237#7 : vector<16xf32> to vector<1x16xf32>
      tpu.vector_store %arg10[%swap3A_282, %swap3A_283], %swap3A_286 {strides = array<i32>} : memref<2x128xf32, #tpu.memory_space<vmem>>, vector<1x16xf32>,
      %add3A_287 = arith.addi %mul3A_2, %add3A_216 : i32
      %dma_start3A_288 = arith.constant 1 : i32
      %dma_start3A_289 = arith.constant 0 : i32
      %dma_start3A_290 = tpu.memref_slice %arg10[%dma_start3A_288, %dma_start3A_289] : memref<2x128xf32, #tpu.memory_space<vmem>> -> memref<1x128xf32, #tpu.memory_space<vmem>>
      %dma_start3A_291 = tpu.memref_squeeze %dma_start3A_290 : memref<1x128xf32, #tpu.memory_space<vmem>> -> memref<128xf32, #tpu.memory_space<vmem>>
      %dma_start3A_292 = arith.constant 0 : i32
      %dma_start3A_293 = tpu.memref_slice %arg5[%add3A_287, %dma_start3A_292] : memref<4096x128xf32, #tpu.memory_space<hbm>> -> memref<1x128xf32, #tpu.memory_space<hbm>>
      %dma_start3A_294 = tpu.memref_squeeze %dma_start3A_293 : memref<1x128xf32, #tpu.memory_space<hbm>> -> memref<128xf32, #tpu.memory_space<hbm>>
      %dma_start3A_295 = arith.constant 0 : i32
      %dma_start3A_296 = tpu.memref_slice %arg5[%add3A_287, %dma_start3A_295] : memref<4096x128xf32, #tpu.memory_space<hbm>> -> memref<1x128xf32, #tpu.memory_space<hbm>>
      %dma_start3A_297 = tpu.memref_squeeze %dma_start3A_296 : memref<1x128xf32, #tpu.memory_space<hbm>> -> memref<128xf32, #tpu.memory_space<hbm>>
      %dma_start3A_298 = arith.constant 0 : i32
      %dma_start3A_299 = tpu.memref_slice %arg10[%dma_start3A_288, %dma_start3A_298] : memref<2x128xf32, #tpu.memory_space<vmem>> -> memref<1x128xf32, #tpu.memory_space<vmem>>
      %dma_start3A_300 = tpu.memref_squeeze %dma_start3A_299 : memref<1x128xf32, #tpu.memory_space<vmem>> -> memref<128xf32, #tpu.memory_space<vmem>>
      tpu.enqueue_dma source(%dma_start3A_300 : memref<128xf32, #tpu.memory_space<vmem>>) target(%dma_start3A_297 : memref<128xf32, #tpu.memory_space<hbm>>) target_semaphore(%arg13 : memref<!tpu.dma_semaphore, #tpu.memory_space<semaphore_mem>>)
    }
    %scan3A_28 = arith.constant 64 : i32
    %dma_wait3A = arith.constant 0 : i32
    %dma_wait3A_29 = arith.constant 0 : i32
    %dma_wait3A_30 = tpu.memref_slice %arg10[%dma_wait3A, %dma_wait3A_29] : memref<2x128xf32, #tpu.memory_space<vmem>> -> memref<1x128xf32, #tpu.memory_space<vmem>>
    %dma_wait3A_31 = tpu.memref_squeeze %dma_wait3A_30 : memref<1x128xf32, #tpu.memory_space<vmem>> -> memref<128xf32, #tpu.memory_space<vmem>>
    %dma_wait3A_32 = arith.constant 0 : i32
    %dma_wait3A_33 = tpu.memref_slice %arg5[%mul3A_2, %dma_wait3A_32] : memref<4096x128xf32, #tpu.memory_space<hbm>> -> memref<1x128xf32, #tpu.memory_space<hbm>>
    %dma_wait3A_34 = tpu.memref_squeeze %dma_wait3A_33 : memref<1x128xf32, #tpu.memory_space<hbm>> -> memref<128xf32, #tpu.memory_space<hbm>>
    %dma_wait3A_35 = arith.constant 0 : i32
    %dma_wait3A_36 = tpu.memref_slice %arg10[%dma_wait3A, %dma_wait3A_35] : memref<2x128xf32, #tpu.memory_space<vmem>> -> memref<1x128xf32, #tpu.memory_space<vmem>>
    %dma_wait3A_37 = tpu.memref_squeeze %dma_wait3A_36 : memref<1x128xf32, #tpu.memory_space<vmem>> -> memref<128xf32, #tpu.memory_space<vmem>>
    %dma_wait3A_38 = arith.constant 0 : i32
    %dma_wait3A_39 = tpu.memref_slice %arg5[%mul3A_2, %dma_wait3A_38] : memref<4096x128xf32, #tpu.memory_space<hbm>> -> memref<1x128xf32, #tpu.memory_space<hbm>>
    %dma_wait3A_40 = tpu.memref_squeeze %dma_wait3A_39 : memref<1x128xf32, #tpu.memory_space<hbm>> -> memref<128xf32, #tpu.memory_space<hbm>>
    tpu.wait_dma2 semaphore(%arg13 : memref<!tpu.dma_semaphore, #tpu.memory_space<semaphore_mem>>) src(%dma_wait3A_40 : memref<128xf32, #tpu.memory_space<hbm>>) dst(%dma_wait3A_37 : memref<128xf32, #tpu.memory_space<vmem>>)
    %dma_wait3A_41 = arith.constant 1 : i32
    %dma_wait3A_42 = arith.constant 0 : i32
    %dma_wait3A_43 = tpu.memref_slice %arg10[%dma_wait3A_41, %dma_wait3A_42] : memref<2x128xf32, #tpu.memory_space<vmem>> -> memref<1x128xf32, #tpu.memory_space<vmem>>
    %dma_wait3A_44 = tpu.memref_squeeze %dma_wait3A_43 : memref<1x128xf32, #tpu.memory_space<vmem>> -> memref<128xf32, #tpu.memory_space<vmem>>
    %dma_wait3A_45 = arith.constant 0 : i32
    %dma_wait3A_46 = tpu.memref_slice %arg5[%mul3A_2, %dma_wait3A_45] : memref<4096x128xf32, #tpu.memory_space<hbm>> -> memref<1x128xf32, #tpu.memory_space<hbm>>
    %dma_wait3A_47 = tpu.memref_squeeze %dma_wait3A_46 : memref<1x128xf32, #tpu.memory_space<hbm>> -> memref<128xf32, #tpu.memory_space<hbm>>
    %dma_wait3A_48 = arith.constant 0 : i32
    %dma_wait3A_49 = tpu.memref_slice %arg10[%dma_wait3A_41, %dma_wait3A_48] : memref<2x128xf32, #tpu.memory_space<vmem>> -> memref<1x128xf32, #tpu.memory_space<vmem>>
    %dma_wait3A_50 = tpu.memref_squeeze %dma_wait3A_49 : memref<1x128xf32, #tpu.memory_space<vmem>> -> memref<128xf32, #tpu.memory_space<vmem>>
    %dma_wait3A_51 = arith.constant 0 : i32
    %dma_wait3A_52 = tpu.memref_slice %arg5[%mul3A_2, %dma_wait3A_51] : memref<4096x128xf32, #tpu.memory_space<hbm>> -> memref<1x128xf32, #tpu.memory_space<hbm>>
    %dma_wait3A_53 = tpu.memref_squeeze %dma_wait3A_52 : memref<1x128xf32, #tpu.memory_space<hbm>> -> memref<128xf32, #tpu.memory_space<hbm>>
    tpu.wait_dma2 semaphore(%arg13 : memref<!tpu.dma_semaphore, #tpu.memory_space<semaphore_mem>>) src(%dma_wait3A_53 : memref<128xf32, #tpu.memory_space<hbm>>) dst(%dma_wait3A_50 : memref<128xf32, #tpu.memory_space<vmem>>)
    return
  }
}

</mosaic_0001>

<sc_bundles>
// kernel: kernel.3.cloned.1.call-start
scs
__scs_entry_jumppad:
0x0: {  	(pc) =	sbr.rel $0x88, $3  }
0x1: {  	(tag) =	ssettag $0x0;
	lr =	simm.s32 $0x1  }
0x2: {  	[smem:$0x3F9E] =	sst lr;
	_ =	strace $0xD0000000  }
0x3: {  	_ = 	snop  }
0x4: {  	_ = 	snop  }
0x5: {  	_ = 	snop  }
0x6: {  	_ = 	snop  }
0x7: {  	_ = 	snop  }
__scs_overlays_trampoline_lowered:
0x8: {  	[smem:$0x3FAD] =	sst s0  }
0x9: {  	[smem:$0x3FAE] =	sst s1  }
0xa: {  	[smem:$0x3FAF] =	sst s2  }
0xb: {  	[smem:$0x3FB0] =	sst s3  }
0xc: {  	[smem:$0x3FB1] =	sst s4  }
0xd: {  	[smem:$0x3FB2] =	sst s5  }
0xe: {  	[smem:$0x3FB3] =	sst s6  }
0xf: {  	[smem:$0x3FB4] =	sst s7  }
0x10: {  	[smem:$0x3FB5] =	sst s8  }
0x11: {  	[smem:$0x3FB6] =	sst s9;
	s0 =	simm.s32 @!p0 $0x0  }
0x12: {  	s1 =	sld [smem:$0x3F9C];
	s0 =	simm.s32 @p0 $0x1  }
0x13: {  	[smem:$0x3FB7] =	sst s0;
	s0 =	simm.s32 @!p1 $0x0  }
0x14: {  	s2 =	sld [smem:$0x3F9B];
	s0 =	simm.s32 @p1 $0x1  }
0x15: {  	[smem:$0x3FB8] =	sst s0;
	s0 =	simm.s32 @!p2 $0x0  }
0x16: {  	s3 =	sld [smem:$0x3FDB];
	s0 =	simm.s32 @p2 $0x1  }
0x17: {  	s4 =	simm.s32 $0x1BF5;
	[smem:$0x3FBA] =	sst s0  }
0x18: {  	s0 =	sld [smem:$0x3F9D];
	_ =	swait.ge [sflag:s4], $0x0  }
0x19: {  	s7 =	sld [smem:$0x3F9E]  }
0x1a: {  	s8 =	sadd.s32 $0xFFFFE003, lr  }
0x1b: {  	s9 =	sadd.s32 $0xFFFFFEF7, lr;
	s5 =	simm.s32 $0xFFFFFFFF;
	p2 =	slt.u32 s8, $0xFFFFF086  }
0x1c: {  	p1 =	slt.u32 s9, $0xF7A;
	s5 =	simm.s32 @!p2 $0x0  }
0x1d: {  	s5 =	simm.s32 @p1 $0x1;
	p0 =	seq.s32 s7, s2  }
0x1e: {  	s7 =	smul.u32 @!p0 $0xF7A, s2;
	p2 =	seq.s32 @!p0 s5, $0x0  }
0x1f: {  	s9 =	smul.u32 $0xF7A, s1;
	s8 =	simm.s32 @!p0 $0x1BF5;
	p2 =	por !p2, p0  }
0x20: {  	[sflag:s8] =	ssyncset.s32 @!p0 $0xFFFFF086;
	s6 =	sadd.s32 @!p0 s3, s7;
	s7 =	simm.s32 @!p0 $0x108  }
0x21: {  	s3 =	sadd.s32 s3, s9;
	s6 =	sadd.s32 @!p0 $0x88, s6;
	s7 =	simm.s32 @p2 $0x1082  }
0x22: {  	[simem:s7], [sflag:s8] =	dma.local @!p0 [hbm:s6], $0xF7A  }
0x23: {  	s9 =	sor.u32 $0xD0000000, s2;
	s6 =	simm.s32 $0x108;
	_ =	swait.ge @!p0 [sflag:s8], $0x0  }
0x24: {  	s3 =	sadd.s32 $0x88, s3;
	s6 =	simm.s32 @!p1 $0x1082;
	[sflag:s4] =	ssyncset.s32 $0xFFFFF086  }
0x25: {  	[simem:s6], [sflag:s4] =	dma.local [hbm:s3], $0xF7A  }
0x26: {  	[smem:$0x3F9E] =	sst s1;
	(tag) =	ssettag s2;
	_ =	strace s9  }
0x27: {  	s1 =	sld [smem:$0x3FAE]  }
0x28: {  	s2 =	sld [smem:$0x3FAF]  }
0x29: {  	s4 =	sld [smem:$0x3FB1]  }
0x2a: {  	p0 =	seq.s32 s5, $0x0;
	s5 =	sld [smem:$0x3FB2]  }
0x2b: {  	s6 =	sld [smem:$0x3FB3]  }
0x2c: {  	s7 =	sld [smem:$0x3FB4]  }
0x2d: {  	s3 =	simm.s32 $0x108;
	s8 =	sld [smem:$0x3FB5]  }
0x2e: {  	s3 =	simm.s32 @!p0 $0x1082;
	s9 =	sld [smem:$0x3FB6]  }
0x2f: {  	lr =	sadd.s32 s0, s3;
	s0 =	sld [smem:$0x3FAD]  }
0x30: {  	s3 =	sld [smem:$0x3FB0]  }
0x31: {  	[smem:$0x3FB9] =	sst s10  }
0x32: {  	s10 =	sld [smem:$0x3FB7];
	_ =	sdelay $0x3  }
0x33: {  	p0 =	seq.s32 s10, $0x1;
	s10 =	sld [smem:$0x3FB9];
	_ =	sdelay $0x3  }
0x34: {  	[smem:$0x3FB9] =	sst s10  }
0x35: {  	s10 =	sld [smem:$0x3FB8];
	_ =	sdelay $0x3  }
0x36: {  	p1 =	seq.s32 s10, $0x1;
	s10 =	sld [smem:$0x3FB9];
	_ =	sdelay $0x3  }
0x37: {  	[smem:$0x3FB9] =	sst s10  }
0x38: {  	s10 =	sld [smem:$0x3FBA]  }
0x39: {  	_ = 	snop;
	(pc) =	sbr.ind lr, $3  }
0x3a: {  	_ = 	snop  }
0x3b: {  	_ = 	snop  }
0x3c: {  	p2 =	seq.s32 s10, $0x1;
	s10 =	sld [smem:$0x3FB9]  }
0x3d: {  	_ =	shalt  }
0x3e: {  	_ =	shalt  }
0x3f: {  	_ =	shalt  }
0x40: {  	_ =	shalt  }
0x41: {  	_ =	shalt  }
0x42: {  	_ =	shalt  }
0x43: {  	_ =	shalt  }
0x44: {  	_ =	shalt  }
0x45: {  	_ =	shalt  }
0x46: {  	_ =	shalt  }
0x47: {  	_ =	shalt  }
0x48: {  	_ =	shalt  }
0x49: {  	_ =	shalt  }
0x4a: {  	_ =	shalt  }
0x4b: {  	_ =	shalt  }
0x4c: {  	_ =	shalt  }
0x4d: {  	_ =	shalt  }
0x4e: {  	_ =	shalt  }
0x4f: {  	_ =	shalt  }
0x50: {  	_ =	shalt  }
0x51: {  	_ =	shalt  }
0x52: {  	_ =	shalt  }
0x53: {  	_ =	shalt  }
0x54: {  	_ =	shalt  }
0x55: {  	_ =	shalt  }
0x56: {  	_ =	shalt  }
0x57: {  	_ =	shalt  }
0x58: {  	_ =	shalt  }
0x59: {  	_ =	shalt  }
0x5a: {  	_ =	shalt  }
0x5b: {  	_ =	shalt  }
0x5c: {  	_ =	shalt  }
0x5d: {  	_ =	shalt  }
0x5e: {  	_ =	shalt  }
0x5f: {  	_ =	shalt  }
0x60: {  	_ =	shalt  }
0x61: {  	_ =	shalt  }
0x62: {  	_ =	shalt  }
0x63: {  	_ =	shalt  }
0x64: {  	_ =	shalt  }
0x65: {  	_ =	shalt  }
0x66: {  	_ =	shalt  }
0x67: {  	_ =	shalt  }
0x68: {  	_ =	shalt  }
0x69: {  	_ =	shalt  }
0x6a: {  	_ =	shalt  }
0x6b: {  	_ =	shalt  }
0x6c: {  	_ =	shalt  }
0x6d: {  	_ =	shalt  }
0x6e: {  	_ =	shalt  }
0x6f: {  	_ =	shalt  }
0x70: {  	_ =	shalt  }
0x71: {  	_ =	shalt  }
0x72: {  	_ =	shalt  }
0x73: {  	_ =	shalt  }
0x74: {  	_ =	shalt  }
0x75: {  	_ =	shalt  }
0x76: {  	_ =	shalt  }
0x77: {  	_ =	shalt  }
0x78: {  	_ =	shalt  }
0x79: {  	_ =	shalt  }
0x7a: {  	_ =	shalt  }
0x7b: {  	_ =	shalt  }
0x7c: {  	_ =	shalt  }
0x7d: {  	_ =	shalt  }
0x7e: {  	_ =	shalt  }
0x7f: {  	_ =	shalt  }
0x80: {  	_ =	shalt  }
0x81: {  	_ =	shalt  }
0x82: {  	_ =	shalt  }
0x83: {  	_ =	shalt  }
0x84: {  	_ =	shalt  }
0x85: {  	_ =	shalt  }
0x86: {  	_ =	shalt  }
0x87: {  	_ =	shalt  }
.Lfunc_end0:
.L_simem_size_0:
called_computation_lowered:
.L_overlay_start_0:
0x88: {  	s2 =	sld [smem:$0x3FD9]  }
0x89: {  	s3 =	sld [smem:$0x3FFE];
	_ =	sdelay $0x1  }
0x8a: {  	s1 =	srdreg.scid  }
0x8b: {  	s0 =	sand.u32 $0x1, s1  }
0x8c: {  	s17 =	sshll.u32 s0, $0xA;
	s2 =	sadd.s32 s3, s2  }
0x8d: {  	s2 =	sadd.s32 s2, s17  }
0x8e: {  	[smem:$0x3FC5] =	sst s2  }
0x8f: {  	_ = 	snop  }
0x90: {  	s2 =	sld [smem:$0x3FC7]  }
0x91: {  	s18 =	sld [smem:$0x3FD0];
	(tm) =	ssettm $0x1  }
0x92: {  	s4 =	sld [smem:$0x3FFB];
	_ =	sdelay $0x3  }
0x93: {  	_ =	strace s4  }
0x94: {  	s4 =	sld [smem:$0x3FFC];
	_ =	sdelay $0x3  }
0x95: {  	_ =	strace s4  }
0x96: {  	s4 =	sld [smem:$0x3FFD];
	_ =	sdelay $0x3  }
0x97: {  	_ =	strace s4  }
0x98: {  	_ =	strace $0x8FFFFFFF  }
0x99: {  	s19 =	sld [smem:$0x3FDB];
	_ =	sdelay $0x1  }
0x9a: {  	s5 =	simm.s32 $_scs_section_size  }
0x9b: {  	s6 =	simm.s32 $_size__tile_overlayer_lowered;
	s7 =	simm.s32 $_tile_overlayer_lowered  }
0x9c: {  	s22 =	simm.s32 $0x1BFF;
	s21 =	sshll.u32 s7, $0x1;
	s4 =	sadd.s32 s5, s19  }
0x9d: {  	s8 =	simm.s32 $0x0;
	s20 =	sshll.u32 s6, $0x1;
	s6 =	sadd.s32 s21, s4  }
0x9e: {  	[timem:s8], [sflag:s22] =	dma.local [hbm:s6], s20  }
0x9f: {  	_ =	swait.ge [sflag:s22], s20  }
0xa0: {  	s5 =	ssub.s32 $0x0, s20;
	[sflag:s22] =	ssyncset.done $0x0  }
0xa1: {  	[sflag:s22] =	ssyncadd.s32 s5;
	_ =	sdelay $0x1  }
0xa2: {  	s23 =	simm.s32 $0x1B8B  }
0xa3: {  	_ =	swait.ge [sflag:s23], $0x1  }
0xa4: {  	[sflag:s23] =	ssyncset.done $0x0  }
0xa5: {  	s25 =	simm.s32 $0x1B8E;
	s24 =	sld [smem:$0x3FFE];
	[sflag:s23] =	ssyncadd.s32 $0xFFFFFFFF  }
0xa6: {  	s26 =	simm.s32 $execute0_lowered;
	[smem:$0x3FD2] =	sst s25  }
0xa7: {  	s6 =	sshll.u32 s26, $0x1;
	_ =	strace $0x80000046;
	[dreg:$0x1] =	wrdreg $0xFFFFFFFF  }
0xa8: {  	s28 =	simm.s32 $_size_execute0_lowered;
	s4 =	sadd.s32 s4, s6;
	[dreg:$0x0] =	wrdreg $0x0  }
0xa9: {  	s6 =	sshll.u32 s28, $0x1;
	[dreg:$0x2] =	wrdreg s4  }
0xaa: {  	[dreg:$0x3] =	wrdreg s6  }
0xab: {  	[dreg:$0x4] =	wrdreg $0xC0  }
0xac: {  	_ =	task [dreg:s8], $0x5FFFF  }
0xad: {  	[dreg:$0x1] =	wrdreg $0xFFFFFFFF  }
0xae: {  	[dreg:$0x0] =	wrdreg $0x60  }
0xaf: {  	[dreg:$0x2] =	wrdreg s24  }
0xb0: {  	[dreg:$0x3] =	wrdreg s2  }
0xb1: {  	[dreg:$0x4] =	wrdreg s18  }
0xb2: {  	[dreg:$0x5] =	wrdreg $0x9  }
0xb3: {  	_ =	task.clear_ibuf [dreg:s8], $0x6FFFF;
	_ =	strace $0x90000046  }
0xb4: {  	s29 =	simm.s32 $0x9;
	_ =	strace $0x80000048  }
0xb5: {  	_ =	swait.ge [sflag:s29], $0x1  }
0xb6: {  	[sflag:s29] =	ssyncadd.s32 $0xFFFFFFFF  }
0xb7: {  	_ =	strace $0x90000048  }
0xb8: {  	_ =	sfence  }
0xb9: {  	s30 =	sld [smem:$0x0];
	_ =	sdelay $0x2  }
0xba: {  	s31 =	sshll.u32 s1, $0xD;
	s1 =	sshrl.u32 s1, $0x2  }
0xbb: {  	s3 =	sand.u32 $0x4000, s31;
	s1 =	sadd.s32 s1, s30  }
0xbc: {  	s0 =	sor.u32 s3, s0;
	s1 =	sshll.u32 s1, $0x11  }
0xbd: {  	s0 =	sor.u32 s1, s0  }
0xbe: {  	s0 =	sadd.s32 $0x8F2B, s0  }
0xbf: {  	[sflag:s0] =	ssyncadd.remote.s32 $0x1  }
0xc0: {  	_ =	sfence.sel $0xFFFF  }
0xc1: {  	[dreg:$0x0] =	wrdreg $0xFFFFFFFF;
	(pc) =	sbr.abs _section_cstart, $3  }
0xc2: {  	[dreg:$0x1] =	wrdreg $0xFFFFFFFF  }
0xc3: {  	_ =	task.clear_ibuf [dreg:s8], $0x2FFFF;
	_ =	strace $0x9FFFFFFF  }
0xc4: {  	(tm) =	ssettm $0x7FFFFFFF  }
0xc5: {  	_ =	shalt  }
tec
execute0_lowered:
.L_overlay_start_1:
0x0: {  	(tag) =	ssettag $0x1  }
0x1: {  	s6 =	rddreg [dreg:$0x0];
	s1 =	srdreg.scid  }
0x2: {  	s2 =	rddreg [dreg:$0x1];
	s0 =	stileid.u32  }
0x3: {  	s3 =	rddreg [dreg:$0x2];
	s4 =	simm.s32 $0x0;
	s10 =	simm.s32 $0x8000  }
0x4: {  	s11 =	simm.s32 $0x68;
	s12 =	simm.s32 $0x10000;
	s13 =	simm.s32 $0x80  }
0x5: {  	s14 =	simm.s32 $0x13400;
	s15 =	simm.s32 $0x16800;
	s16 =	simm.s32 $0x19C00  }
0x6: {  	s17 =	simm.s32 $0x1;
	s18 =	simm.s32 $0x1D000;
	s7 =	sand.u32 $0x1, s1  }
0x7: {  	s19 =	simm.s32 $0x2;
	s5 =	sshll.u32 s0, $0x8;
	s8 =	sshll.u32 s7, $0x7  }
0x8: {  	v0 =	vimm.s32 $0x0;
	v1 =	vimm.s32 $0x1;
	v2 =	vimm.s32 $0x2;
	s20 =	simm.s32 $0x1D080;
	s21 =	simm.s32 $0x3;
	s5 =	sor.u32 s8, s5  }
0x9: {  	v3 =	vimm.s32 $0x3;
	v5 =	vimm.s32 $0x4;
	v7 =	vimm.s32 $0x5;
	s22 =	simm.s32 $0x0;
	s7 =	ssub.s32 $0x2, s7;
	s8 =	sshll.u32 s5, $0x5  }
0xa: {  	v8 =	vimm.s32 $0x6;
	v24 =	vimm.s32 $0x8;
	v28 =	vimm.s32 $0x9;
	[smem:$0x7FF] =	sst s4;
	s31 =	sshrl.u32 s7, $0x1;
	s8 =	sadd.s32 s8, s6  }
0xb: {  	v20 =	vimm.s32 $0xA;
	v27 =	vimm.s32 $0xB;
	v18 =	vimm.s32 $0xC;
	_ =	strace $0x80000047;
	s9 =	ssub.s32 s7, s31;
	s6 =	sadd.s32 $0x600, s8  }
0xc: {  	v23 =	vimm.s32 $0xD;
	v16 =	vimm.s32 $0xE;
	v19 =	vimm.s32 $0xF;
	s7 =	sadd.s32 $0x20600, s8;
	s8 =	smax.u32 s9, $0x1;
	s9 =	simm.s32 $0x4  }
.LBB2_1:
0xd: {  	[tilespmem:s4], [sflag:$0x4] =	stream.linear.gather [hbm4b:s6+s4], $0x8000, $0x38;
	[tilespmem:$0x1D100] =	vst v63  }
0xe: {  	_ =	swait.ge [sflag:s9], $0x8000  }
0xf: {  	[sflag:s9] =	ssyncset.done $0x0  }
0x10: {  	[sflag:s9] =	ssyncadd.s32 $0xFFFF8000  }
0x11: {  	[tilespmem:s10], [sflag:$0x4] =	stream.linear.gather [hbm4b:s7+s4], $0x8000, $0x38;
	[tilespmem:$0x1D100] =	vst v63  }
0x12: {  	_ =	swait.ge [sflag:s9], $0x8000  }
0x13: {  	[sflag:s9] =	ssyncset.done $0x0  }
0x14: {  	[sflag:s9] =	ssyncadd.s32 $0xFFFF8000  }
0x15: {  	[tilespmem:s12], [sflag:$0x1] =	stream.indirect.gather [hbm4b:s2+s11], $0x80, s4, s11, $0xb8;
	[tilespmem:$0x1D100] =	vst v63  }
0x16: {  	s23 =	simm.s32 $0x0  }
0x17: {  	[tilespmem:s14], [sflag:$0x1] =	stream.indirect.gather [hbm4b:s2+s11], $0x80, s13, s11, $0xb8;
	[tilespmem:$0x1D100] =	vst v63  }
.LBB2_2:
0x18: {  	s24 =	sshllo.u32 s23, $0x1  }
0x19: {  	s25 =	sshll.u32 s24, $0x8  }
0x1a: {  	s25 =	sand.u32 $0x3FFFFF00, s25  }
0x1b: {  	[tilespmem:s15], [sflag:$0x2] =	stream.indirect.gather [hbm4b:s2+s11], $0x80, s25, s11, $0xb8;
	[tilespmem:$0x1D100] =	vst v63  }
0x1c: {  	s25 =	sor.u32 $0x80, s25  }
0x1d: {  	[tilespmem:s16], [sflag:$0x2] =	stream.indirect.gather [hbm4b:s2+s11], $0x80, s25, s11, $0xb8;
	[tilespmem:$0x1D100] =	vst v63  }
0x1e: {  	_ =	swait.ge [sflag:s17], $0x3400  }
0x1f: {  	[sflag:s17] =	ssyncset.done $0x0  }
0x20: {  	[sflag:s17] =	ssyncadd.s32 $0xFFFFCC00  }
0x21: {  	_ =	swait.ge [sflag:s17], $0x3400  }
0x22: {  	p0 =	seq.s32 s23, $0x0;
	[sflag:s17] =	ssyncset.done $0x0  }
0x23: {  	s25 =	simm.s32 @!p0 $0x3;
	[sflag:s17] =	ssyncadd.s32 $0xFFFFCC00  }
0x24: {  	_ =	swait.ge @!p0 [sflag:s25], $0x80  }
0x25: {  	[sflag:s25] =	ssyncset.done @!p0 $0x0  }
0x26: {  	[sflag:s25] =	ssyncadd.s32 @!p0 $0xFFFFFF80  }
0x27: {  	_ =	swait.ge @!p0 [sflag:s25], $0x80  }
0x28: {  	[sflag:s25] =	ssyncset.done @!p0 $0x0  }
0x29: {  	s26 =	simm.s32 $0x10400;
	[sflag:s25] =	ssyncadd.s32 @!p0 $0xFFFFFF80  }
0x2a: {  	v17 =	vld [tilespmem:s26+$0x120];
	_ =	sdelay $0x4  }
0x2b: {  	[tilespmem:$0x1FF90] =	vst v17;
	v17 =	vld [tilespmem:s26+$0x130];
	_ =	sdelay $0x2  }
0x2c: {  	v4 =	vld [tilespmem:s26+$0x380]  }
0x2d: {  	v6 =	vld [tilespmem:s26+$0x390]  }
0x2e: {  	[tilespmem:$0x1FFA0] =	vst v17;
	v17 =	vld [tilespmem:s26+$0x140]  }
0x2f: {  	v33 =	vld [tilespmem:s26+$0x3A0]  }
0x30: {  	v36 =	vld [tilespmem:s26+$0x3B0]  }
0x31: {  	v52 =	vld [tilespmem:s26+$0x3C0]  }
0x32: {  	v53 =	vld [tilespmem:s26+$0x3D0]  }
0x33: {  	[tilespmem:$0x1FFB0] =	vst v17;
	v17 =	vld [tilespmem:s26+$0x150]  }
0x34: {  	v54 =	vld [tilespmem:s26+$0x300]  }
0x35: {  	v55 =	vld [tilespmem:s26+$0x310]  }
0x36: {  	v58 =	vld [tilespmem:s26+$0x320]  }
0x37: {  	v59 =	vld [tilespmem:s26+$0x330]  }
0x38: {  	[tilespmem:$0x1FFD0] =	vst v17;
	v17 =	vld [tilespmem:s26+$0xA0]  }
0x39: {  	s1 =	sshll.u32 s23, $0x9;
	v60 =	vld [tilespmem:s26+$0x340]  }
0x3a: {  	s28 =	sshll.u32 s23, $0x8;
	s25 =	sand.u32 $0x7800, s1;
	v61 =	vld [tilespmem:s26+$0x350]  }
0x3b: {  	s29 =	sand.u32 $0x300, s28;
	s28 =	simm.s32 $0x0;
	v62 =	vld [tilespmem:s26+$0x280];
	s25 =	sor.u32 $0x8000, s25  }
0x3c: {  	s30 =	sand.u32 $0x400, s28;
	v63 =	vld [tilespmem:s26+$0x290];
	s29 =	sor.u32 s29, s25  }
0x3d: {  	s31 =	sand.u32 $0x70, s28;
	s30 =	sadd.s32 s30, s29;
	[tilespmem:$0x1FFC0] =	vst v17;
	v17 =	vld [tilespmem:s26+$0xB0]  }
0x3e: {  	v9 =	vld [tilespmem:s26+$0x2A0];
	s30 =	sadd.s32 s31, s30  }
0x3f: {  	v37 =	vld [tilespmem:s30+$0x0]  }
0x40: {  	v38 =	vld [tilespmem:s26+$0xFFFFFC00]  }
0x41: {  	v43 =	vld [tilespmem:s26+$0xFFFFFC10]  }
0x42: {  	[tilespmem:$0x1FFE0] =	vst v17;
	v17 =	vld [tilespmem:s26+$0xC0]  }
0x43: {  	v10 =	vld [tilespmem:s26+$0x2B0]  }
0x44: {  	v35 =	vld [tilespmem:s26+$0x2C0];
	v42 =	vperm.xlane v37, v0  }
0x45: {  	v31 =	vld [tilespmem:s26+$0x2D0];
	v29 =	vperm.xlane v37, v8;
	v39 =	vperm.xlane v37, v1  }
0x46: {  	v11 =	vld [tilespmem:s26+$0x200];
	v34 =	vperm.xlane v37, v5;
	v38 =	vmul.f32 v38, v42  }
0x47: {  	v32 =	vld [tilespmem:s26+$0xFFFFFC80];
	v43 =	vmul.f32 v43, v42;
	[tilespmem:$0x1FFF0] =	vst v17;
	v17 =	vperm.xlane v37, v16  }
0x48: {  	v44 =	vld [tilespmem:s26+$0xFFFFFC90];
	v16 =	vperm.xlane v37, v19;
	v19 =	vperm.xlane v37, v18  }
0x49: {  	v12 =	vld [tilespmem:s26+$0x210];
	v18 =	vperm.xlane v37, v23;
	v23 =	vperm.xlane v37, v20  }
0x4a: {  	v13 =	vld [tilespmem:s26+$0x220];
	v0 =	vimm.s32 $0x7;
	v20 =	vperm.xlane v37, v27;
	v27 =	vperm.xlane v37, v24  }
0x4b: {  	v45 =	vld [tilespmem:s26+$0xFFFFFC20];
	v24 =	vperm.xlane v37, v28;
	v28 =	vperm.xlane v37, v0;
	v0 =	vimm.f32 $0.0e+00  }
0x4c: {  	v56 =	vld [tilespmem:s26+$0xFFFFFC30];
	v46 =	vmul.f32 v32, v39;
	v32 =	vperm.xlane v37, v7;
	v1 =	vadd.f32 v38, v0  }
0x4d: {  	v57 =	vld [tilespmem:s26+$0xFFFFFCA0];
	v44 =	vmul.f32 v44, v39;
	v38 =	vperm.xlane v37, v2;
	v0 =	vadd.f32 v43, v0  }
0x4e: {  	v37 =	vperm.xlane v37, v3;
	v3 =	vld [tilespmem:s26+$0xFFFFFD00];
	v8 =	vadd.f32 v46, v1;
	v1 =	vmul.f32 v4, v16  }
0x4f: {  	v2 =	vld [tilespmem:s26+$0xFFFFFCB0];
	v7 =	vadd.f32 v44, v0;
	v0 =	vmul.f32 v6, v16  }
0x50: {  	v5 =	vmul.f32 v33, v16;
	[tilespmem:$0x1FED0] =	vst v1;
	v1 =	vld [tilespmem:s26+$0xFFFFFD10]  }
0x51: {  	v36 =	vmul.f32 v36, v16;
	[tilespmem:$0x1FEE0] =	vst v0;
	v0 =	vld [tilespmem:s26+$0xFFFFFD20]  }
0x52: {  	v4 =	vmul.f32 v45, v42;
	v6 =	vmul.f32 v56, v42;
	[tilespmem:$0x1FEF0] =	vst v5;
	v5 =	vld [tilespmem:s26+$0xFFFFFD30]  }
0x53: {  	v14 =	vld [tilespmem:s26+$0x230];
	v56 =	vimm.f32 $0.0e+00;
	v46 =	vmul.f32 v57, v39;
	v3 =	vmul.f32 v3, v38  }
0x54: {  	v57 =	vld [tilespmem:s26+$0xFFFFFD90];
	v4 =	vadd.f32 v4, v56;
	v6 =	vadd.f32 v6, v56;
	v2 =	vmul.f32 v2, v39  }
0x55: {  	[tilespmem:$0x1FF00] =	vst v36;
	v36 =	vld [tilespmem:s26+$0xFFFFFD80];
	v3 =	vadd.f32 v3, v8;
	v8 =	vmul.f32 v54, v17;
	v1 =	vmul.f32 v1, v38  }
0x56: {  	v4 =	vadd.f32 v46, v4;
	v2 =	vadd.f32 v2, v6;
	v6 =	vld [tilespmem:s26+$0xFFFFFDA0];
	v0 =	vmul.f32 v0, v38  }
0x57: {  	v5 =	vmul.f32 v5, v38;
	[tilespmem:$0x1FF10] =	vst v8;
	v8 =	vld [tilespmem:s26+$0xFFFFFDB0];
	v1 =	vadd.f32 v1, v7;
	v7 =	vmul.f32 v55, v17  }
0x58: {  	v0 =	vadd.f32 v0, v4;
	v4 =	vmul.f32 v58, v17;
	v58 =	vld [tilespmem:s26+$0xFFFFFE10]  }
0x59: {  	v2 =	vadd.f32 v5, v2;
	v5 =	vmul.f32 v59, v17;
	[tilespmem:$0x1FF20] =	vst v7;
	v7 =	vld [tilespmem:s26+$0xFFFFFE00]  }
0x5a: {  	v26 =	vld [tilespmem:s26+$0x250];
	[tilespmem:$0x1FF30] =	vst v4;
	v4 =	vmul.f32 v36, v37  }
0x5b: {  	v43 =	vmul.f32 v52, v16;
	v33 =	vld [tilespmem:s26+$0xFFFFFE20];
	[tilespmem:$0x1FF40] =	vst v5;
	v5 =	vmul.f32 v57, v37  }
0x5c: {  	v45 =	vmul.f32 v60, v17;
	v3 =	vadd.f32 v4, v3;
	v4 =	vmul.f32 v6, v37;
	v6 =	vld [tilespmem:s26+$0xFFFFFE30]  }
0x5d: {  	v46 =	vmul.f32 v61, v17;
	v5 =	vadd.f32 v5, v1;
	v1 =	vmul.f32 v8, v37;
	v8 =	vld [tilespmem:s26+$0xFFFFFE80]  }
0x5e: {  	v61 =	vld [tilespmem:s26+$0xFFFFFE90];
	v36 =	vmul.f32 v58, v34;
	v4 =	vadd.f32 v4, v0;
	v7 =	vmul.f32 v7, v34  }
0x5f: {  	v0 =	vmul.f32 v62, v18;
	v62 =	vadd.f32 v1, v2;
	v2 =	vmul.f32 v63, v18;
	v63 =	vld [tilespmem:s26+$0xFFFFFEA0]  }
0x60: {  	v59 =	vld [tilespmem:s26+$0xFFFFFEB0];
	v7 =	vadd.f32 v7, v3;
	v3 =	vmul.f32 v9, v18;
	v9 =	vmul.f32 v33, v34  }
0x61: {  	v1 =	vmul.f32 v11, v19;
	v11 =	vld [tilespmem:s26+$0xFFFFFF30];
	v6 =	vmul.f32 v6, v34  }
0x62: {  	v30 =	vld [tilespmem:s26+$0x240];
	v55 =	vmul.f32 v31, v18;
	v9 =	vadd.f32 v9, v4;
	v4 =	vmul.f32 v8, v32  }
0x63: {  	v21 =	vld [tilespmem:s26+$0x190];
	v5 =	vadd.f32 v36, v5;
	v60 =	vadd.f32 v6, v62;
	v6 =	vmul.f32 v61, v32  }
0x64: {  	v40 =	vld [tilespmem:s26+$0x1C0];
	[tilespmem:$0x1FF50] =	vst v0;
	v0 =	vmul.f32 v10, v18;
	v61 =	vadd.f32 v4, v7;
	v7 =	vmul.f32 v63, v32  }
0x65: {  	v31 =	vld [tilespmem:s26+$0xFFFFFF20];
	v52 =	vadd.f32 v6, v5;
	v5 =	vmul.f32 v12, v19;
	v12 =	vmul.f32 v59, v32  }
0x66: {  	v15 =	vld [tilespmem:s26+$0x180];
	[tilespmem:$0x1FF60] =	vst v0;
	v0 =	vmul.f32 v26, v19;
	v11 =	vmul.f32 v11, v29  }
0x67: {  	v9 =	vadd.f32 v7, v9;
	v12 =	vadd.f32 v12, v60;
	v7 =	vmul.f32 v14, v19;
	v14 =	vld [tilespmem:s26+$0xFFFFFFA0]  }
0x68: {  	v22 =	vld [tilespmem:s26+$0x1A0]  }
0x69: {  	[tilespmem:$0x1FF70] =	vst v0;
	v0 =	vmul.f32 v40, v20;
	v36 =	vadd.f32 v11, v12;
	v11 =	vmul.f32 v21, v20;
	v21 =	vld [tilespmem:s26+$0x20]  }
0x6a: {  	v25 =	vld [tilespmem:s26+$0x1B0];
	v57 =	vmul.f32 v30, v19;
	v30 =	vmul.f32 v31, v29  }
0x6b: {  	[tilespmem:$0x1FF80] =	vst v0;
	v0 =	vld [tilespmem:$0x1FF90]  }
0x6c: {  	v41 =	vld [tilespmem:s26+$0x1D0];
	v9 =	vadd.f32 v30, v9;
	v14 =	vmul.f32 v14, v28  }
0x6d: {  	v50 =	vld [tilespmem:s26+$0x100]  }
0x6e: {  	v48 =	vld [tilespmem:s26+$0x110];
	v9 =	vadd.f32 v14, v9;
	v21 =	vmul.f32 v21, v27  }
0x6f: {  	v26 =	vld [tilespmem:s26+$0x0]  }
0x70: {  	v9 =	vadd.f32 v21, v9;
	v21 =	vmul.f32 v0, v23;
	v0 =	vld [tilespmem:$0x1FFA0]  }
0x71: {  	v49 =	vld [tilespmem:s26+$0x80]  }
0x72: {  	v10 =	vld [tilespmem:s26+$0xFFFFFF00]  }
0x73: {  	v47 =	vld [tilespmem:s26+$0x90]  }
0x74: {  	v62 =	vld [tilespmem:s26+$0xFFFFFF80]  }
0x75: {  	v14 =	vmul.f32 v26, v27;
	v26 =	vmul.f32 v0, v23;
	v0 =	vld [tilespmem:$0x1FFB0]  }
0x76: {  	v51 =	vld [tilespmem:s26+$0xD0]  }
0x77: {  	v44 =	vmul.f32 v53, v16;
	v53 =	vld [tilespmem:s26+$0xFFFFFF50];
	v10 =	vmul.f32 v10, v29  }
0x78: {  	v31 =	vld [tilespmem:s26+$0xFFFFFFB0]  }
0x79: {  	v8 =	vld [tilespmem:s26+$0xFFFFFF10];
	v4 =	vmul.f32 v15, v20;
	v10 =	vadd.f32 v10, v61;
	v15 =	vmul.f32 v62, v28  }
0x7a: {  	v58 =	vmul.f32 v47, v24;
	v47 =	vmul.f32 v0, v23;
	v0 =	vld [tilespmem:$0x1FFC0]  }
0x7b: {  	v6 =	vmul.f32 v13, v19;
	v13 =	vld [tilespmem:s26+$0xFFFFFF90];
	v10 =	vadd.f32 v15, v10  }
0x7c: {  	v33 =	vld [tilespmem:s26+$0xFFFFFFC0]  }
0x7d: {  	v40 =	vmul.f32 v49, v24;
	v30 =	vld [tilespmem:s26+$0x10];
	v10 =	vadd.f32 v14, v10  }
0x7e: {  	v59 =	vld [tilespmem:s26+$0x40];
	v8 =	vmul.f32 v8, v29  }
0x7f: {  	v10 =	vadd.f32 v40, v10;
	v40 =	vmul.f32 v0, v24;
	v0 =	vld [tilespmem:$0x1FFD0]  }
0x80: {  	v60 =	vld [tilespmem:s26+$0xFFFFFEC0];
	v63 =	vadd.f32 v8, v52;
	v13 =	vmul.f32 v13, v28  }
0x81: {  	v61 =	vld [tilespmem:s26+$0xFFFFFED0]  }
0x82: {  	v12 =	vmul.f32 v22, v20;
	v15 =	vld [tilespmem:s26+$0x30];
	v22 =	vadd.f32 v13, v63;
	v30 =	vmul.f32 v30, v27  }
0x83: {  	v62 =	vld [tilespmem:s26+$0xFFFFFE40];
	v13 =	vmul.f32 v25, v20;
	v25 =	vmul.f32 v31, v28  }
0x84: {  	v22 =	vadd.f32 v30, v22;
	v30 =	vmul.f32 v48, v23;
	v48 =	vmul.f32 v0, v23;
	v0 =	vld [tilespmem:$0x1FFE0]  }
0x85: {  	v41 =	vmul.f32 v41, v20;
	v54 =	vmul.f32 v35, v18;
	v25 =	vadd.f32 v25, v36;
	v36 =	vld [tilespmem:s26+$0xFFFFFFD0]  }
0x86: {  	v49 =	vmul.f32 v51, v24;
	v52 =	vld [tilespmem:s26+$0xFFFFFF40];
	v59 =	vmul.f32 v59, v27  }
0x87: {  	v51 =	vimm.f32 $0.0e+00;
	v31 =	vld [tilespmem:s26+$0x50];
	v60 =	vmul.f32 v60, v32;
	v15 =	vmul.f32 v15, v27  }
0x88: {  	v14 =	vmul.f32 v50, v23;
	v22 =	vadd.f32 v58, v22;
	v63 =	vadd.f32 v40, v9;
	v40 =	vld [tilespmem:s26+$0xFFFFFE50]  }
0x89: {  	v61 =	vmul.f32 v61, v32;
	v15 =	vadd.f32 v15, v25;
	v58 =	vmul.f32 v0, v24;
	v0 =	vld [tilespmem:$0x1FFF0]  }
0x8a: {  	v35 =	vadd.f32 v14, v10;
	v10 =	vmul.f32 v36, v28;
	v36 =	vadd.f32 v30, v22;
	v30 =	vld [tilespmem:s26+$0xFFFFFD40]  }
0x8b: {  	v62 =	vmul.f32 v62, v34;
	v9 =	vmul.f32 v33, v28;
	v33 =	vld [tilespmem:s26+$0xFFFFFDC0];
	v25 =	vadd.f32 v58, v15  }
0x8c: {  	v14 =	vmul.f32 v52, v29;
	v52 =	vimm.f32 $0.0e+00;
	v58 =	vmul.f32 v31, v27;
	v31 =	vld [tilespmem:s26+$0xFFFFFDD0]  }
0x8d: {  	v21 =	vadd.f32 v21, v63;
	v63 =	vmul.f32 v40, v34;
	v22 =	vadd.f32 v26, v25;
	v25 =	vld [tilespmem:s26+$0xFFFFFCC0]  }
0x8e: {  	s31 =	simm.s32 $0x10;
	s30 =	sshll.u32 s23, $0x1;
	v15 =	vmul.f32 v53, v29;
	v53 =	vimm.f32 $0.0e+00;
	v26 =	vld [tilespmem:s26+$0xFFFFFD50];
	v50 =	vmul.f32 v0, v24  }
.LBB2_3:
0x8f: {  	_ = 	snop  }
0x90: {  	v0 =	vld [tilespmem:$0x1FF50];
	v13 =	vadd.f32 v13, v22  }
0x91: {  	v8 =	vadd.f32 v4, v35  }
0x92: {  	v7 =	vadd.f32 v7, v13;
	v13 =	vmul.f32 v25, v39;
	v25 =	vld [tilespmem:$0x1FF10]  }
0x93: {  	v4 =	vadd.f32 v1, v8  }
0x94: {  	v22 =	vmul.f32 v30, v38;
	v30 =	vld [tilespmem:$0x1FED0]  }
0x95: {  	v0 =	vadd.f32 v0, v4;
	_ =	sdelay $0x1  }
0x96: {  	v0 =	vadd.f32 v25, v0  }
0x97: {  	v11 =	vadd.f32 v11, v36  }
0x98: {  	v25 =	vld [tilespmem:$0x1FF20];
	v0 =	vadd.f32 v30, v0  }
0x99: {  	v5 =	vadd.f32 v5, v11  }
0x9a: {  	v12 =	vadd.f32 v12, v21;
	[tilespmem:$0x1FD80] =	vst v0;
	v0 =	vld [tilespmem:$0x1FEE0]  }
0x9b: {  	v1 =	vadd.f32 v2, v5  }
0x9c: {  	v6 =	vadd.f32 v6, v12;
	v12 =	vld [tilespmem:s26+$0xFFFFFC70]  }
0x9d: {  	v1 =	vadd.f32 v25, v1;
	_ =	sdelay $0x1  }
0x9e: {  	v11 =	vmul.f32 v26, v38;
	v26 =	vld [tilespmem:$0x1FF30];
	v0 =	vadd.f32 v0, v1;
	_ =	sdelay $0x1  }
0x9f: {  	[tilespmem:$0x1FD90] =	vst v0;
	v0 =	vmul.f32 v12, v42;
	v12 =	vld [tilespmem:$0x1FEF0]  }
0xa0: {  	v2 =	vadd.f32 v3, v6  }
0xa1: {  	v36 =	vld [tilespmem:s26+$0xFFFFFC40]  }
0xa2: {  	v3 =	vld [tilespmem:$0x1FF60];
	v2 =	vadd.f32 v26, v2  }
0xa3: {  	v21 =	vld [tilespmem:s26+$0xFFFFFC50]  }
0xa4: {  	v26 =	vld [tilespmem:$0x1FF40];
	v2 =	vadd.f32 v12, v2  }
0xa5: {  	v8 =	vld [tilespmem:s26+$0xFFFFFC60]  }
0xa6: {  	[tilespmem:$0x1FDA0] =	vst v2;
	v2 =	vld [tilespmem:$0x1FF00]  }
0xa7: {  	v5 =	vld [tilespmem:s26+$0xFFFFFCE0];
	v3 =	vadd.f32 v3, v7  }
0xa8: {  	v40 =	vld [tilespmem:s26+$0xFFFFFCD0]  }
0xa9: {  	v7 =	vld [tilespmem:s26+$0xFFFFFCF0];
	v3 =	vadd.f32 v26, v3  }
0xaa: {  	v8 =	vmul.f32 v8, v42;
	v25 =	vld [tilespmem:s26+$0xFFFFFD60]  }
0xab: {  	v21 =	vmul.f32 v21, v42;
	v6 =	vmul.f32 v36, v42;
	v26 =	vld [tilespmem:s26+$0xFFFFFD70];
	v2 =	vadd.f32 v2, v3  }
0xac: {  	v33 =	vmul.f32 v33, v37;
	v8 =	vadd.f32 v8, v52;
	v5 =	vmul.f32 v5, v39;
	v1 =	vld [tilespmem:s26+$0xFFFFFDE0]  }
0xad: {  	v4 =	vmul.f32 v40, v39;
	v3 =	vadd.f32 v21, v53;
	[tilespmem:$0x1FDB0] =	vst v2;
	v2 =	vadd.f32 v6, v56;
	v6 =	vld [tilespmem:s26+$0xFFFFFDF0]  }
0xae: {  	v5 =	vadd.f32 v5, v8;
	v7 =	vmul.f32 v7, v39;
	v0 =	vadd.f32 v0, v51;
	v12 =	vld [tilespmem:s26+$0xFFFFFE60]  }
0xaf: {  	v31 =	vmul.f32 v31, v37;
	v3 =	vadd.f32 v4, v3;
	v2 =	vadd.f32 v13, v2;
	v13 =	vld [tilespmem:s26+$0xFFFFFE70]  }
0xb0: {  	v0 =	vadd.f32 v7, v0;
	v7 =	vmul.f32 v26, v38;
	v4 =	vmul.f32 v25, v38  }
0xb1: {  	v1 =	vmul.f32 v1, v37;
	v3 =	vadd.f32 v11, v3;
	v11 =	vld [tilespmem:s26+$0xFFFFFEF0];
	v2 =	vadd.f32 v22, v2  }
0xb2: {  	v8 =	vld [tilespmem:s26+$0xFFFFFEE0];
	v0 =	vadd.f32 v7, v0;
	v4 =	vadd.f32 v4, v5;
	v5 =	vmul.f32 v6, v37  }
0xb3: {  	v7 =	vmul.f32 v12, v34;
	v12 =	vld [tilespmem:s26+$0xFFFFFF70];
	v3 =	vadd.f32 v31, v3;
	v2 =	vadd.f32 v33, v2  }
0xb4: {  	v1 =	vadd.f32 v1, v4;
	v6 =	vld [tilespmem:s26+$0xFFFFFF60];
	v0 =	vadd.f32 v5, v0;
	v4 =	vmul.f32 v13, v34  }
0xb5: {  	v13 =	vld [tilespmem:s26+$0xFFFFFFF0];
	v2 =	vadd.f32 v62, v2  }
0xb6: {  	v3 =	vadd.f32 v63, v3;
	v5 =	vld [tilespmem:s26+$0xFFFFFFE0];
	v0 =	vadd.f32 v4, v0;
	v4 =	vmul.f32 v11, v32  }
0xb7: {  	v8 =	vmul.f32 v8, v32;
	v1 =	vadd.f32 v7, v1;
	v11 =	vld [tilespmem:s26+$0x70];
	v2 =	vadd.f32 v60, v2  }
0xb8: {  	s28 =	sadd.s32 $0x80, s28;
	v7 =	vld [tilespmem:s26+$0x60];
	v3 =	vadd.f32 v61, v3;
	v0 =	vadd.f32 v4, v0;
	v4 =	vmul.f32 v12, v29  }
0xb9: {  	s1 =	sand.u32 $0x400, s28;
	v1 =	vadd.f32 v8, v1;
	v12 =	vld [tilespmem:s26+$0xF0];
	v2 =	vadd.f32 v14, v2  }
0xba: {  	s0 =	sand.u32 $0x70, s31;
	s1 =	sadd.s32 s1, s29;
	v8 =	vld [tilespmem:s26+$0xE0];
	v6 =	vmul.f32 v6, v29;
	v0 =	vadd.f32 v4, v0;
	v4 =	vmul.f32 v13, v28  }
0xbb: {  	s0 =	sadd.s32 s0, s1;
	v3 =	vadd.f32 v15, v3;
	v5 =	vmul.f32 v5, v28;
	v2 =	vadd.f32 v9, v2;
	v9 =	vld [tilespmem:s26+$0x170]  }
0xbc: {  	v39 =	vld [tilespmem:s0+$0x0];
	v1 =	vadd.f32 v6, v1;
	v0 =	vadd.f32 v4, v0;
	v4 =	vmul.f32 v11, v27  }
0xbd: {  	v7 =	vmul.f32 v7, v27;
	v3 =	vadd.f32 v10, v3;
	v10 =	vld [tilespmem:s26+$0x1F0]  }
0xbe: {  	v6 =	vld [tilespmem:s26+$0x160];
	v1 =	vadd.f32 v5, v1;
	v0 =	vadd.f32 v4, v0;
	v4 =	vmul.f32 v12, v24  }
0xbf: {  	v8 =	vmul.f32 v8, v24;
	v11 =	vld [tilespmem:s26+$0x270]  }
0xc0: {  	v5 =	vld [tilespmem:s26+$0x1E0];
	v1 =	vadd.f32 v7, v1;
	v0 =	vadd.f32 v4, v0;
	v4 =	vmul.f32 v9, v23  }
0xc1: {  	v3 =	vadd.f32 v58, v3;
	v2 =	vadd.f32 v59, v2;
	v7 =	vld [tilespmem:s26+$0x260]  }
0xc2: {  	v1 =	vadd.f32 v8, v1;
	v8 =	vld [tilespmem:s26+$0x2E0];
	v0 =	vadd.f32 v4, v0;
	v4 =	vmul.f32 v10, v20  }
0xc3: {  	v3 =	vadd.f32 v49, v3;
	v6 =	vmul.f32 v6, v23;
	v10 =	vld [tilespmem:$0x1FF80]  }
0xc4: {  	v2 =	vadd.f32 v50, v2;
	v0 =	vadd.f32 v4, v0;
	v4 =	vmul.f32 v11, v19;
	v11 =	vld [tilespmem:$0x1FF70]  }
0xc5: {  	v3 =	vadd.f32 v48, v3;
	v5 =	vmul.f32 v5, v20;
	v9 =	vld [tilespmem:s26+$0x2F0];
	v1 =	vadd.f32 v6, v1  }
0xc6: {  	v2 =	vadd.f32 v47, v2;
	v6 =	vld [tilespmem:s26+$0x360]  }
0xc7: {  	v3 =	vadd.f32 v41, v3;
	v1 =	vadd.f32 v5, v1;
	v5 =	vld [tilespmem:s26+$0x3E0]  }
0xc8: {  	v7 =	vmul.f32 v7, v19;
	v2 =	vadd.f32 v10, v2;
	v10 =	vld [tilespmem:s26+$0x370]  }
0xc9: {  	v3 =	vadd.f32 v11, v3;
	v11 =	vld [tilespmem:s26+$0x3F0];
	s26 =	sadd.s32 $0x800, s26  }
0xca: {  	v8 =	vmul.f32 v8, v18;
	v1 =	vadd.f32 v7, v1;
	v12 =	vld [tilespmem:s26+$0x380]  }
0xcb: {  	v0 =	vadd.f32 v4, v0;
	v7 =	vld [tilespmem:s26+$0x390]  }
0xcc: {  	v4 =	vmul.f32 v9, v18;
	v6 =	vmul.f32 v6, v17;
	v1 =	vadd.f32 v8, v1;
	v9 =	vld [tilespmem:s26+$0x3A0]  }
0xcd: {  	v8 =	vld [tilespmem:s26+$0x3B0]  }
0xce: {  	v1 =	vadd.f32 v6, v1;
	v6 =	vld [tilespmem:s26+$0x3D0]  }
0xcf: {  	v13 =	vld [tilespmem:s26+$0x290]  }
0xd0: {  	v14 =	vld [tilespmem:s26+$0x2A0]  }
0xd1: {  	v15 =	vld [tilespmem:s26+$0x2B0]  }
0xd2: {  	v0 =	vadd.f32 v4, v0;
	v21 =	vld [tilespmem:s26+$0x2C0];
	v4 =	vmul.f32 v10, v17  }
0xd3: {  	v22 =	vld [tilespmem:s26+$0x2D0]  }
0xd4: {  	v2 =	vadd.f32 v57, v2;
	v25 =	vld [tilespmem:s26+$0x200];
	v0 =	vadd.f32 v4, v0;
	v4 =	vmul.f32 v11, v16  }
0xd5: {  	v26 =	vld [tilespmem:s26+$0x210]  }
0xd6: {  	v5 =	vmul.f32 v5, v16;
	v30 =	vld [tilespmem:s26+$0x220];
	v2 =	vadd.f32 v54, v2;
	v0 =	vadd.f32 v4, v0  }
0xd7: {  	v31 =	vld [tilespmem:s26+$0x230];
	v3 =	vadd.f32 v55, v3  }
0xd8: {  	v1 =	vadd.f32 v5, v1;
	v2 =	vadd.f32 v45, v2;
	[tilespmem:$0x1FE10] =	vst v0;
	v0 =	vld [tilespmem:s26+$0x310]  }
0xd9: {  	v33 =	vld [tilespmem:s26+$0x240]  }
0xda: {  	v3 =	vadd.f32 v46, v3;
	[tilespmem:$0x1FE20] =	vst v1;
	v1 =	vld [tilespmem:s26+$0x320];
	v16 =	vimm.s32 $0xE;
	v2 =	vadd.f32 v43, v2  }
0xdb: {  	v35 =	vld [tilespmem:s26+$0x250];
	v17 =	vperm.xlane v39, v16  }
0xdc: {  	[tilespmem:$0x1FDC0] =	vst v2;
	v2 =	vadd.f32 v44, v3;
	v3 =	vld [tilespmem:s26+$0x330]  }
0xdd: {  	v36 =	vld [tilespmem:s26+$0x180];
	v0 =	vmul.f32 v0, v17  }
0xde: {  	v4 =	vld [tilespmem:s26+$0x340]  }
0xdf: {  	v40 =	vld [tilespmem:s26+$0x190];
	[tilespmem:$0x1FF20] =	vst v0;
	v0 =	vmul.f32 v1, v17  }
0xe0: {  	v5 =	vld [tilespmem:s26+$0x350]  }
0xe1: {  	v41 =	vld [tilespmem:s26+$0x1A0];
	[tilespmem:$0x1FF30] =	vst v0;
	v0 =	vmul.f32 v3, v17  }
0xe2: {  	v11 =	vld [tilespmem:s26+$0x280]  }
0xe3: {  	v18 =	vimm.s32 $0xC;
	v47 =	vld [tilespmem:s26+$0x1B0];
	[tilespmem:$0x1FF40] =	vst v0;
	v0 =	vmul.f32 v4, v17  }
0xe4: {  	v19 =	vperm.xlane v39, v18;
	v18 =	vimm.s32 $0xD;
	v48 =	vld [tilespmem:s26+$0x1C0]  }
0xe5: {  	v18 =	vperm.xlane v39, v18;
	v49 =	vld [tilespmem:s26+$0x1D0];
	[tilespmem:$0x1FE60] =	vst v0;
	v0 =	vmul.f32 v5, v17  }
0xe6: {  	v50 =	vld [tilespmem:s26+$0x100]  }
0xe7: {  	v58 =	vld [tilespmem:s26+$0x110];
	[tilespmem:$0x1FE30] =	vst v0;
	v0 =	vmul.f32 v11, v18  }
0xe8: {  	v59 =	vld [tilespmem:s26+$0x120]  }
0xe9: {  	v60 =	vld [tilespmem:s26+$0x130];
	[tilespmem:$0x1FF50] =	vst v0;
	v0 =	vmul.f32 v13, v18  }
0xea: {  	v52 =	vimm.s32 $0x4;
	v61 =	vld [tilespmem:s26+$0x140]  }
0xeb: {  	v53 =	vimm.s32 $0x5;
	v56 =	vimm.s32 $0x0;
	v62 =	vld [tilespmem:s26+$0x150];
	[tilespmem:$0x1FDE0] =	vst v0;
	v0 =	vmul.f32 v15, v18  }
0xec: {  	v42 =	vperm.xlane v39, v56;
	v34 =	vperm.xlane v39, v52;
	v28 =	vimm.s32 $0x6;
	v51 =	vld [tilespmem:s26+$0x0]  }
0xed: {  	v29 =	vperm.xlane v39, v28;
	v28 =	vimm.s32 $0x7;
	v52 =	vld [tilespmem:s26+$0x10];
	[tilespmem:$0x1FF60] =	vst v0;
	v0 =	vmul.f32 v21, v18  }
0xee: {  	v32 =	vperm.xlane v39, v53;
	v28 =	vperm.xlane v39, v28;
	v20 =	vimm.s32 $0xA;
	v53 =	vld [tilespmem:s26+$0x20]  }
0xef: {  	v23 =	vperm.xlane v39, v20;
	v20 =	vimm.s32 $0xB;
	v56 =	vld [tilespmem:s26+$0xFFFFFF80];
	[tilespmem:$0x1FDF0] =	vst v0;
	v0 =	vmul.f32 v26, v19  }
0xf0: {  	v20 =	vperm.xlane v39, v20;
	v54 =	vimm.s32 $0x2;
	v55 =	vimm.s32 $0x3;
	v10 =	vld [tilespmem:s26+$0x3C0]  }
0xf1: {  	v38 =	vperm.xlane v39, v54;
	v54 =	vld [tilespmem:s26+$0x30];
	v16 =	vimm.s32 $0xF;
	[tilespmem:$0x1FE00] =	vst v0;
	v0 =	vmul.f32 v35, v19  }
0xf2: {  	v24 =	vimm.s32 $0x8;
	v37 =	vperm.xlane v39, v55;
	v55 =	vld [tilespmem:s26+$0x50];
	v16 =	vperm.xlane v39, v16;
	[tilespmem:$0x1FDD0] =	vst v2  }
0xf3: {  	v27 =	vperm.xlane v39, v24;
	v24 =	vimm.s32 $0x9;
	v2 =	vld [tilespmem:s26+$0x300];
	[tilespmem:$0x1FF70] =	vst v0;
	v0 =	vmul.f32 v48, v20  }
0xf4: {  	v24 =	vperm.xlane v39, v24;
	v45 =	vld [tilespmem:s26+$0xA0];
	v12 =	vmul.f32 v12, v16  }
0xf5: {  	v46 =	vld [tilespmem:s26+$0xB0];
	v63 =	vmul.f32 v22, v18;
	[tilespmem:$0x1FF80] =	vst v0;
	v0 =	vmul.f32 v49, v20  }
0xf6: {  	v43 =	vld [tilespmem:s26+$0x80];
	v22 =	vmul.f32 v51, v27;
	v7 =	vmul.f32 v7, v16;
	[tilespmem:$0x1FED0] =	vst v12  }
0xf7: {  	v57 =	vimm.s32 $0x1;
	v51 =	vmul.f32 v56, v28;
	v56 =	vld [tilespmem:s26+$0xFFFFFCA0];
	[tilespmem:$0x1FE90] =	vst v0;
	v0 =	vmul.f32 v50, v23  }
0xf8: {  	v39 =	vperm.xlane v39, v57;
	v57 =	vld [tilespmem:s26+$0xFFFFFF90];
	[tilespmem:$0x1FEE0] =	vst v7;
	v2 =	vmul.f32 v2, v17  }
0xf9: {  	v44 =	vld [tilespmem:s26+$0x90];
	[tilespmem:$0x1FE70] =	vst v0;
	v0 =	vmul.f32 v58, v23  }
0xfa: {  	v7 =	vmul.f32 v9, v16;
	[tilespmem:$0x1FF10] =	vst v2;
	v2 =	vmul.f32 v14, v18;
	v14 =	vld [tilespmem:s26+$0x40]  }
0xfb: {  	v9 =	vld [tilespmem:s26+$0xC0];
	v12 =	vmul.f32 v41, v20;
	[tilespmem:$0x1FE80] =	vst v0;
	v0 =	vmul.f32 v59, v23  }
0xfc: {  	v41 =	vld [tilespmem:s26+$0xFFFFFE90];
	[tilespmem:$0x1FEF0] =	vst v7;
	v7 =	vmul.f32 v8, v16;
	v8 =	vmul.f32 v31, v19  }
0xfd: {  	v31 =	vmul.f32 v54, v27;
	v54 =	vld [tilespmem:s26+$0xFFFFFC20];
	[tilespmem:$0x1FEA0] =	vst v0;
	v0 =	vmul.f32 v60, v23  }
0xfe: {  	v6 =	vmul.f32 v6, v16;
	[tilespmem:$0x1FF00] =	vst v7;
	v7 =	vmul.f32 v10, v16;
	v10 =	vld [tilespmem:s26+$0xD0]  }
0xff: {  	v1 =	vmul.f32 v14, v27;
	v14 =	vld [tilespmem:s26+$0xFFFFFC00];
	[tilespmem:$0x1FEB0] =	vst v0;
	v0 =	vmul.f32 v46, v24  }
0x100: {  	[tilespmem:$0x1FE40] =	vst v6;
	v6 =	vmul.f32 v9, v24;
	v9 =	vld [tilespmem:s26+$0xFFFFFD10]  }
0x101: {  	[tilespmem:$0x1FE50] =	vst v0;
	v0 =	vld [tilespmem:$0x1FD80]  }
0x102: {  	[tilespmem:$0x1FEC0] =	vst v7;
	v7 =	vmul.f32 v55, v27;
	v55 =	vld [tilespmem:s26+$0xFFFFFC30];
	v3 =	vmul.f32 v33, v19  }
0x103: {  	v33 =	vmul.f32 v52, v27;
	v52 =	vmul.f32 v57, v28;
	v57 =	vld [tilespmem:s26+$0xFFFFFCB0]  }
0x104: {  	v14 =	vmul.f32 v14, v42;
	v60 =	vmul.f32 v53, v27;
	v53 =	vld [tilespmem:s26+$0xFFFFFC10]  }
0x105: {  	v5 =	vmul.f32 v10, v24;
	v10 =	vld [tilespmem:s26+$0xFFFFFC80]  }
0x106: {  	v11 =	vmul.f32 v40, v20;
	v14 =	vadd.f32 v14, v0;
	v0 =	vld [tilespmem:$0x1FD90]  }
0x107: {  	v40 =	vld [tilespmem:s26+$0xFFFFFE80];
	v15 =	vmul.f32 v25, v19;
	v25 =	vmul.f32 v62, v23  }
0x108: {  	v62 =	vmul.f32 v45, v24;
	v45 =	vld [tilespmem:s26+$0xFFFFFD00];
	v21 =	vmul.f32 v30, v19  }
0x109: {  	v30 =	vmul.f32 v44, v24;
	v44 =	vld [tilespmem:s26+$0xFFFFFD90];
	v53 =	vmul.f32 v53, v42  }
0x10a: {  	v46 =	vld [tilespmem:s26+$0xFFFFFC90]  }
0x10b: {  	v53 =	vadd.f32 v53, v0;
	v0 =	vld [tilespmem:$0x1FDA0]  }
0x10c: {  	v26 =	vmul.f32 v61, v23;
	v61 =	vmul.f32 v43, v24;
	v43 =	vld [tilespmem:s26+$0xFFFFFD20]  }
0x10d: {  	v56 =	vmul.f32 v56, v39;
	v41 =	vmul.f32 v41, v32;
	v49 =	vld [tilespmem:s26+$0xFFFFFD80]  }
0x10e: {  	v54 =	vmul.f32 v54, v42;
	v4 =	vmul.f32 v36, v20;
	v58 =	vld [tilespmem:s26+$0xFFFFFE00]  }
0x10f: {  	v9 =	vmul.f32 v9, v38;
	v10 =	vmul.f32 v10, v39;
	v59 =	vld [tilespmem:s26+$0xFFFFFE10]  }
0x110: {  	v55 =	vmul.f32 v55, v42;
	v46 =	vmul.f32 v46, v39;
	v54 =	vadd.f32 v54, v0;
	v0 =	vld [tilespmem:$0x1FDB0]  }
0x111: {  	v57 =	vmul.f32 v57, v39;
	v45 =	vmul.f32 v45, v38;
	v35 =	vld [tilespmem:s26+$0xFFFFFF00];
	v10 =	vadd.f32 v10, v14  }
0x112: {  	v13 =	vmul.f32 v47, v20;
	v40 =	vmul.f32 v40, v32;
	v50 =	vld [tilespmem:s26+$0xFFFFFD30];
	v14 =	vadd.f32 v46, v53  }
0x113: {  	v49 =	vmul.f32 v49, v37;
	v47 =	vmul.f32 v58, v34;
	v58 =	vld [tilespmem:s26+$0xFFFFFDA0];
	v10 =	vadd.f32 v45, v10  }
0x114: {  	v44 =	vmul.f32 v44, v37;
	v48 =	vmul.f32 v59, v34;
	v59 =	vld [tilespmem:s26+$0xFFFFFDB0];
	v9 =	vadd.f32 v9, v14  }
0x115: {  	v43 =	vmul.f32 v43, v38;
	v10 =	vadd.f32 v49, v10;
	v46 =	vld [tilespmem:s26+$0xFFFFFE30];
	v55 =	vadd.f32 v55, v0  }
0x116: {  	v35 =	vmul.f32 v35, v29;
	v9 =	vadd.f32 v44, v9;
	v53 =	vadd.f32 v56, v54;
	v0 =	vld [tilespmem:s26+$0xFFFFFE20]  }
0x117: {  	v50 =	vmul.f32 v50, v38;
	v10 =	vadd.f32 v47, v10;
	v54 =	vadd.f32 v57, v55;
	v55 =	vld [tilespmem:s26+$0xFFFFFEA0]  }
0x118: {  	v45 =	vld [tilespmem:s26+$0xFFFFFEB0];
	v14 =	vmul.f32 v58, v37;
	v9 =	vadd.f32 v48, v9;
	v43 =	vadd.f32 v43, v53  }
0x119: {  	v36 =	vld [tilespmem:s26+$0xFFFFFF10];
	v57 =	vmovc v3;
	v3 =	vmov v2;
	v2 =	vadd.f32 v50, v54;
	v50 =	vmul.f32 v59, v37  }
0x11a: {  	v10 =	vadd.f32 v40, v10;
	v44 =	vld [tilespmem:s26+$0xFFFFFF30];
	v46 =	vmul.f32 v46, v34;
	v9 =	vadd.f32 v41, v9  }
0x11b: {  	v41 =	vld [tilespmem:s26+$0xFFFFFFD0];
	v14 =	vadd.f32 v14, v43;
	v0 =	vmul.f32 v0, v34;
	v43 =	vadd.f32 v50, v2  }
0x11c: {  	v10 =	vadd.f32 v35, v10;
	v48 =	vld [tilespmem:s26+$0xFFFFFFB0];
	v47 =	vmul.f32 v55, v32  }
0x11d: {  	v54 =	vld [tilespmem:s26+$0xFFFFFF20];
	v55 =	vmovc v63;
	v0 =	vadd.f32 v0, v14;
	v63 =	vmul.f32 v45, v32;
	v14 =	vadd.f32 v46, v43  }
0x11e: {  	v36 =	vmul.f32 v36, v29;
	v49 =	vld [tilespmem:s26+$0xFFFFFFA0];
	v58 =	vmov v7  }
0x11f: {  	v7 =	vmovc v8;
	v8 =	vadd.f32 v51, v10;
	v14 =	vadd.f32 v63, v14;
	v63 =	vmul.f32 v44, v29;
	v44 =	vld [tilespmem:s26+$0xFFFFFF40]  }
0x120: {  	v35 =	vld [tilespmem:s26+$0xFFFFFF50];
	v9 =	vadd.f32 v36, v9;
	v10 =	vmul.f32 v41, v28  }
0x121: {  	v41 =	vadd.f32 v22, v8;
	v8 =	vld [tilespmem:$0x1FE50];
	v14 =	vadd.f32 v63, v14;
	v63 =	vmul.f32 v48, v28  }
0x122: {  	v43 =	vld [tilespmem:s26+$0xFFFFFED0];
	v40 =	vmul.f32 v54, v29;
	v0 =	vadd.f32 v47, v0  }
0x123: {  	v56 =	vld [tilespmem:$0x1FDC0];
	v59 =	vmovc v1;
	v1 =	vmov v15;
	v15 =	vadd.f32 v52, v9;
	v63 =	vadd.f32 v63, v14  }
0x124: {  	v53 =	vld [tilespmem:$0x1FDD0];
	v36 =	vmul.f32 v49, v28;
	v0 =	vadd.f32 v40, v0;
	v14 =	vmul.f32 v44, v29  }
0x125: {  	v51 =	vld [tilespmem:$0x1FE10];
	v44 =	vadd.f32 v33, v15;
	v15 =	vmul.f32 v35, v29;
	v35 =	vadd.f32 v31, v63  }
0x126: {  	v49 =	vmov v5;
	v5 =	vld [tilespmem:$0x1FE00];
	v0 =	vadd.f32 v36, v0  }
0x127: {  	v36 =	vadd.f32 v61, v41;
	v61 =	vmul.f32 v43, v32;
	v43 =	vadd.f32 v8, v35;
	v8 =	vld [tilespmem:$0x1FE70]  }
0x128: {  	v52 =	vld [tilespmem:$0x1FE20]  }
0x129: {  	v2 =	vld [tilespmem:$0x1FDE0]  }
0x12a: {  	v45 =	vld [tilespmem:s26+$0xFFFFFFC0]  }
0x12b: {  	v46 =	vld [tilespmem:s26+$0xFFFFFEC0]  }
0x12c: {  	v35 =	vadd.f32 v8, v36;
	v8 =	vld [tilespmem:$0x1FE80]  }
0x12d: {  	v54 =	vld [tilespmem:$0x1FDF0]  }
0x12e: {  	v40 =	vld [tilespmem:s26+$0xFFFFFE50]  }
0x12f: {  	v47 =	vmov v26;
	v26 =	vld [tilespmem:s26+$0xFFFFFD50];
	v41 =	vadd.f32 v30, v44  }
0x130: {  	v9 =	vmul.f32 v45, v28;
	v45 =	vld [tilespmem:s26+$0xFFFFFE40]  }
0x131: {  	v36 =	vadd.f32 v8, v41;
	v8 =	vld [tilespmem:$0x1FEA0]  }
0x132: {  	v48 =	vmov v25;
	v25 =	vld [tilespmem:s26+$0xFFFFFCC0];
	v0 =	vadd.f32 v60, v0  }
0x133: {  	v33 =	vld [tilespmem:s26+$0xFFFFFDC0]  }
0x134: {  	v60 =	vmul.f32 v46, v32;
	v46 =	vld [tilespmem:$0x1FE30];
	v0 =	vadd.f32 v62, v0  }
0x135: {  	v31 =	vld [tilespmem:s26+$0xFFFFFDD0]  }
0x136: {  	p0 =	sne.s32 s31, $0xC0;
	v50 =	vmov v6;
	v6 =	vmov v21;
	v21 =	vadd.f32 v8, v0;
	v0 =	vld [tilespmem:$0x1FEB0]  }
.Ltmp0:
0x137: {  	v44 =	vld [tilespmem:$0x1FE40];
	(pc) =	sbr.rel @p0 .LBB2_3-.Ltmp0, $4  }
0x138: {  	v30 =	vld [tilespmem:s26+$0xFFFFFD40]  }
0x139: {  	v62 =	vmul.f32 v45, v34;
	v45 =	vld [tilespmem:$0x1FE60]  }
0x13a: {  	v41 =	vld [tilespmem:$0x1FE90]  }
0x13b: {  	s31 =	sadd.s32 $0x10, s31;
	v63 =	vmul.f32 v40, v34;
	v22 =	vadd.f32 v0, v43;
	v43 =	vld [tilespmem:$0x1FEC0]  }
0x13c: {  	v0 =	vadd.f32 v4, v35;
	_ =	sdelay $0x1  }
0x13d: {  	v0 =	vadd.f32 v1, v0;
	v1 =	vld [tilespmem:$0x1FF50];
	_ =	sdelay $0x1  }
0x13e: {  	v8 =	vadd.f32 v11, v36;
	v11 =	vadd.f32 v12, v21;
	_ =	sdelay $0x1  }
0x13f: {  	v4 =	vadd.f32 v5, v8;
	v5 =	vadd.f32 v6, v11  }
0x140: {  	v0 =	vadd.f32 v1, v0  }
0x141: {  	v1 =	vadd.f32 v2, v4;
	v2 =	vadd.f32 v3, v5;
	v3 =	vld [tilespmem:$0x1FF60]  }
0x142: {  	v21 =	vmul.f32 v26, v38;
	v26 =	vld [tilespmem:$0x1FF40];
	v12 =	vadd.f32 v13, v22  }
0x143: {  	v13 =	vld [tilespmem:$0x1FF20]  }
0x144: {  	v22 =	vmul.f32 v25, v39;
	v25 =	vld [tilespmem:$0x1FF30];
	v7 =	vadd.f32 v7, v12  }
0x145: {  	v6 =	vld [tilespmem:s26+$0xFFFFFCD0]  }
0x146: {  	v3 =	vadd.f32 v3, v7;
	v7 =	vld [tilespmem:$0x1FF10]  }
0x147: {  	v8 =	vld [tilespmem:s26+$0xFFFFFC40]  }
0x148: {  	v11 =	vmul.f32 v31, v37;
	v31 =	vld [tilespmem:$0x1FEE0]  }
0x149: {  	v12 =	vmul.f32 v30, v38;
	v30 =	vld [tilespmem:$0x1FED0]  }
0x14a: {  	v4 =	vld [tilespmem:s26+$0xFFFFFC50]  }
0x14b: {  	v0 =	vadd.f32 v7, v0;
	v7 =	vld [tilespmem:s26+$0xFFFFFC60]  }
0x14c: {  	v1 =	vadd.f32 v13, v1;
	v13 =	vld [tilespmem:s26+$0xFFFFFC70]  }
0x14d: {  	v2 =	vadd.f32 v25, v2;
	v25 =	vld [tilespmem:s26+$0xFFFFFCE0]  }
0x14e: {  	v3 =	vadd.f32 v26, v3;
	v26 =	vld [tilespmem:s26+$0xFFFFFCF0]  }
0x14f: {  	v5 =	vmul.f32 v33, v37;
	v8 =	vmul.f32 v8, v42;
	v0 =	vadd.f32 v30, v0;
	v30 =	vld [tilespmem:s26+$0xFFFFFD60]  }
0x150: {  	v1 =	vadd.f32 v31, v1;
	v31 =	vld [tilespmem:s26+$0xFFFFFD70];
	v4 =	vmul.f32 v4, v42;
	v7 =	vmul.f32 v7, v42  }
0x151: {  	v40 =	vld [tilespmem:s26+$0xFFFFFDE0];
	v6 =	vmul.f32 v6, v39;
	v8 =	vadd.f32 v8, v56;
	v13 =	vmul.f32 v13, v42  }
0x152: {  	v56 =	vld [tilespmem:s26+$0xFFFFFDF0];
	v4 =	vadd.f32 v4, v53;
	v25 =	vmul.f32 v25, v39;
	v7 =	vadd.f32 v7, v52  }
0x153: {  	v8 =	vadd.f32 v22, v8;
	v13 =	vadd.f32 v13, v51;
	v22 =	vmul.f32 v26, v39;
	v26 =	vld [tilespmem:s26+$0xFFFFFE60]  }
0x154: {  	v4 =	vadd.f32 v6, v4;
	v6 =	vmul.f32 v30, v38;
	v30 =	vld [tilespmem:s26+$0xFFFFFE70];
	v7 =	vadd.f32 v25, v7  }
0x155: {  	v8 =	vadd.f32 v12, v8;
	v12 =	vadd.f32 v22, v13;
	v13 =	vmul.f32 v31, v38;
	v22 =	vld [tilespmem:s26+$0xFFFFFEE0]  }
0x156: {  	v4 =	vadd.f32 v21, v4;
	v21 =	vmul.f32 v40, v37;
	v25 =	vld [tilespmem:s26+$0xFFFFFEF0];
	v6 =	vadd.f32 v6, v7  }
0x157: {  	v5 =	vadd.f32 v5, v8;
	v8 =	vmul.f32 v56, v37;
	v7 =	vadd.f32 v13, v12;
	v12 =	vld [tilespmem:s26+$0xFFFFFF60]  }
0x158: {  	v4 =	vadd.f32 v11, v4;
	v11 =	vmul.f32 v26, v34;
	v13 =	vld [tilespmem:s26+$0xFFFFFF70];
	v6 =	vadd.f32 v21, v6  }
0x159: {  	v5 =	vadd.f32 v62, v5;
	v7 =	vadd.f32 v8, v7;
	v8 =	vmul.f32 v30, v34;
	v21 =	vld [tilespmem:s26+$0xFFFFFFE0]  }
0x15a: {  	v4 =	vadd.f32 v63, v4;
	v26 =	vld [tilespmem:s26+$0xFFFFFFF0];
	v22 =	vmul.f32 v22, v32;
	v6 =	vadd.f32 v11, v6  }
0x15b: {  	v5 =	vadd.f32 v60, v5;
	v7 =	vadd.f32 v8, v7;
	v8 =	vmul.f32 v25, v32;
	v11 =	vld [tilespmem:s26+$0x60]  }
0x15c: {  	v4 =	vadd.f32 v61, v4;
	v25 =	vld [tilespmem:s26+$0x70];
	v12 =	vmul.f32 v12, v29;
	v6 =	vadd.f32 v22, v6  }
0x15d: {  	v5 =	vadd.f32 v14, v5;
	v7 =	vadd.f32 v8, v7;
	v8 =	vmul.f32 v13, v29;
	v13 =	vld [tilespmem:s26+$0xE0]  }
0x15e: {  	v4 =	vadd.f32 v15, v4;
	v15 =	vld [tilespmem:s26+$0xF0];
	v14 =	vmul.f32 v21, v28;
	v6 =	vadd.f32 v12, v6  }
0x15f: {  	v5 =	vadd.f32 v9, v5;
	v9 =	vld [tilespmem:s26+$0x160];
	v7 =	vadd.f32 v8, v7;
	v8 =	vmul.f32 v26, v28  }
0x160: {  	v4 =	vadd.f32 v10, v4;
	v10 =	vmul.f32 v11, v27;
	v11 =	vld [tilespmem:s26+$0x170];
	v6 =	vadd.f32 v14, v6  }
0x161: {  	v7 =	vadd.f32 v8, v7;
	v8 =	vmul.f32 v25, v27  }
0x162: {  	v14 =	vld [tilespmem:s26+$0x1F0];
	v13 =	vmul.f32 v13, v24;
	v6 =	vadd.f32 v10, v6  }
0x163: {  	v36 =	vld [tilespmem:$0x1FEF0];
	v7 =	vadd.f32 v8, v7;
	v8 =	vmul.f32 v15, v24  }
0x164: {  	v9 =	vmul.f32 v9, v23;
	v15 =	vld [tilespmem:s26+$0x270];
	v6 =	vadd.f32 v13, v6  }
0x165: {  	v5 =	vadd.f32 v59, v5;
	v12 =	vld [tilespmem:s26+$0x1E0];
	v7 =	vadd.f32 v8, v7;
	v8 =	vmul.f32 v11, v23  }
0x166: {  	v4 =	vadd.f32 v58, v4;
	v6 =	vadd.f32 v9, v6;
	v9 =	vld [tilespmem:$0x1FF80]  }
0x167: {  	v42 =	vld [tilespmem:$0x1FF00];
	v5 =	vadd.f32 v50, v5;
	v7 =	vadd.f32 v8, v7;
	v8 =	vmul.f32 v14, v20  }
0x168: {  	v4 =	vadd.f32 v49, v4;
	v10 =	vld [tilespmem:s26+$0x260]  }
0x169: {  	v5 =	vadd.f32 v47, v5;
	v7 =	vadd.f32 v8, v7;
	v8 =	vmul.f32 v15, v19;
	v15 =	vld [tilespmem:$0x1FF70]  }
0x16a: {  	v4 =	vadd.f32 v48, v4;
	v11 =	vld [tilespmem:s26+$0x2E0]  }
0x16b: {  	v12 =	vmul.f32 v12, v20;
	v13 =	vld [tilespmem:s26+$0x2F0];
	v5 =	vadd.f32 v9, v5  }
0x16c: {  	v2 =	vadd.f32 v36, v2;
	v4 =	vadd.f32 v41, v4;
	v9 =	vld [tilespmem:s26+$0x360]  }
0x16d: {  	v14 =	vld [tilespmem:s26+$0x370];
	v10 =	vmul.f32 v10, v19;
	v6 =	vadd.f32 v12, v6;
	v5 =	vadd.f32 v57, v5  }
0x16e: {  	v3 =	vadd.f32 v42, v3;
	v12 =	vld [tilespmem:s26+$0x3E0];
	v4 =	vadd.f32 v15, v4  }
0x16f: {  	v11 =	vmul.f32 v11, v18;
	v6 =	vadd.f32 v10, v6;
	v15 =	vld [tilespmem:s26+$0x3F0];
	v5 =	vadd.f32 v54, v5  }
0x170: {  	v7 =	vadd.f32 v8, v7;
	v8 =	vmul.f32 v13, v18;
	v4 =	vadd.f32 v55, v4  }
0x171: {  	v6 =	vadd.f32 v11, v6;
	[tilespmem:$0x1D000] =	vst v0;
	v9 =	vmul.f32 v9, v17;
	v5 =	vadd.f32 v45, v5  }
0x172: {  	v0 =	vadd.f32 v8, v7;
	v7 =	vmul.f32 v14, v17;
	[tilespmem:$0x1D010] =	vst v1;
	v4 =	vadd.f32 v46, v4  }
0x173: {  	v1 =	vmul.f32 v12, v16;
	[tilespmem:$0x1D020] =	vst v2;
	v6 =	vadd.f32 v9, v6;
	v5 =	vadd.f32 v43, v5  }
0x174: {  	[tilespmem:$0x1D030] =	vst v3;
	v0 =	vadd.f32 v7, v0;
	v2 =	vmul.f32 v15, v16;
	v4 =	vadd.f32 v44, v4  }
0x175: {  	s0 =	sadd.s32 s5, s30;
	s1 =	sshll.u32 s23, $0x5;
	v1 =	vadd.f32 v1, v6;
	[tilespmem:$0x1D040] =	vst v5  }
0x176: {  	s0 =	sshll.u32 s0, $0x4;
	s1 =	sand.u32 $0x60, s1;
	v0 =	vadd.f32 v2, v0;
	[tilespmem:$0x1D050] =	vst v4  }
0x177: {  	s1 =	sadd.s32 s3, s1;
	s26 =	sand.u32 $0xFF80, s0;
	[tilespmem:$0x1D060] =	vst v1  }
0x178: {  	p0 =	seq.s32 s23, $0x3F;
	s0 =	sadd.s32 s26, s1;
	[tilespmem:$0x1D070] =	vst v0  }
0x179: {  	[hbm4b:s0+s4] =	stream.linear.scatter [tilespmem:s18], [sflag:$0x3], $0x80, $0x38;
	[tilespmem:$0x1D100] =	vst v63  }
0x17a: {  	s0 =	sshll.u32 @!p0 s23, $0x9  }
0x17b: {  	s0 =	sand.u32 @!p0 $0x3FFFFE00, s0  }
0x17c: {  	s28 =	simm.s32 @!p0 $0x68;
	s29 =	simm.s32 @!p0 $0x10000;
	s1 =	sadd.s32 @!p0 $0x200, s0  }
0x17d: {  	[tilespmem:s29], [sflag:$0x1] =	stream.indirect.gather @!p0 [hbm4b:s2+s28], $0x80, s1, s28, $0xb8;
	[tilespmem:$0x1D100] =	vst v63  }
0x17e: {  	s0 =	sadd.s32 @!p0 $0x280, s0;
	s1 =	simm.s32 @!p0 $0x13400  }
0x17f: {  	[tilespmem:s1], [sflag:$0x1] =	stream.indirect.gather @!p0 [hbm4b:s2+s28], $0x80, s0, s28, $0xb8;
	[tilespmem:$0x1D100] =	vst v63  }
0x180: {  	_ =	swait.ge [sflag:s19], $0x3400  }
0x181: {  	[sflag:s19] =	ssyncset.done $0x0  }
0x182: {  	[sflag:s19] =	ssyncadd.s32 $0xFFFFCC00  }
0x183: {  	_ =	swait.ge [sflag:s19], $0x3400  }
0x184: {  	[sflag:s19] =	ssyncset.done $0x0  }
0x185: {  	s28 =	simm.s32 $0x16C00;
	[sflag:s19] =	ssyncadd.s32 $0xFFFFCC00  }
0x186: {  	v4 =	vld [tilespmem:s28+$0x380]  }
0x187: {  	v5 =	vld [tilespmem:s28+$0x390]  }
0x188: {  	v7 =	vld [tilespmem:s28+$0x3A0]  }
0x189: {  	v33 =	vld [tilespmem:s28+$0x3B0]  }
0x18a: {  	v0 =	vld [tilespmem:s28+$0x130]  }
0x18b: {  	v36 =	vld [tilespmem:s28+$0x3C0]  }
0x18c: {  	v51 =	vld [tilespmem:s28+$0x3D0]  }
0x18d: {  	v53 =	vld [tilespmem:s28+$0x300]  }
0x18e: {  	v54 =	vld [tilespmem:s28+$0x310]  }
0x18f: {  	[tilespmem:$0x1FD20] =	vst v0;
	v0 =	vld [tilespmem:s28+$0x140]  }
0x190: {  	v55 =	vld [tilespmem:s28+$0x320]  }
0x191: {  	v56 =	vld [tilespmem:s28+$0x330]  }
0x192: {  	v58 =	vld [tilespmem:s28+$0x340]  }
0x193: {  	v59 =	vld [tilespmem:s28+$0x350]  }
0x194: {  	[tilespmem:$0x1FD30] =	vst v0;
	v0 =	vld [tilespmem:s28+$0x150]  }
0x195: {  	v60 =	vld [tilespmem:s28+$0x280]  }
0x196: {  	v61 =	vld [tilespmem:s28+$0x290]  }
0x197: {  	v62 =	vld [tilespmem:s28+$0x2A0]  }
0x198: {  	v8 =	vld [tilespmem:s28+$0x2B0]  }
0x199: {  	[tilespmem:$0x1FD40] =	vst v0;
	v0 =	vld [tilespmem:s28+$0xB0]  }
0x19a: {  	s31 =	sshll.u32 s24, $0x7;
	v35 =	vld [tilespmem:s28+$0x2C0]  }
0x19b: {  	s29 =	simm.s32 $0x0;
	s0 =	sand.u32 $0x380, s31;
	v31 =	vld [tilespmem:s28+$0x2D0]  }
0x19c: {  	s1 =	sand.u32 $0x400, s29;
	s25 =	sadd.s32 s0, s25;
	v9 =	vld [tilespmem:s28+$0x200]  }
0x19d: {  	s31 =	sand.u32 $0x70, s29;
	s0 =	sadd.s32 s1, s25;
	v10 =	vld [tilespmem:s28+$0x210]  }
0x19e: {  	s0 =	sadd.s32 s31, s0;
	[tilespmem:$0x1FD50] =	vst v0;
	v0 =	vld [tilespmem:s28+$0xC0]  }
0x19f: {  	v37 =	vld [tilespmem:s0+$0x0]  }
0x1a0: {  	v11 =	vld [tilespmem:s28+$0x220]  }
0x1a1: {  	v12 =	vld [tilespmem:s28+$0x230]  }
0x1a2: {  	v30 =	vld [tilespmem:s28+$0x240]  }
0x1a3: {  	v26 =	vld [tilespmem:s28+$0x250];
	[tilespmem:$0x1FD60] =	vst v0;
	v0 =	vimm.s32 $0xE  }
0x1a4: {  	v13 =	vld [tilespmem:s28+$0x180];
	v17 =	vperm.xlane v37, v0;
	v0 =	vimm.s32 $0xF  }
0x1a5: {  	v14 =	vld [tilespmem:s28+$0x190];
	v16 =	vperm.xlane v37, v0;
	v0 =	vimm.s32 $0xC  }
0x1a6: {  	v15 =	vld [tilespmem:s28+$0x1A0];
	v19 =	vperm.xlane v37, v0;
	v0 =	vimm.s32 $0xD  }
0x1a7: {  	v21 =	vld [tilespmem:s28+$0x1B0];
	v18 =	vperm.xlane v37, v0;
	v0 =	vimm.s32 $0xA  }
0x1a8: {  	v40 =	vld [tilespmem:s28+$0x1C0];
	v23 =	vperm.xlane v37, v0;
	v0 =	vimm.s32 $0xB  }
0x1a9: {  	v41 =	vld [tilespmem:s28+$0x1D0];
	v20 =	vperm.xlane v37, v0;
	v0 =	vimm.s32 $0x8  }
0x1aa: {  	v63 =	vld [tilespmem:s28+$0xFFFFFC00];
	v27 =	vperm.xlane v37, v0;
	v0 =	vimm.s32 $0x9  }
0x1ab: {  	v43 =	vld [tilespmem:s28+$0xFFFFFC10];
	v24 =	vperm.xlane v37, v0;
	v0 =	vimm.s32 $0x6  }
0x1ac: {  	v32 =	vld [tilespmem:s28+$0xFFFFFC80];
	v29 =	vperm.xlane v37, v0;
	v0 =	vimm.s32 $0x0  }
0x1ad: {  	v6 =	vimm.f32 $0.0e+00;
	v50 =	vld [tilespmem:s28+$0x100];
	v42 =	vperm.xlane v37, v0;
	v0 =	vimm.s32 $0x7  }
0x1ae: {  	v44 =	vld [tilespmem:s28+$0xFFFFFC90];
	v4 =	vmul.f32 v4, v16;
	v28 =	vperm.xlane v37, v0;
	v0 =	vimm.s32 $0x1  }
0x1af: {  	v47 =	vld [tilespmem:s28+$0x110];
	v39 =	vperm.xlane v37, v0;
	v0 =	vimm.s32 $0x4;
	v38 =	vmul.f32 v63, v42  }
0x1b0: {  	v45 =	vld [tilespmem:s28+$0xFFFFFC20];
	v43 =	vmul.f32 v43, v42;
	v34 =	vperm.xlane v37, v0;
	v0 =	vimm.s32 $0x5  }
0x1b1: {  	v57 =	vld [tilespmem:s28+$0xFFFFFCA0];
	v63 =	vmul.f32 v32, v39;
	v32 =	vperm.xlane v37, v0;
	v0 =	vimm.s32 $0x2  }
0x1b2: {  	v48 =	vld [tilespmem:s28+$0xFFFFFC30];
	v1 =	vadd.f32 v38, v6;
	v38 =	vperm.xlane v37, v0;
	v0 =	vimm.s32 $0x3  }
0x1b3: {  	v3 =	vld [tilespmem:s28+$0xFFFFFD00];
	v44 =	vmul.f32 v44, v39;
	v37 =	vperm.xlane v37, v0;
	v0 =	vadd.f32 v43, v6  }
0x1b4: {  	v2 =	vld [tilespmem:s28+$0xFFFFFCB0];
	v7 =	vmul.f32 v7, v16  }
0x1b5: {  	v25 =	vld [tilespmem:s28+$0x120];
	[tilespmem:$0x1FC70] =	vst v4;
	v4 =	vmul.f32 v45, v42;
	v45 =	vadd.f32 v44, v0;
	v0 =	vmul.f32 v5, v16  }
0x1b6: {  	[tilespmem:$0x1FC90] =	vst v7;
	v7 =	vmul.f32 v57, v39;
	v57 =	vld [tilespmem:s28+$0xFFFFFD30]  }
0x1b7: {  	v5 =	vmul.f32 v48, v42;
	[tilespmem:$0x1FC80] =	vst v0;
	v0 =	vld [tilespmem:s28+$0xFFFFFD20]  }
0x1b8: {  	v49 =	vld [tilespmem:s28+$0x80];
	v4 =	vadd.f32 v4, v6;
	v1 =	vadd.f32 v63, v1;
	v3 =	vmul.f32 v3, v38  }
0x1b9: {  	v2 =	vmul.f32 v2, v39;
	v63 =	vld [tilespmem:s28+$0xFFFFFD10];
	v5 =	vadd.f32 v5, v6;
	v6 =	vmul.f32 v54, v17  }
0x1ba: {  	v4 =	vadd.f32 v7, v4;
	v7 =	vld [tilespmem:s28+$0xFFFFFD90];
	v1 =	vadd.f32 v3, v1;
	v3 =	vmul.f32 v53, v17  }
0x1bb: {  	v48 =	vld [tilespmem:s28+$0xFFFFFD80];
	v2 =	vadd.f32 v2, v5;
	[tilespmem:$0x1FCD0] =	vst v6;
	v6 =	vmul.f32 v57, v38  }
0x1bc: {  	v44 =	vimm.f32 $0.0e+00;
	[tilespmem:$0x1FCC0] =	vst v3;
	v3 =	vld [tilespmem:s28+$0xFFFFFDB0];
	v0 =	vmul.f32 v0, v38  }
0x1bd: {  	[tilespmem:$0x1FCB0] =	vst v44;
	v44 =	vmul.f32 v36, v16;
	v36 =	vld [tilespmem:s28+$0xFFFFFDA0];
	v2 =	vadd.f32 v6, v2;
	v6 =	vmul.f32 v56, v17  }
0x1be: {  	v5 =	vmul.f32 v63, v38;
	v63 =	vld [tilespmem:s28+$0xFFFFFE10];
	v0 =	vadd.f32 v0, v4;
	v4 =	vmul.f32 v55, v17  }
0x1bf: {  	v33 =	vmul.f32 v33, v16;
	v53 =	vld [tilespmem:s28+$0xFFFFFE00];
	v54 =	vmul.f32 v31, v18;
	[tilespmem:$0x1FCF0] =	vst v6  }
0x1c0: {  	v6 =	vmul.f32 v7, v37;
	v7 =	vld [tilespmem:s28+$0xFFFFFE20];
	[tilespmem:$0x1FCE0] =	vst v4;
	v4 =	vmul.f32 v48, v37  }
0x1c1: {  	v5 =	vadd.f32 v5, v45;
	v3 =	vmul.f32 v3, v37;
	v48 =	vmul.f32 v58, v17;
	v58 =	vld [tilespmem:s28+$0xFFFFFE90]  }
0x1c2: {  	v45 =	vmul.f32 v59, v17;
	v4 =	vadd.f32 v4, v1;
	v1 =	vmul.f32 v36, v37;
	v36 =	vld [tilespmem:s28+$0xFFFFFE30]  }
0x1c3: {  	v5 =	vadd.f32 v6, v5;
	v6 =	vld [tilespmem:s28+$0xFFFFFE80];
	v59 =	vadd.f32 v3, v2;
	v3 =	vmul.f32 v63, v34  }
0x1c4: {  	v57 =	vmul.f32 v8, v18;
	v53 =	vmul.f32 v53, v34;
	v63 =	vld [tilespmem:s28+$0xFFFFFEB0]  }
0x1c5: {  	[tilespmem:$0x1FCA0] =	vst v33;
	v33 =	vld [tilespmem:s28+$0xFFFFFEA0];
	v55 =	vmul.f32 v30, v19;
	v2 =	vmul.f32 v61, v18;
	v5 =	vadd.f32 v3, v5  }
0x1c6: {  	v56 =	vadd.f32 v1, v0;
	v1 =	vmul.f32 v60, v18;
	v60 =	vld [tilespmem:s28+$0xFFFFFF10];
	v31 =	vmul.f32 v58, v32  }
0x1c7: {  	v7 =	vmul.f32 v7, v34;
	v4 =	vadd.f32 v53, v4;
	v8 =	vmul.f32 v36, v34;
	v36 =	vld [tilespmem:s28+$0xFFFFFF00]  }
0x1c8: {  	v46 =	vld [tilespmem:s28+$0x90];
	v0 =	vmul.f32 v62, v18;
	v6 =	vmul.f32 v6, v32;
	v31 =	vadd.f32 v31, v5  }
0x1c9: {  	v62 =	vld [tilespmem:s28+$0xFFFFFF80];
	v5 =	vmul.f32 v10, v19;
	v10 =	vmul.f32 v63, v32;
	v8 =	vadd.f32 v8, v59  }
0x1ca: {  	v22 =	vld [tilespmem:s28+$0xA0];
	v7 =	vadd.f32 v7, v56;
	v61 =	vadd.f32 v6, v4;
	v6 =	vmul.f32 v33, v32  }
0x1cb: {  	[tilespmem:$0x1FD00] =	vst v0;
	v0 =	vmul.f32 v26, v19;
	v26 =	vld [tilespmem:s28+$0x0];
	v10 =	vadd.f32 v10, v8;
	v8 =	vmul.f32 v60, v29  }
0x1cc: {  	v30 =	vld [tilespmem:s28+$0xFFFFFFB0];
	v63 =	vadd.f32 v6, v7;
	v6 =	vmul.f32 v11, v19;
	v11 =	vmul.f32 v36, v29  }
0x1cd: {  	v7 =	vmul.f32 v12, v19;
	[tilespmem:$0x1FD10] =	vst v0;
	v0 =	vld [tilespmem:$0x1FD20];
	v31 =	vadd.f32 v8, v31  }
0x1ce: {  	v52 =	vld [tilespmem:s28+$0xD0];
	v8 =	vmul.f32 v13, v20;
	v13 =	vmul.f32 v62, v28;
	v12 =	vadd.f32 v11, v61  }
0x1cf: {  	v56 =	vld [tilespmem:s28+$0xFFFFFF20]  }
0x1d0: {  	v4 =	vmul.f32 v9, v19;
	v9 =	vld [tilespmem:s28+$0xFFFFFF30];
	v26 =	vmul.f32 v26, v27;
	v62 =	vadd.f32 v13, v12  }
0x1d1: {  	v3 =	vmul.f32 v21, v20;
	v21 =	vmul.f32 v30, v28;
	v30 =	vld [tilespmem:s28+$0xFFFFFED0]  }
0x1d2: {  	v26 =	vadd.f32 v26, v62;
	v62 =	vmul.f32 v0, v23;
	v0 =	vld [tilespmem:$0x1FD30]  }
0x1d3: {  	v59 =	vld [tilespmem:s28+$0xFFFFFF90]  }
0x1d4: {  	v60 =	vld [tilespmem:s28+$0xFFFFFFA0];
	v11 =	vmul.f32 v56, v29  }
0x1d5: {  	v9 =	vmul.f32 v9, v29;
	v61 =	vld [tilespmem:s28+$0x10]  }
0x1d6: {  	v36 =	vmul.f32 v50, v23;
	v53 =	vadd.f32 v11, v63;
	v11 =	vmul.f32 v14, v20;
	v14 =	vld [tilespmem:s28+$0x20]  }
0x1d7: {  	v50 =	vmul.f32 v46, v24;
	v46 =	vmul.f32 v0, v23;
	v0 =	vld [tilespmem:$0x1FD40]  }
0x1d8: {  	v58 =	vld [tilespmem:s28+$0x40];
	v9 =	vadd.f32 v9, v10;
	v10 =	vmul.f32 v59, v28  }
0x1d9: {  	v33 =	vld [tilespmem:s28+$0xFFFFFFC0];
	v12 =	vmul.f32 v15, v20;
	v15 =	vmul.f32 v60, v28  }
0x1da: {  	v9 =	vadd.f32 v21, v9;
	v63 =	vld [tilespmem:s28+$0x30];
	v10 =	vadd.f32 v10, v31;
	v21 =	vmul.f32 v61, v27  }
0x1db: {  	v56 =	vld [tilespmem:s28+$0xFFFFFF40];
	v15 =	vadd.f32 v15, v53;
	v14 =	vmul.f32 v14, v27  }
0x1dc: {  	v10 =	vadd.f32 v21, v10;
	v21 =	vmul.f32 v47, v23;
	v47 =	vmul.f32 v0, v23;
	v0 =	vld [tilespmem:$0x1FD50]  }
0x1dd: {  	v41 =	vmul.f32 v41, v20;
	v59 =	vmul.f32 v40, v20;
	v40 =	vld [tilespmem:s28+$0xFFFFFE50]  }
0x1de: {  	v43 =	vmul.f32 v51, v16;
	v60 =	vld [tilespmem:s28+$0xFFFFFF50];
	v14 =	vadd.f32 v14, v15;
	v15 =	vmul.f32 v49, v24  }
0x1df: {  	v51 =	vmul.f32 v35, v18;
	v61 =	vld [tilespmem:s28+$0xFFFFFEC0];
	v35 =	vmul.f32 v63, v27  }
0x1e0: {  	v22 =	vmul.f32 v22, v24;
	v13 =	vmul.f32 v25, v23;
	v15 =	vadd.f32 v15, v26;
	v26 =	vld [tilespmem:s28+$0xFFFFFE40]  }
0x1e1: {  	v9 =	vadd.f32 v35, v9;
	v63 =	vadd.f32 v50, v10;
	v10 =	vmul.f32 v0, v24;
	v0 =	vld [tilespmem:$0x1FD60]  }
0x1e2: {  	v31 =	vld [tilespmem:s28+$0x50];
	v49 =	vmul.f32 v52, v24;
	v22 =	vadd.f32 v22, v14;
	v35 =	vadd.f32 v36, v15  }
0x1e3: {  	v53 =	vld [tilespmem:s28+$0xFFFFFFD0];
	v36 =	vadd.f32 v21, v63;
	v15 =	vmul.f32 v60, v29;
	v25 =	vadd.f32 v10, v9  }
0x1e4: {  	v21 =	vadd.f32 v13, v22;
	v60 =	vmul.f32 v61, v32;
	v61 =	vmul.f32 v30, v32;
	v30 =	vld [tilespmem:s28+$0xFFFFFD40]  }
0x1e5: {  	v9 =	vmul.f32 v33, v28;
	v33 =	vld [tilespmem:s28+$0xFFFFFDC0];
	v22 =	vadd.f32 v62, v25;
	v62 =	vmul.f32 v26, v34  }
0x1e6: {  	v52 =	vimm.f32 $0.0e+00;
	v26 =	vld [tilespmem:s28+$0xFFFFFD50];
	v50 =	vmul.f32 v0, v24;
	v0 =	vmul.f32 v58, v27  }
0x1e7: {  	v14 =	vmul.f32 v56, v29;
	v56 =	vimm.f32 $0.0e+00;
	v63 =	vmul.f32 v40, v34;
	v25 =	vld [tilespmem:s28+$0xFFFFFCC0]  }
0x1e8: {  	s30 =	simm.s32 $0x10;
	v10 =	vmul.f32 v53, v28;
	v53 =	vimm.f32 $0.0e+00;
	v58 =	vmul.f32 v31, v27;
	v31 =	vld [tilespmem:s28+$0xFFFFFDD0];
	[tilespmem:$0x1FD70] =	vst v0  }
.LBB2_5:
0x1e9: {  	_ = 	snop  }
0x1ea: {  	v13 =	vadd.f32 v3, v22  }
0x1eb: {  	v8 =	vadd.f32 v8, v35  }
0x1ec: {  	v7 =	vadd.f32 v7, v13;
	v13 =	vmul.f32 v25, v39;
	v25 =	vld [tilespmem:$0x1FCC0]  }
0x1ed: {  	v4 =	vadd.f32 v4, v8  }
0x1ee: {  	v22 =	vmul.f32 v30, v38;
	v30 =	vld [tilespmem:$0x1FC70]  }
0x1ef: {  	v0 =	vadd.f32 v1, v4;
	_ =	sdelay $0x1  }
0x1f0: {  	v0 =	vadd.f32 v25, v0  }
0x1f1: {  	v11 =	vadd.f32 v11, v36  }
0x1f2: {  	v25 =	vld [tilespmem:$0x1FCD0];
	v0 =	vadd.f32 v30, v0  }
0x1f3: {  	v5 =	vadd.f32 v5, v11  }
0x1f4: {  	v12 =	vadd.f32 v12, v21;
	[tilespmem:$0x1FB20] =	vst v0;
	v0 =	vld [tilespmem:$0x1FC80]  }
0x1f5: {  	v1 =	vadd.f32 v2, v5  }
0x1f6: {  	v6 =	vadd.f32 v6, v12;
	v12 =	vld [tilespmem:s28+$0xFFFFFC70]  }
0x1f7: {  	v2 =	vld [tilespmem:$0x1FD00];
	v1 =	vadd.f32 v25, v1;
	_ =	sdelay $0x1  }
0x1f8: {  	v11 =	vmul.f32 v26, v38;
	v26 =	vld [tilespmem:$0x1FCE0];
	v0 =	vadd.f32 v0, v1;
	_ =	sdelay $0x1  }
0x1f9: {  	[tilespmem:$0x1FB30] =	vst v0;
	v0 =	vmul.f32 v12, v42;
	v12 =	vld [tilespmem:$0x1FC90]  }
0x1fa: {  	v2 =	vadd.f32 v2, v6;
	_ =	sdelay $0x1  }
0x1fb: {  	v2 =	vadd.f32 v26, v2;
	_ =	sdelay $0x1  }
0x1fc: {  	v26 =	vld [tilespmem:$0x1FCF0];
	v2 =	vadd.f32 v12, v2;
	_ =	sdelay $0x1  }
0x1fd: {  	[tilespmem:$0x1FB40] =	vst v2;
	v2 =	vld [tilespmem:$0x1FCA0]  }
0x1fe: {  	v3 =	vadd.f32 v57, v7  }
0x1ff: {  	v21 =	vld [tilespmem:s28+$0xFFFFFC50]  }
0x200: {  	v40 =	vld [tilespmem:s28+$0xFFFFFCD0];
	v3 =	vadd.f32 v26, v3  }
0x201: {  	v36 =	vld [tilespmem:s28+$0xFFFFFC40]  }
0x202: {  	v8 =	vld [tilespmem:s28+$0xFFFFFC60];
	v2 =	vadd.f32 v2, v3  }
0x203: {  	v5 =	vld [tilespmem:s28+$0xFFFFFCE0]  }
0x204: {  	v21 =	vmul.f32 v21, v42;
	[tilespmem:$0x1FB50] =	vst v2;
	v2 =	vld [tilespmem:$0x1FCB0]  }
0x205: {  	v7 =	vld [tilespmem:s28+$0xFFFFFCF0]  }
0x206: {  	v4 =	vmul.f32 v40, v39;
	v25 =	vld [tilespmem:s28+$0xFFFFFD60];
	v3 =	vadd.f32 v21, v56  }
0x207: {  	v8 =	vmul.f32 v8, v42;
	v6 =	vmul.f32 v36, v42;
	v26 =	vld [tilespmem:s28+$0xFFFFFD70]  }
0x208: {  	v33 =	vmul.f32 v33, v37;
	v31 =	vmul.f32 v31, v37;
	v1 =	vld [tilespmem:s28+$0xFFFFFDE0];
	v3 =	vadd.f32 v4, v3  }
0x209: {  	v5 =	vmul.f32 v5, v39;
	v8 =	vadd.f32 v8, v53;
	v2 =	vadd.f32 v6, v2;
	v6 =	vld [tilespmem:s28+$0xFFFFFDF0]  }
0x20a: {  	v7 =	vmul.f32 v7, v39;
	v0 =	vadd.f32 v0, v52;
	v12 =	vld [tilespmem:s28+$0xFFFFFE60];
	v3 =	vadd.f32 v11, v3  }
0x20b: {  	v5 =	vadd.f32 v5, v8;
	v4 =	vmul.f32 v25, v38;
	v2 =	vadd.f32 v13, v2;
	v13 =	vld [tilespmem:s28+$0xFFFFFE70]  }
0x20c: {  	v0 =	vadd.f32 v7, v0;
	v7 =	vmul.f32 v26, v38;
	v3 =	vadd.f32 v31, v3  }
0x20d: {  	v1 =	vmul.f32 v1, v37;
	v11 =	vld [tilespmem:s28+$0xFFFFFEF0];
	v4 =	vadd.f32 v4, v5;
	v2 =	vadd.f32 v22, v2  }
0x20e: {  	v8 =	vld [tilespmem:s28+$0xFFFFFEE0];
	v0 =	vadd.f32 v7, v0;
	v3 =	vadd.f32 v63, v3;
	v5 =	vmul.f32 v6, v37  }
0x20f: {  	v7 =	vmul.f32 v12, v34;
	v12 =	vld [tilespmem:s28+$0xFFFFFF70];
	v1 =	vadd.f32 v1, v4;
	v2 =	vadd.f32 v33, v2  }
0x210: {  	v3 =	vadd.f32 v61, v3;
	v6 =	vld [tilespmem:s28+$0xFFFFFF60];
	v0 =	vadd.f32 v5, v0;
	v4 =	vmul.f32 v13, v34  }
0x211: {  	v13 =	vld [tilespmem:s28+$0xFFFFFFF0];
	v2 =	vadd.f32 v62, v2  }
0x212: {  	v3 =	vadd.f32 v15, v3;
	v5 =	vld [tilespmem:s28+$0xFFFFFFE0];
	v0 =	vadd.f32 v4, v0;
	v4 =	vmul.f32 v11, v32  }
0x213: {  	v11 =	vld [tilespmem:s28+$0x70];
	v2 =	vadd.f32 v60, v2  }
0x214: {  	v3 =	vadd.f32 v10, v3;
	v10 =	vld [tilespmem:$0x1FD70];
	v0 =	vadd.f32 v4, v0;
	v4 =	vmul.f32 v12, v29  }
0x215: {  	v8 =	vmul.f32 v8, v32;
	v1 =	vadd.f32 v7, v1;
	v12 =	vld [tilespmem:s28+$0xF0];
	v2 =	vadd.f32 v14, v2  }
0x216: {  	v7 =	vld [tilespmem:s28+$0x60];
	v0 =	vadd.f32 v4, v0;
	v4 =	vmul.f32 v13, v28  }
0x217: {  	v1 =	vadd.f32 v8, v1;
	v6 =	vmul.f32 v6, v29;
	v2 =	vadd.f32 v9, v2;
	v9 =	vld [tilespmem:s28+$0x170]  }
0x218: {  	s29 =	sadd.s32 $0x80, s29;
	v8 =	vld [tilespmem:s28+$0xE0];
	v0 =	vadd.f32 v4, v0;
	v4 =	vmul.f32 v11, v27  }
0x219: {  	s0 =	sand.u32 $0x400, s29;
	v5 =	vmul.f32 v5, v28;
	v1 =	vadd.f32 v6, v1;
	v2 =	vadd.f32 v10, v2;
	v10 =	vld [tilespmem:s28+$0x1F0]  }
0x21a: {  	s1 =	sand.u32 $0x70, s30;
	s0 =	sadd.s32 s0, s25;
	v6 =	vld [tilespmem:s28+$0x160];
	v0 =	vadd.f32 v4, v0;
	v4 =	vmul.f32 v12, v24  }
0x21b: {  	s0 =	sadd.s32 s1, s0;
	v7 =	vmul.f32 v7, v27;
	v1 =	vadd.f32 v5, v1;
	v11 =	vld [tilespmem:s28+$0x270]  }
0x21c: {  	v39 =	vld [tilespmem:s0+$0x0];
	v0 =	vadd.f32 v4, v0;
	v4 =	vmul.f32 v9, v23  }
0x21d: {  	v8 =	vmul.f32 v8, v24;
	v3 =	vadd.f32 v58, v3;
	v5 =	vld [tilespmem:s28+$0x1E0];
	v1 =	vadd.f32 v7, v1  }
0x21e: {  	v7 =	vld [tilespmem:s28+$0x260];
	v0 =	vadd.f32 v4, v0;
	v4 =	vmul.f32 v10, v20  }
0x21f: {  	v3 =	vadd.f32 v49, v3;
	v1 =	vadd.f32 v8, v1;
	v8 =	vld [tilespmem:s28+$0x2E0]  }
0x220: {  	v6 =	vmul.f32 v6, v23;
	v0 =	vadd.f32 v4, v0;
	v4 =	vmul.f32 v11, v19;
	v11 =	vld [tilespmem:$0x1FD10]  }
0x221: {  	v3 =	vadd.f32 v47, v3;
	v9 =	vld [tilespmem:s28+$0x2F0]  }
0x222: {  	v5 =	vmul.f32 v5, v20;
	v1 =	vadd.f32 v6, v1;
	v6 =	vld [tilespmem:s28+$0x360]  }
0x223: {  	v3 =	vadd.f32 v41, v3;
	v10 =	vld [tilespmem:s28+$0x370]  }
0x224: {  	v1 =	vadd.f32 v5, v1;
	v5 =	vld [tilespmem:s28+$0x3E0]  }
0x225: {  	v7 =	vmul.f32 v7, v19;
	v3 =	vadd.f32 v11, v3;
	v11 =	vld [tilespmem:s28+$0x3F0];
	s28 =	sadd.s32 $0x800, s28  }
0x226: {  	v12 =	vld [tilespmem:s28+$0x380]  }
0x227: {  	v8 =	vmul.f32 v8, v18;
	v1 =	vadd.f32 v7, v1;
	v7 =	vld [tilespmem:s28+$0x390]  }
0x228: {  	v0 =	vadd.f32 v4, v0;
	v4 =	vmul.f32 v9, v18;
	v9 =	vld [tilespmem:s28+$0x3A0]  }
0x229: {  	v2 =	vadd.f32 v50, v2;
	v6 =	vmul.f32 v6, v17;
	v1 =	vadd.f32 v8, v1;
	v8 =	vld [tilespmem:s28+$0x3B0]  }
0x22a: {  	v0 =	vadd.f32 v4, v0;
	v4 =	vmul.f32 v10, v17;
	v10 =	vld [tilespmem:s28+$0x3C0]  }
0x22b: {  	v2 =	vadd.f32 v46, v2;
	v1 =	vadd.f32 v6, v1;
	v6 =	vld [tilespmem:s28+$0x3D0]  }
0x22c: {  	v13 =	vld [tilespmem:s28+$0x290]  }
0x22d: {  	v2 =	vadd.f32 v59, v2;
	v14 =	vld [tilespmem:s28+$0x2A0]  }
0x22e: {  	v15 =	vld [tilespmem:s28+$0x2B0]  }
0x22f: {  	v2 =	vadd.f32 v55, v2;
	v21 =	vld [tilespmem:s28+$0x2C0]  }
0x230: {  	v0 =	vadd.f32 v4, v0;
	v22 =	vld [tilespmem:s28+$0x2D0];
	v4 =	vmul.f32 v11, v16  }
0x231: {  	v2 =	vadd.f32 v51, v2;
	v25 =	vld [tilespmem:s28+$0x200]  }
0x232: {  	v5 =	vmul.f32 v5, v16;
	v26 =	vld [tilespmem:s28+$0x210];
	v0 =	vadd.f32 v4, v0  }
0x233: {  	v2 =	vadd.f32 v48, v2;
	v30 =	vld [tilespmem:s28+$0x220]  }
0x234: {  	v3 =	vadd.f32 v54, v3;
	v1 =	vadd.f32 v5, v1;
	[tilespmem:$0x1FBB0] =	vst v0;
	v0 =	vld [tilespmem:s28+$0x310]  }
0x235: {  	v31 =	vld [tilespmem:s28+$0x230]  }
0x236: {  	v2 =	vadd.f32 v44, v2;
	v3 =	vadd.f32 v45, v3;
	[tilespmem:$0x1FB70] =	vst v1;
	v1 =	vld [tilespmem:s28+$0x320];
	v16 =	vimm.s32 $0xE  }
0x237: {  	v33 =	vld [tilespmem:s28+$0x240];
	v17 =	vperm.xlane v39, v16  }
0x238: {  	[tilespmem:$0x1FCB0] =	vst v2;
	v2 =	vadd.f32 v43, v3;
	v3 =	vld [tilespmem:s28+$0x330]  }
0x239: {  	v35 =	vld [tilespmem:s28+$0x250];
	v0 =	vmul.f32 v0, v17  }
0x23a: {  	v4 =	vld [tilespmem:s28+$0x340]  }
0x23b: {  	v36 =	vld [tilespmem:s28+$0x180];
	[tilespmem:$0x1FCD0] =	vst v0;
	v0 =	vmul.f32 v1, v17  }
0x23c: {  	v5 =	vld [tilespmem:s28+$0x350]  }
0x23d: {  	v40 =	vld [tilespmem:s28+$0x190];
	[tilespmem:$0x1FCE0] =	vst v0;
	v0 =	vmul.f32 v3, v17  }
0x23e: {  	v41 =	vld [tilespmem:s28+$0x1A0]  }
0x23f: {  	v18 =	vimm.s32 $0xC;
	v46 =	vld [tilespmem:s28+$0x1B0];
	[tilespmem:$0x1FCF0] =	vst v0;
	v0 =	vmul.f32 v4, v17  }
0x240: {  	v19 =	vperm.xlane v39, v18;
	v18 =	vimm.s32 $0xD;
	v47 =	vld [tilespmem:s28+$0x1C0]  }
0x241: {  	v18 =	vperm.xlane v39, v18;
	v49 =	vld [tilespmem:s28+$0x1D0];
	[tilespmem:$0x1FBC0] =	vst v0;
	v0 =	vmul.f32 v5, v17  }
0x242: {  	v50 =	vld [tilespmem:s28+$0x100]  }
0x243: {  	v58 =	vld [tilespmem:s28+$0x110];
	[tilespmem:$0x1FC00] =	vst v0;
	v0 =	vmul.f32 v13, v18  }
0x244: {  	v59 =	vld [tilespmem:s28+$0x120]  }
0x245: {  	v60 =	vld [tilespmem:s28+$0x130];
	[tilespmem:$0x1FB90] =	vst v0;
	v0 =	vmul.f32 v14, v18  }
0x246: {  	v61 =	vld [tilespmem:s28+$0x140]  }
0x247: {  	v52 =	vimm.s32 $0x4;
	v56 =	vimm.s32 $0x0;
	v62 =	vld [tilespmem:s28+$0x150];
	[tilespmem:$0x1FD00] =	vst v0;
	v0 =	vmul.f32 v21, v18  }
0x248: {  	v53 =	vimm.s32 $0x5;
	v42 =	vperm.xlane v39, v56;
	v34 =	vperm.xlane v39, v52;
	v48 =	vld [tilespmem:s28+$0xB0]  }
0x249: {  	v32 =	vperm.xlane v39, v53;
	v20 =	vimm.s32 $0xA;
	v51 =	vld [tilespmem:s28+$0x0];
	[tilespmem:$0x1FBA0] =	vst v0;
	v0 =	vmul.f32 v22, v18  }
0x24a: {  	v28 =	vimm.s32 $0x6;
	v23 =	vperm.xlane v39, v20;
	v20 =	vimm.s32 $0xB;
	v52 =	vld [tilespmem:s28+$0x10]  }
0x24b: {  	v20 =	vperm.xlane v39, v20;
	v55 =	vimm.s32 $0x3;
	v53 =	vld [tilespmem:s28+$0x20];
	[tilespmem:$0x1FB80] =	vst v0;
	v0 =	vmul.f32 v35, v19  }
0x24c: {  	v29 =	vperm.xlane v39, v28;
	v37 =	vperm.xlane v39, v55;
	v55 =	vld [tilespmem:s28+$0x50]  }
0x24d: {  	v28 =	vimm.s32 $0x7;
	v56 =	vld [tilespmem:s28+$0xFFFFFF80];
	v16 =	vimm.s32 $0xF;
	[tilespmem:$0x1FD10] =	vst v0;
	v0 =	vmul.f32 v49, v20  }
0x24e: {  	v28 =	vperm.xlane v39, v28;
	v54 =	vimm.s32 $0x2;
	v44 =	vld [tilespmem:s28+$0x90];
	v16 =	vperm.xlane v39, v16  }
0x24f: {  	v24 =	vimm.s32 $0x8;
	v38 =	vperm.xlane v39, v54;
	v54 =	vld [tilespmem:s28+$0x30];
	[tilespmem:$0x1FC30] =	vst v0;
	v0 =	vmul.f32 v50, v23  }
0x250: {  	v27 =	vperm.xlane v39, v24;
	v24 =	vimm.s32 $0x9;
	v45 =	vld [tilespmem:s28+$0xA0];
	[tilespmem:$0x1FB60] =	vst v2;
	v12 =	vmul.f32 v12, v16  }
0x251: {  	v24 =	vperm.xlane v39, v24;
	v11 =	vld [tilespmem:s28+$0x280];
	[tilespmem:$0x1FC10] =	vst v0;
	v0 =	vmul.f32 v58, v23  }
0x252: {  	v43 =	vld [tilespmem:s28+$0x80];
	v63 =	vmul.f32 v15, v18;
	v7 =	vmul.f32 v7, v16;
	[tilespmem:$0x1FC70] =	vst v12  }
0x253: {  	v57 =	vimm.s32 $0x1;
	v15 =	vmul.f32 v30, v19;
	v2 =	vld [tilespmem:s28+$0x300];
	[tilespmem:$0x1FC20] =	vst v0;
	v0 =	vmul.f32 v59, v23  }
0x254: {  	v39 =	vperm.xlane v39, v57;
	v57 =	vld [tilespmem:s28+$0xFFFFFF90];
	[tilespmem:$0x1FC80] =	vst v7;
	v7 =	vmul.f32 v9, v16  }
0x255: {  	v30 =	vmul.f32 v44, v24;
	v44 =	vld [tilespmem:s28+$0xFFFFFD90];
	[tilespmem:$0x1FC40] =	vst v0;
	v0 =	vmul.f32 v60, v23  }
0x256: {  	[tilespmem:$0x1FC90] =	vst v7;
	v7 =	vmul.f32 v8, v16;
	v14 =	vld [tilespmem:s28+$0x40]  }
0x257: {  	v9 =	vld [tilespmem:s28+$0xC0];
	[tilespmem:$0x1FC50] =	vst v0;
	v0 =	vmul.f32 v61, v23  }
0x258: {  	v12 =	vmul.f32 v41, v20;
	v41 =	vld [tilespmem:s28+$0xFFFFFE90];
	v2 =	vmul.f32 v2, v17;
	[tilespmem:$0x1FCA0] =	vst v7  }
0x259: {  	v7 =	vmul.f32 v10, v16;
	v10 =	vld [tilespmem:s28+$0xD0];
	[tilespmem:$0x1FBD0] =	vst v0;
	v0 =	vmul.f32 v48, v24  }
0x25a: {  	[tilespmem:$0x1FCC0] =	vst v2;
	v2 =	vmul.f32 v31, v19;
	v31 =	vmul.f32 v54, v27;
	v54 =	vld [tilespmem:s28+$0xFFFFFC20]  }
0x25b: {  	v6 =	vmul.f32 v6, v16;
	[tilespmem:$0x1FBF0] =	vst v0;
	v0 =	vmul.f32 v14, v27;
	v14 =	vld [tilespmem:s28+$0xFFFFFC00]  }
0x25c: {  	v1 =	vmul.f32 v11, v18;
	v11 =	vmul.f32 v40, v20;
	v40 =	vld [tilespmem:s28+$0xFFFFFE80]  }
0x25d: {  	[tilespmem:$0x1FD70] =	vst v0;
	v0 =	vld [tilespmem:$0x1FB20]  }
0x25e: {  	[tilespmem:$0x1FC60] =	vst v6;
	v6 =	vmul.f32 v9, v24;
	v9 =	vld [tilespmem:s28+$0xFFFFFD10]  }
0x25f: {  	[tilespmem:$0x1FBE0] =	vst v7;
	v7 =	vmul.f32 v55, v27;
	v55 =	vld [tilespmem:s28+$0xFFFFFC30]  }
0x260: {  	v60 =	vmul.f32 v53, v27;
	v53 =	vld [tilespmem:s28+$0xFFFFFC10];
	v14 =	vmul.f32 v14, v42  }
0x261: {  	v3 =	vmul.f32 v10, v24;
	v10 =	vld [tilespmem:s28+$0xFFFFFC80];
	v5 =	vmul.f32 v26, v19  }
0x262: {  	v26 =	vmul.f32 v62, v23;
	v62 =	vmul.f32 v45, v24;
	v14 =	vadd.f32 v14, v0;
	v0 =	vld [tilespmem:$0x1FB30]  }
0x263: {  	v45 =	vld [tilespmem:s28+$0xFFFFFD00];
	v21 =	vmul.f32 v33, v19;
	v33 =	vmul.f32 v52, v27  }
0x264: {  	v52 =	vmul.f32 v57, v28;
	v57 =	vld [tilespmem:s28+$0xFFFFFCB0];
	v22 =	vmul.f32 v51, v27  }
0x265: {  	v51 =	vmul.f32 v56, v28;
	v56 =	vld [tilespmem:s28+$0xFFFFFCA0];
	v53 =	vmul.f32 v53, v42  }
0x266: {  	v48 =	vld [tilespmem:s28+$0xFFFFFC90]  }
0x267: {  	v44 =	vmul.f32 v44, v37;
	v8 =	vmul.f32 v36, v20;
	v53 =	vadd.f32 v53, v0;
	v0 =	vld [tilespmem:$0x1FB40]  }
0x268: {  	v41 =	vmul.f32 v41, v32;
	v4 =	vmul.f32 v47, v20;
	v35 =	vld [tilespmem:s28+$0xFFFFFF00]  }
0x269: {  	v54 =	vmul.f32 v54, v42;
	v40 =	vmul.f32 v40, v32;
	v49 =	vld [tilespmem:s28+$0xFFFFFD80]  }
0x26a: {  	v9 =	vmul.f32 v9, v38;
	v55 =	vmul.f32 v55, v42;
	v58 =	vld [tilespmem:s28+$0xFFFFFE00]  }
0x26b: {  	v13 =	vmul.f32 v25, v19;
	v25 =	vmul.f32 v46, v20;
	v59 =	vld [tilespmem:s28+$0xFFFFFE10]  }
0x26c: {  	v10 =	vmul.f32 v10, v39;
	v48 =	vmul.f32 v48, v39;
	v54 =	vadd.f32 v54, v0;
	v0 =	vld [tilespmem:$0x1FB50]  }
0x26d: {  	v45 =	vmul.f32 v45, v38;
	v57 =	vmul.f32 v57, v39;
	v50 =	vld [tilespmem:s28+$0xFFFFFD30]  }
0x26e: {  	v61 =	vmul.f32 v43, v24;
	v43 =	vld [tilespmem:s28+$0xFFFFFD20];
	v10 =	vadd.f32 v10, v14;
	v14 =	vadd.f32 v48, v53  }
0x26f: {  	v49 =	vmul.f32 v49, v37;
	v46 =	vmul.f32 v58, v34;
	v58 =	vld [tilespmem:s28+$0xFFFFFDA0]  }
0x270: {  	v47 =	vmul.f32 v59, v34;
	v59 =	vld [tilespmem:s28+$0xFFFFFDB0];
	v10 =	vadd.f32 v45, v10;
	v9 =	vadd.f32 v9, v14  }
0x271: {  	v56 =	vmul.f32 v56, v39;
	v35 =	vmul.f32 v35, v29;
	v48 =	vld [tilespmem:s28+$0xFFFFFE30];
	v55 =	vadd.f32 v55, v0  }
0x272: {  	v50 =	vmul.f32 v50, v38;
	v10 =	vadd.f32 v49, v10;
	v9 =	vadd.f32 v44, v9;
	v0 =	vld [tilespmem:s28+$0xFFFFFE20]  }
0x273: {  	v43 =	vmul.f32 v43, v38;
	v53 =	vadd.f32 v56, v54;
	v54 =	vadd.f32 v57, v55;
	v57 =	vmovc v63;
	v63 =	vld [tilespmem:s28+$0xFFFFFEA0]  }
0x274: {  	v45 =	vld [tilespmem:s28+$0xFFFFFEB0];
	v10 =	vadd.f32 v46, v10;
	v14 =	vmul.f32 v58, v37;
	v58 =	vmovc v7;
	v9 =	vadd.f32 v47, v9  }
0x275: {  	v36 =	vld [tilespmem:s28+$0xFFFFFF10];
	v7 =	vmovc v2;
	v43 =	vadd.f32 v43, v53;
	v2 =	vadd.f32 v50, v54;
	v50 =	vmul.f32 v59, v37  }
0x276: {  	v10 =	vadd.f32 v40, v10;
	v44 =	vld [tilespmem:s28+$0xFFFFFF30];
	v48 =	vmul.f32 v48, v34;
	v9 =	vadd.f32 v41, v9  }
0x277: {  	v41 =	vld [tilespmem:s28+$0xFFFFFFD0];
	v14 =	vadd.f32 v14, v43;
	v0 =	vmul.f32 v0, v34;
	v43 =	vadd.f32 v50, v2  }
0x278: {  	v10 =	vadd.f32 v35, v10;
	v47 =	vld [tilespmem:s28+$0xFFFFFFB0];
	v63 =	vmul.f32 v63, v32  }
0x279: {  	v54 =	vld [tilespmem:s28+$0xFFFFFF20];
	v0 =	vadd.f32 v0, v14;
	v14 =	vadd.f32 v48, v43;
	v48 =	vmul.f32 v45, v32  }
0x27a: {  	v49 =	vld [tilespmem:s28+$0xFFFFFFA0];
	v59 =	vmov v4;
	v4 =	vmov v13;
	v13 =	vadd.f32 v51, v10  }
0x27b: {  	v46 =	vld [tilespmem:s28+$0xFFFFFEC0];
	v0 =	vadd.f32 v63, v0;
	v63 =	vmul.f32 v44, v29;
	v14 =	vadd.f32 v48, v14  }
0x27c: {  	v35 =	vld [tilespmem:s28+$0xFFFFFF50];
	v10 =	vmul.f32 v41, v28  }
0x27d: {  	v41 =	vadd.f32 v22, v13;
	v13 =	vld [tilespmem:$0x1FBF0];
	v14 =	vadd.f32 v63, v14;
	v63 =	vmul.f32 v47, v28  }
0x27e: {  	v36 =	vmul.f32 v36, v29;
	v43 =	vld [tilespmem:s28+$0xFFFFFED0];
	v40 =	vmul.f32 v54, v29  }
0x27f: {  	v56 =	vld [tilespmem:$0x1FB60];
	v63 =	vadd.f32 v63, v14  }
0x280: {  	v53 =	vld [tilespmem:$0x1FB70];
	v9 =	vadd.f32 v36, v9;
	v36 =	vmul.f32 v49, v28;
	v49 =	vmovc v3;
	v0 =	vadd.f32 v40, v0  }
0x281: {  	v3 =	vmovc v25;
	v25 =	vld [tilespmem:s28+$0xFFFFFCC0];
	v50 =	vmovc v6;
	v6 =	vmov v15;
	v15 =	vmul.f32 v35, v29;
	v35 =	vadd.f32 v31, v63  }
0x282: {  	v51 =	vld [tilespmem:$0x1FBA0];
	v0 =	vadd.f32 v36, v0  }
0x283: {  	v36 =	vadd.f32 v61, v41;
	v61 =	vmul.f32 v43, v32;
	v43 =	vadd.f32 v13, v35;
	v13 =	vld [tilespmem:$0x1FC10]  }
0x284: {  	v44 =	vld [tilespmem:s28+$0xFFFFFF40]  }
0x285: {  	v2 =	vld [tilespmem:$0x1FB90]  }
0x286: {  	v45 =	vld [tilespmem:s28+$0xFFFFFFC0]  }
0x287: {  	v54 =	vld [tilespmem:$0x1FB80];
	v48 =	vadd.f32 v52, v9  }
0x288: {  	v35 =	vadd.f32 v13, v36;
	v13 =	vld [tilespmem:$0x1FC20]  }
0x289: {  	v52 =	vld [tilespmem:$0x1FBB0];
	v14 =	vmul.f32 v44, v29;
	v44 =	vadd.f32 v33, v48  }
0x28a: {  	v40 =	vld [tilespmem:s28+$0xFFFFFE50]  }
0x28b: {  	v47 =	vmov v26;
	v26 =	vld [tilespmem:s28+$0xFFFFFD50];
	v41 =	vadd.f32 v30, v44  }
0x28c: {  	v9 =	vmul.f32 v45, v28;
	v45 =	vld [tilespmem:s28+$0xFFFFFE40]  }
0x28d: {  	v36 =	vadd.f32 v13, v41;
	v13 =	vld [tilespmem:$0x1FC40]  }
0x28e: {  	v48 =	vld [tilespmem:$0x1FBC0];
	v0 =	vadd.f32 v60, v0  }
0x28f: {  	v33 =	vld [tilespmem:s28+$0xFFFFFDC0]  }
0x290: {  	v60 =	vmul.f32 v46, v32;
	v46 =	vld [tilespmem:$0x1FBD0];
	v0 =	vadd.f32 v62, v0  }
0x291: {  	v31 =	vld [tilespmem:s28+$0xFFFFFDD0]  }
0x292: {  	p0 =	sne.s32 s30, $0xC0;
	v55 =	vmov v21;
	v21 =	vadd.f32 v13, v0;
	v0 =	vld [tilespmem:$0x1FC50]  }
.Ltmp1:
0x293: {  	v44 =	vld [tilespmem:$0x1FBE0];
	(pc) =	sbr.rel @p0 .LBB2_5-.Ltmp1, $4  }
0x294: {  	v30 =	vld [tilespmem:s28+$0xFFFFFD40]  }
0x295: {  	v62 =	vmul.f32 v45, v34;
	v45 =	vld [tilespmem:$0x1FC00]  }
0x296: {  	v41 =	vld [tilespmem:$0x1FC30]  }
0x297: {  	s30 =	sadd.s32 $0x10, s30;
	v63 =	vmul.f32 v40, v34;
	v22 =	vadd.f32 v0, v43;
	v43 =	vld [tilespmem:$0x1FC60]  }
0x298: {  	v0 =	vadd.f32 v8, v35;
	v8 =	vadd.f32 v11, v36;
	_ =	sdelay $0x1  }
0x299: {  	v0 =	vadd.f32 v4, v0;
	v5 =	vadd.f32 v5, v8;
	_ =	sdelay $0x1  }
0x29a: {  	v0 =	vadd.f32 v1, v0;
	v1 =	vadd.f32 v2, v5;
	v2 =	vld [tilespmem:$0x1FD00]  }
0x29b: {  	v11 =	vadd.f32 v12, v21;
	_ =	sdelay $0x1  }
0x29c: {  	v6 =	vadd.f32 v6, v11;
	_ =	sdelay $0x1  }
0x29d: {  	v2 =	vadd.f32 v2, v6;
	v6 =	vld [tilespmem:$0x1FCC0]  }
0x29e: {  	v35 =	vadd.f32 v3, v22  }
0x29f: {  	v40 =	vld [tilespmem:$0x1FC70]  }
0x2a0: {  	v7 =	vadd.f32 v7, v35;
	_ =	sdelay $0x1  }
0x2a1: {  	v3 =	vadd.f32 v57, v7;
	v7 =	vld [tilespmem:$0x1FCD0];
	v0 =	vadd.f32 v6, v0;
	_ =	sdelay $0x1  }
0x2a2: {  	v12 =	vadd.f32 v40, v0;
	v0 =	vld [tilespmem:$0x1FC80];
	_ =	sdelay $0x2  }
0x2a3: {  	v1 =	vadd.f32 v7, v1;
	v7 =	vld [tilespmem:$0x1FCE0];
	_ =	sdelay $0x1  }
0x2a4: {  	v1 =	vadd.f32 v0, v1;
	v0 =	vld [tilespmem:$0x1FC90];
	_ =	sdelay $0x1  }
0x2a5: {  	v36 =	vld [tilespmem:$0x1FCF0]  }
0x2a6: {  	v5 =	vld [tilespmem:s28+$0xFFFFFC60];
	v2 =	vadd.f32 v7, v2  }
0x2a7: {  	v6 =	vld [tilespmem:s28+$0xFFFFFC70]  }
0x2a8: {  	v2 =	vadd.f32 v0, v2;
	v0 =	vld [tilespmem:$0x1FCA0];
	_ =	sdelay $0x1  }
0x2a9: {  	v8 =	vld [tilespmem:s28+$0xFFFFFC40]  }
0x2aa: {  	v11 =	vld [tilespmem:s28+$0xFFFFFC50];
	v3 =	vadd.f32 v36, v3;
	_ =	sdelay $0x1  }
0x2ab: {  	v0 =	vadd.f32 v0, v3;
	v3 =	vmul.f32 v5, v42;
	v5 =	vmul.f32 v6, v42;
	v6 =	vld [tilespmem:$0x1FCB0]  }
0x2ac: {  	v4 =	vld [tilespmem:s28+$0xFFFFFCD0]  }
0x2ad: {  	v7 =	vld [tilespmem:s28+$0xFFFFFCE0]  }
0x2ae: {  	v8 =	vmul.f32 v8, v42;
	v11 =	vmul.f32 v11, v42  }
0x2af: {  	v13 =	vld [tilespmem:s28+$0xFFFFFCF0]  }
0x2b0: {  	v6 =	vadd.f32 v8, v6;
	v8 =	vadd.f32 v11, v56;
	v11 =	vld [tilespmem:s28+$0xFFFFFD60]  }
0x2b1: {  	v21 =	vmul.f32 v25, v39;
	v22 =	vld [tilespmem:s28+$0xFFFFFD70];
	v4 =	vmul.f32 v4, v39  }
0x2b2: {  	v25 =	vld [tilespmem:s28+$0xFFFFFDE0];
	v7 =	vmul.f32 v7, v39;
	v3 =	vadd.f32 v3, v53  }
0x2b3: {  	v6 =	vadd.f32 v21, v6;
	v21 =	vmul.f32 v30, v38;
	v4 =	vadd.f32 v4, v8;
	v8 =	vld [tilespmem:s28+$0xFFFFFDF0]  }
0x2b4: {  	v13 =	vmul.f32 v13, v39;
	v5 =	vadd.f32 v5, v52;
	v52 =	vld [tilespmem:s28+$0xFFFFFE60]  }
0x2b5: {  	v3 =	vadd.f32 v7, v3;
	v6 =	vadd.f32 v21, v6;
	v21 =	vld [tilespmem:s28+$0xFFFFFE70];
	v11 =	vmul.f32 v11, v38  }
0x2b6: {  	v22 =	vmul.f32 v22, v38;
	v5 =	vadd.f32 v13, v5  }
0x2b7: {  	v7 =	vmul.f32 v26, v38;
	v3 =	vadd.f32 v11, v3;
	v11 =	vmul.f32 v25, v37;
	v25 =	vld [tilespmem:s28+$0xFFFFFEF0]  }
0x2b8: {  	v26 =	vmul.f32 v33, v37;
	v5 =	vadd.f32 v22, v5;
	v8 =	vmul.f32 v8, v37  }
0x2b9: {  	v53 =	vld [tilespmem:s28+$0xFFFFFF70];
	v30 =	vmul.f32 v31, v37;
	v3 =	vadd.f32 v11, v3;
	v11 =	vmul.f32 v52, v34  }
0x2ba: {  	v4 =	vadd.f32 v7, v4;
	v7 =	vld [tilespmem:s28+$0xFFFFFEE0];
	v5 =	vadd.f32 v8, v5;
	v8 =	vmul.f32 v21, v34  }
0x2bb: {  	v6 =	vadd.f32 v26, v6;
	v3 =	vadd.f32 v11, v3;
	v11 =	vld [tilespmem:s28+$0xFFFFFFF0]  }
0x2bc: {  	v22 =	vld [tilespmem:s28+$0xFFFFFF60];
	v4 =	vadd.f32 v30, v4;
	v5 =	vadd.f32 v8, v5;
	v8 =	vmul.f32 v25, v32  }
0x2bd: {  	v6 =	vadd.f32 v62, v6  }
0x2be: {  	v4 =	vadd.f32 v63, v4;
	v21 =	vld [tilespmem:s28+$0xFFFFFFE0];
	v5 =	vadd.f32 v8, v5;
	v8 =	vmul.f32 v53, v29  }
0x2bf: {  	v7 =	vmul.f32 v7, v32;
	v6 =	vadd.f32 v60, v6;
	v25 =	vld [tilespmem:s28+$0x60]  }
0x2c0: {  	v4 =	vadd.f32 v61, v4;
	v5 =	vadd.f32 v8, v5;
	v8 =	vmul.f32 v11, v28;
	v11 =	vld [tilespmem:$0x1FD70]  }
0x2c1: {  	v56 =	vld [tilespmem:s28+$0x70];
	v6 =	vadd.f32 v14, v6;
	v3 =	vadd.f32 v7, v3;
	v7 =	vmul.f32 v22, v29  }
0x2c2: {  	v57 =	vld [tilespmem:s28+$0xE0];
	v4 =	vadd.f32 v15, v4  }
0x2c3: {  	v6 =	vadd.f32 v9, v6;
	v9 =	vld [tilespmem:s28+$0xF0];
	v3 =	vadd.f32 v7, v3;
	v7 =	vmul.f32 v21, v28  }
0x2c4: {  	v4 =	vadd.f32 v10, v4;
	v10 =	vld [tilespmem:s28+$0x160]  }
0x2c5: {  	v3 =	vadd.f32 v7, v3;
	v7 =	vmul.f32 v25, v27;
	v6 =	vadd.f32 v11, v6;
	v11 =	vld [tilespmem:s28+$0x170]  }
0x2c6: {  	v5 =	vadd.f32 v8, v5;
	v8 =	vmul.f32 v56, v27  }
0x2c7: {  	v61 =	vld [tilespmem:s28+$0x1F0];
	v3 =	vadd.f32 v7, v3;
	v7 =	vmul.f32 v57, v24  }
0x2c8: {  	v5 =	vadd.f32 v8, v5;
	v8 =	vmul.f32 v9, v24  }
0x2c9: {  	v3 =	vadd.f32 v7, v3;
	v7 =	vmul.f32 v10, v23;
	v10 =	vld [tilespmem:s28+$0x270]  }
0x2ca: {  	v5 =	vadd.f32 v8, v5;
	v8 =	vmul.f32 v11, v23  }
0x2cb: {  	v60 =	vld [tilespmem:s28+$0x1E0];
	v4 =	vadd.f32 v58, v4  }
0x2cc: {  	v6 =	vadd.f32 v50, v6;
	v5 =	vadd.f32 v8, v5;
	v8 =	vmul.f32 v61, v20  }
0x2cd: {  	v4 =	vadd.f32 v49, v4;
	v9 =	vld [tilespmem:s28+$0x260]  }
0x2ce: {  	v6 =	vadd.f32 v46, v6;
	v5 =	vadd.f32 v8, v5;
	v8 =	vmul.f32 v10, v19;
	v10 =	vld [tilespmem:$0x1FD10]  }
0x2cf: {  	v4 =	vadd.f32 v47, v4;
	v11 =	vld [tilespmem:s28+$0x2E0]  }
0x2d0: {  	v62 =	vld [tilespmem:s28+$0x2F0];
	v3 =	vadd.f32 v7, v3;
	v7 =	vmul.f32 v60, v20;
	v6 =	vadd.f32 v59, v6  }
0x2d1: {  	v63 =	vld [tilespmem:s28+$0x360];
	v4 =	vadd.f32 v41, v4  }
0x2d2: {  	v3 =	vadd.f32 v7, v3;
	v7 =	vmul.f32 v9, v19;
	v9 =	vld [tilespmem:s28+$0x370];
	v6 =	vadd.f32 v55, v6  }
0x2d3: {  	v28 =	vimm.s32 $0x9;
	v27 =	vimm.s32 $0xB;
	v4 =	vadd.f32 v10, v4;
	v10 =	vld [tilespmem:s28+$0x3E0]  }
0x2d4: {  	v3 =	vadd.f32 v7, v3;
	v7 =	vmul.f32 v11, v18;
	v6 =	vadd.f32 v51, v6;
	v11 =	vld [tilespmem:s28+$0x3F0]  }
0x2d5: {  	v5 =	vadd.f32 v8, v5;
	v8 =	vmul.f32 v62, v18;
	v4 =	vadd.f32 v54, v4  }
0x2d6: {  	v3 =	vadd.f32 v7, v3;
	v6 =	vadd.f32 v48, v6;
	v7 =	vmul.f32 v63, v17;
	[tilespmem:$0x1D080] =	vst v12  }
0x2d7: {  	v5 =	vadd.f32 v8, v5;
	v8 =	vmul.f32 v9, v17;
	[tilespmem:$0x1D090] =	vst v1;
	v4 =	vadd.f32 v45, v4  }
0x2d8: {  	s23 =	sadd.s32 $0x1, s23;
	v1 =	vadd.f32 v7, v3;
	v3 =	vadd.f32 v44, v6;
	[tilespmem:$0x1D0A0] =	vst v2;
	v2 =	vmul.f32 v10, v16  }
0x2d9: {  	p0 =	sne.s32 s23, $0x40;
	[tilespmem:$0x1D0B0] =	vst v0;
	v5 =	vadd.f32 v8, v5;
	v6 =	vmul.f32 v11, v16;
	v4 =	vadd.f32 v43, v4  }
.Ltmp2:
0x2da: {  	s0 =	sshll.u32 s24, $0x4;
	v24 =	vimm.s32 $0x8;
	v23 =	vimm.s32 $0xD;
	[tilespmem:$0x1D0C0] =	vst v3;
	v0 =	vadd.f32 v2, v1;
	(pc) =	sbr.rel @p0 .LBB2_2-.Ltmp2, $4  }
0x2db: {  	s0 =	sand.u32 $0x70, s0;
	v20 =	vimm.s32 $0xA;
	v19 =	vimm.s32 $0xF;
	v1 =	vadd.f32 v6, v5;
	[tilespmem:$0x1D0D0] =	vst v4  }
0x2dc: {  	s0 =	sadd.s32 s3, s0;
	v18 =	vimm.s32 $0xC;
	v7 =	vimm.s32 $0x5;
	v8 =	vimm.s32 $0x6;
	[tilespmem:$0x1D0E0] =	vst v0  }
0x2dd: {  	s0 =	sadd.s32 s26, s0;
	v3 =	vimm.s32 $0x3;
	v16 =	vimm.s32 $0xE;
	v2 =	vimm.s32 $0x2;
	[tilespmem:$0x1D0F0] =	vst v1  }
0x2de: {  	v5 =	vimm.s32 $0x4;
	v0 =	vimm.s32 $0x0;
	v1 =	vimm.s32 $0x1;
	[hbm4b:s0+s4] =	stream.linear.scatter [tilespmem:s20], [sflag:$0x3], $0x80, $0x38;
	[tilespmem:$0x1D100] =	vst v63  }
0x2df: {  	s22 =	sadd.s32 $0x1, s22  }
0x2e0: {  	_ =	swait.ge [sflag:s21], $0x80;
	p0 =	sne.s32 s22, s8  }
.Ltmp3:
0x2e1: {  	[sflag:s21] =	ssyncset.done $0x0;
	(pc) =	sbr.rel @p0 .LBB2_1-.Ltmp3, $4  }
0x2e2: {  	[sflag:s21] =	ssyncadd.s32 $0xFFFFFF80  }
0x2e3: {  	_ =	swait.ge [sflag:s21], $0x80  }
0x2e4: {  	[sflag:s21] =	ssyncset.done $0x0  }
0x2e5: {  	[sflag:s21] =	ssyncadd.s32 $0xFFFFFF80  }
0x2e6: {  	_ =	sfence.sel $0x180000  }
0x2e7: {  	[bflag:$0x0] =	sbarrier.arrive $0xFFFF  }
0x2e8: {  	_ =	strace $0x90000047  }
0x2e9: {  	s0 =	stileid.u32;
	[bflag:$0x2] =	sbarrier.arrive $0xFFFF  }
0x2ea: {  	p0 =	sne.s32 s0, $0x0;
	s0 =	rddreg [dreg:$0x3]  }
0x2eb: {  	s0 =	sadd.s32 @!p0 $0x100000, s0  }
0x2ec: {  	[sflag:s0] =	ssyncadd.tile.s32 @!p0 $0x1;
	_ =	shalt  }
.Lfunc_end2:
_tile_overlayer_lowered:
.L_overlay_start_2:
0x2ed: {  	(tag) =	ssettag $0x2  }
0x2ee: {  	s0 =	rddreg [dreg:$0x0];
	s2 =	stileid.u32  }
0x2ef: {  	s1 =	rddreg [dreg:$0x1];
	p0 =	sne.s32 s2, $0x0  }
0x2f0: {  	s3 =	rddreg [dreg:$0x2];
	[bflag:$0x3] =	sbarrier.arrive $0xFFFF;
	s2 =	simm.s32 @!p0 $0x1C04  }
0x2f1: {  	[timem:s3], [sflag:s2] =	dma.local @!p0 [hbm:s0], s1  }
0x2f2: {  	s0 =	simm.s32 @!p0 $0x4  }
0x2f3: {  	_ =	swait.ge @!p0 [sflag:s0], s1  }
0x2f4: {  	s1 =	ssub.s32 @!p0 $0x0, s1;
	[sflag:s0] =	ssyncset.done @!p0 $0x0  }
0x2f5: {  	[sflag:s0] =	ssyncadd.s32 @!p0 s1  }
0x2f6: {  	[bflag:$0x3] =	sbarrier.arrive $0xFFFF  }
0x2f7: {  	_ =	shalt  }

</sc_bundles>
